<compile_context>
chip_gen: v7x
topology: tpu7x:2x2x1
jax: 0.10.2.dev20260603
libtpu: 0.0.44.dev20260713+nightly
codegen_flags: <defaults>
</compile_context>

<pallas_src>
import functools

import jax
import jax.numpy as jnp
from jax import lax
from jax.experimental import pallas as pl
from jax.experimental.pallas import tpu as pltpu
from jax.experimental.pallas import tpu_sc as plsc

L = 16
NC = 2
NS = 16
NW = NC * NS


def _sc_gather_t(idx_t, table_t, n_rows, d):
    rows, cols = idx_t.shape
    cw = cols // NW
    rb = 8
    hw = cw // 2
    nblk = rows // rb
    total = 2 * nblk
    assert rows % rb == 0 and cols % NW == 0 and hw % L == 0

    mesh = plsc.VectorSubcoreMesh(core_axis_name="c", subcore_axis_name="s")

    @functools.partial(
        pl.kernel,
        out_type=jax.ShapeDtypeStruct((d, rows, cols), jnp.float32),
        mesh=mesh,
        scratch_types=[
            pltpu.VMEM((d, n_rows), jnp.float32),
            pltpu.VMEM((rb, hw), jnp.int32),
            pltpu.VMEM((rb, hw), jnp.int32),
            pltpu.VMEM((d, rb, hw), jnp.float32),
            pltpu.VMEM((d, rb, hw), jnp.float32),
            pltpu.SemaphoreType.DMA,
            pltpu.SemaphoreType.DMA,
            pltpu.SemaphoreType.DMA,
            pltpu.SemaphoreType.DMA,
        ],
        compiler_params=pltpu.CompilerParams(
            needs_layout_passes=False,
            use_tc_tiling_on_sc=True,
        ),
    )
    def k(idx_hbm, table_hbm, out_hbm, table_v,
          idx_v0, idx_v1, out_v0, out_v1, si0, si1, so0, so1):
        wid = lax.axis_index("s") * NC + lax.axis_index("c")
        i0 = wid * cw
        idx_vs, out_vs = (idx_v0, idx_v1), (out_v0, out_v1)
        sis, sos = (si0, si1), (so0, so1)
        pltpu.sync_copy(table_hbm, table_v)
        nvec = hw // L

        def idx_src(m):
            return idx_hbm.at[pl.ds((m // 2) * rb, rb),
                              pl.ds(i0 + (m % 2) * hw, hw)]

        def issue_idx(m, b):
            return pltpu.async_copy(idx_src(m), idx_vs[b], sis[b])

        def wait_idx(m, b):
            pltpu.make_async_copy(idx_src(m), idx_vs[b], sis[b]).wait()

        def drain_out(b):
            pltpu.make_async_copy(
                out_hbm.at[pl.ds(0, d), pl.ds(0, rb), pl.ds(0, hw)],
                out_vs[b], sos[b]).wait()

        def compute(b):
            @plsc.parallel_loop(0, rb * nvec, unroll=4)
            def vec_body(m):
                jj = m // nvec
                kk = (m % nvec) * L
                idxv = idx_vs[b][jj, pl.ds(kk, L)]
                for dd in range(d):
                    dvec = jnp.full((L,), dd, jnp.int32)
                    v = plsc.load_gather(table_v, [dvec, idxv])
                    out_vs[b][dd, jj, pl.ds(kk, L)] = v

        def issue_out(m, b):
            j0 = (m // 2) * rb
            ic = i0 + (m % 2) * hw
            for dd in range(d):
                pltpu.async_copy(out_vs[b].at[dd],
                                 out_hbm.at[dd, pl.ds(j0, rb), pl.ds(ic, hw)],
                                 sos[b])

        issue_idx(0, 0)
        issue_idx(1, 1)

        for m in range(2):
            wait_idx(m, m)
            compute(m)
            issue_out(m, m)
            issue_idx(m + 2, m)

        @pl.loop(2, total, step=2)
        def ring(t):
            for b in range(2):
                m = t + b
                wait_idx(m, b)
                drain_out(b)
                compute(b)
                issue_out(m, b)

                @pl.when(m + 2 < total)
                def _():
                    issue_idx(m + 2, b)

        drain_out(0)
        drain_out(1)

    return k(idx_t, table_t)


def kernel(index, table):
    n_rows, d = table.shape
    out_t = _sc_gather_t(index.T, table.T, n_rows, d)
    return out_t.transpose(2, 1, 0)

# --- scband reference (transcript-rebuilt; emitter-appended) ---
"""Pipeline reference for scband-net-gather-17265768530569 (READ-ONLY COPY).

The authoritative reference and input builder live on the scoring server;
editing this copy changes nothing except your own understanding.
"""

import jax, jax.numpy as jnp
import numpy as np


def setup_inputs(seed: int = 0) -> dict:
    key = jax.random.key(seed)
    k1, k2 = jax.random.split(key)
    index = jax.random.randint(k1, (16384, 200), 0, 100, dtype=jnp.int64 if jax.config.jax_enable_x64 else jnp.int32).astype(jnp.int32)
    table = jax.random.normal(k2, (100, 9), dtype=jnp.float32)
    return {"index": index, "table": table}


def reference(index, table):
    # Faithful translation of: return self.input[index]
    return jnp.take(table, index, axis=0)

if __name__ == "__main__":
    import jax
    _d = setup_inputs()
    print(jax.jit(kernel)(*tuple(_d.values())))

</pallas_src>

<mosaic_0001>
#map = affine_map<(d0, d1) -> (0, 0)>
#map1 = affine_map<(d0, d1) -> (0, 0, 0)>
module attributes {stable_mosaic.version = 14 : i64} {
  func.func @k(%arg0: i32, %arg1: i32, %arg2: memref<200x16384xi32, #tpu.memory_space<hbm>>, %arg3: memref<9x100xf32, #tpu.memory_space<hbm>>, %arg4: memref<9x200x16384xf32, #tpu.memory_space<hbm>>, %arg5: memref<9x100xf32, #tpu.memory_space<vmem>>, %arg6: memref<8x256xi32, #tpu.memory_space<vmem>>, %arg7: memref<8x256xi32, #tpu.memory_space<vmem>>, %arg8: memref<9x8x256xf32, #tpu.memory_space<vmem>>, %arg9: memref<9x8x256xf32, #tpu.memory_space<vmem>>, %arg10: memref<!tpu.dma_semaphore, #tpu.memory_space<semaphore_mem>>, %arg11: memref<!tpu.dma_semaphore, #tpu.memory_space<semaphore_mem>>, %arg12: memref<!tpu.dma_semaphore, #tpu.memory_space<semaphore_mem>>, %arg13: memref<!tpu.dma_semaphore, #tpu.memory_space<semaphore_mem>>) attributes {dimension_semantics = [#tpu.dimension_semantics<core_parallel>, #tpu.dimension_semantics<subcore_parallel>], iteration_bounds = array<i64: 2, 16>, scalar_prefetch = 0 : i64, scratch_operands = 9 : i64, tpu.core_type = #tpu.core_type<sc_vector_subcore>, window_params = [{transform_indices = #map}, {transform_indices = #map}, {transform_indices = #map1}]} {
    %mul3A = arith.constant 2 : i32
    %mul3A_0 = arith.muli %arg1, %mul3A : i32
    %add3A = arith.addi %mul3A_0, %arg0 : i32
    %mul3A_1 = arith.constant 512 : i32
    %mul3A_2 = arith.muli %add3A, %mul3A_1 : i32
    "tpu.region"() ({
      %run_scoped3A = tpu.sem_alloc : memref<!tpu.dma_semaphore, #tpu.memory_space<semaphore_mem>>
      tpu.enqueue_dma source(%arg3 : memref<9x100xf32, #tpu.memory_space<hbm>>) target(%arg5 : memref<9x100xf32, #tpu.memory_space<vmem>>) target_semaphore(%run_scoped3A : memref<!tpu.dma_semaphore, #tpu.memory_space<semaphore_mem>>)
      tpu.wait_dma2 semaphore(%run_scoped3A : memref<!tpu.dma_semaphore, #tpu.memory_space<semaphore_mem>>) src(%arg3 : memref<9x100xf32, #tpu.memory_space<hbm>>) dst(%arg5 : memref<9x100xf32, #tpu.memory_space<vmem>>)
      tpu.yield
    }) : () -> ()
    %add3A_3 = arith.constant 0 : i32
    %add3A_4 = arith.addi %mul3A_2, %add3A_3 : i32
    %dma_start3A = arith.constant 0 : i32
    %dma_start3A_5 = tpu.memref_slice %arg2[%dma_start3A, %add3A_4] : memref<200x16384xi32, #tpu.memory_space<hbm>> -> memref<8x256xi32, #tpu.memory_space<hbm>>
    %dma_start3A_6 = arith.constant 0 : i32
    %dma_start3A_7 = tpu.memref_slice %arg2[%dma_start3A_6, %add3A_4] : memref<200x16384xi32, #tpu.memory_space<hbm>> -> memref<8x256xi32, #tpu.memory_space<hbm>>
    tpu.enqueue_dma source(%dma_start3A_7 : memref<8x256xi32, #tpu.memory_space<hbm>>) target(%arg6 : memref<8x256xi32, #tpu.memory_space<vmem>>) target_semaphore(%arg10 : memref<!tpu.dma_semaphore, #tpu.memory_space<semaphore_mem>>)
    %add3A_8 = arith.constant 256 : i32
    %add3A_9 = arith.addi %mul3A_2, %add3A_8 : i32
    %dma_start3A_10 = arith.constant 0 : i32
    %dma_start3A_11 = tpu.memref_slice %arg2[%dma_start3A_10, %add3A_9] : memref<200x16384xi32, #tpu.memory_space<hbm>> -> memref<8x256xi32, #tpu.memory_space<hbm>>
    %dma_start3A_12 = arith.constant 0 : i32
    %dma_start3A_13 = tpu.memref_slice %arg2[%dma_start3A_12, %add3A_9] : memref<200x16384xi32, #tpu.memory_space<hbm>> -> memref<8x256xi32, #tpu.memory_space<hbm>>
    tpu.enqueue_dma source(%dma_start3A_13 : memref<8x256xi32, #tpu.memory_space<hbm>>) target(%arg7 : memref<8x256xi32, #tpu.memory_space<vmem>>) target_semaphore(%arg11 : memref<!tpu.dma_semaphore, #tpu.memory_space<semaphore_mem>>)
    %add3A_14 = arith.constant 0 : i32
    %add3A_15 = arith.addi %mul3A_2, %add3A_14 : i32
    %dma_wait3A = arith.constant 0 : i32
    %dma_wait3A_16 = tpu.memref_slice %arg2[%dma_wait3A, %add3A_15] : memref<200x16384xi32, #tpu.memory_space<hbm>> -> memref<8x256xi32, #tpu.memory_space<hbm>>
    %dma_wait3A_17 = arith.constant 0 : i32
    %dma_wait3A_18 = tpu.memref_slice %arg2[%dma_wait3A_17, %add3A_15] : memref<200x16384xi32, #tpu.memory_space<hbm>> -> memref<8x256xi32, #tpu.memory_space<hbm>>
    tpu.wait_dma2 semaphore(%arg10 : memref<!tpu.dma_semaphore, #tpu.memory_space<semaphore_mem>>) src(%dma_wait3A_18 : memref<8x256xi32, #tpu.memory_space<hbm>>) dst(%arg6 : memref<8x256xi32, #tpu.memory_space<vmem>>)
    %parallel_loop3A = arith.constant 0 : i32
    %parallel_loop3A_19 = arith.constant 128 : i32
    %parallel_loop3A_20 = arith.constant 1 : i32
    scf.for %parallel_loop3A_354 = %parallel_loop3A to %parallel_loop3A_19 step %parallel_loop3A_20  : i32 {
      %parallel_loop3A_355 = arith.constant 16 : i32
      %parallel_loop3A_356 = arith.divsi %parallel_loop3A_354, %parallel_loop3A_355 : i32
      %parallel_loop3A_357 = arith.constant 0 : i32
      %parallel_loop3A_358 = arith.cmpi sgt, %parallel_loop3A_354, %parallel_loop3A_357 : i32
      %parallel_loop3A_359 = arith.extui %parallel_loop3A_358 : i1 to i32
      %parallel_loop3A_360 = arith.constant 0 : i32
      %parallel_loop3A_361 = arith.cmpi slt, %parallel_loop3A_354, %parallel_loop3A_360 : i32
      %parallel_loop3A_362 = arith.extui %parallel_loop3A_361 : i1 to i32
      %parallel_loop3A_363 = arith.subi %parallel_loop3A_359, %parallel_loop3A_362 : i32
      %parallel_loop3A_364 = arith.constant 0 : i32
      %parallel_loop3A_365 = arith.cmpi sgt, %parallel_loop3A_355, %parallel_loop3A_364 : i32
      %parallel_loop3A_366 = arith.extui %parallel_loop3A_365 : i1 to i32
      %parallel_loop3A_367 = arith.constant 0 : i32
      %parallel_loop3A_368 = arith.cmpi slt, %parallel_loop3A_355, %parallel_loop3A_367 : i32
      %parallel_loop3A_369 = arith.extui %parallel_loop3A_368 : i1 to i32
      %parallel_loop3A_370 = arith.subi %parallel_loop3A_366, %parallel_loop3A_369 : i32
      %parallel_loop3A_371 = arith.cmpi ne, %parallel_loop3A_363, %parallel_loop3A_370 : i32
      %parallel_loop3A_372 = arith.remsi %parallel_loop3A_354, %parallel_loop3A_355 : i32
      %parallel_loop3A_373 = arith.constant 0 : i32
      %parallel_loop3A_374 = arith.cmpi ne, %parallel_loop3A_372, %parallel_loop3A_373 : i32
      %parallel_loop3A_375 = arith.andi %parallel_loop3A_371, %parallel_loop3A_374 : i1
      %parallel_loop3A_376 = arith.constant 1 : i32
      %parallel_loop3A_377 = arith.subi %parallel_loop3A_356, %parallel_loop3A_376 : i32
      %parallel_loop3A_378 = arith.select %parallel_loop3A_375, %parallel_loop3A_377, %parallel_loop3A_356 : i32
      %parallel_loop3A_379 = arith.constant 16 : i32
      %parallel_loop3A_380 = arith.constant 0 : i32
      %parallel_loop3A_381 = arith.cmpi eq, %parallel_loop3A_379, %parallel_loop3A_380 : i32
      %parallel_loop3A_382 = arith.constant 1 : i32
      %parallel_loop3A_383 = arith.select %parallel_loop3A_381, %parallel_loop3A_382, %parallel_loop3A_379 : i32
      %parallel_loop3A_384 = arith.remsi %parallel_loop3A_354, %parallel_loop3A_383 : i32
      %parallel_loop3A_385 = arith.constant 0 : i32
      %parallel_loop3A_386 = arith.cmpi ne, %parallel_loop3A_384, %parallel_loop3A_385 : i32
      %parallel_loop3A_387 = arith.constant 0 : i32
      %parallel_loop3A_388 = arith.cmpi slt, %parallel_loop3A_384, %parallel_loop3A_387 : i32
      %parallel_loop3A_389 = arith.constant 0 : i32
      %parallel_loop3A_390 = arith.cmpi slt, %parallel_loop3A_383, %parallel_loop3A_389 : i32
      %parallel_loop3A_391 = arith.xori %parallel_loop3A_388, %parallel_loop3A_390 : i1
      %parallel_loop3A_392 = arith.andi %parallel_loop3A_391, %parallel_loop3A_386 : i1
      %parallel_loop3A_393 = arith.addi %parallel_loop3A_384, %parallel_loop3A_383 : i32
      %parallel_loop3A_394 = arith.select %parallel_loop3A_392, %parallel_loop3A_393, %parallel_loop3A_384 : i32
      %parallel_loop3A_395 = arith.constant 16 : i32
      %parallel_loop3A_396 = arith.muli %parallel_loop3A_394, %parallel_loop3A_395 : i32
      %parallel_loop3A_397 = arith.index_cast %parallel_loop3A_378 : i32 to index
      %parallel_loop3A_398 = arith.index_cast %parallel_loop3A_396 : i32 to index
      %parallel_loop3A_399 = tpu.vector_load %arg6[%parallel_loop3A_397, %parallel_loop3A_398] {strides = array<i32>} : memref<8x256xi32, #tpu.memory_space<vmem>>, vector<16xi32>,
      %parallel_loop3A_400 = arith.constant 0 : i32
      %parallel_loop3A_401 = vector.broadcast %parallel_loop3A_400 : i32 to vector<16xi32>
      %parallel_loop3A_402 = tpu.vector_load_idx %arg5[%parallel_loop3A_401, %parallel_loop3A_399] : memref<9x100xf32, #tpu.memory_space<vmem>>[vector<16xi32>, vector<16xi32>], vector<16xf32>,
      %parallel_loop3A_403 = arith.constant 0 : i32
      %parallel_loop3A_404 = arith.index_cast %parallel_loop3A_403 : i32 to index
      %parallel_loop3A_405 = arith.index_cast %parallel_loop3A_378 : i32 to index
      %parallel_loop3A_406 = arith.index_cast %parallel_loop3A_396 : i32 to index
      %parallel_loop3A_407 = tpu.vector_load %arg8[%parallel_loop3A_404, %parallel_loop3A_405, %parallel_loop3A_406] {strides = array<i32>} : memref<9x8x256xf32, #tpu.memory_space<vmem>>, vector<16xf32>,
      tpu.vector_store %arg8[%parallel_loop3A_404, %parallel_loop3A_405, %parallel_loop3A_406], %parallel_loop3A_402 {strides = array<i32>} : memref<9x8x256xf32, #tpu.memory_space<vmem>>, vector<16xf32>,
      %parallel_loop3A_408 = arith.constant 1 : i32
      %parallel_loop3A_409 = vector.broadcast %parallel_loop3A_408 : i32 to vector<16xi32>
      %parallel_loop3A_410 = tpu.vector_load_idx %arg5[%parallel_loop3A_409, %parallel_loop3A_399] : memref<9x100xf32, #tpu.memory_space<vmem>>[vector<16xi32>, vector<16xi32>], vector<16xf32>,
      %parallel_loop3A_411 = arith.constant 1 : i32
      %parallel_loop3A_412 = arith.index_cast %parallel_loop3A_411 : i32 to index
      %parallel_loop3A_413 = arith.index_cast %parallel_loop3A_378 : i32 to index
      %parallel_loop3A_414 = arith.index_cast %parallel_loop3A_396 : i32 to index
      %parallel_loop3A_415 = tpu.vector_load %arg8[%parallel_loop3A_412, %parallel_loop3A_413, %parallel_loop3A_414] {strides = array<i32>} : memref<9x8x256xf32, #tpu.memory_space<vmem>>, vector<16xf32>,
      tpu.vector_store %arg8[%parallel_loop3A_412, %parallel_loop3A_413, %parallel_loop3A_414], %parallel_loop3A_410 {strides = array<i32>} : memref<9x8x256xf32, #tpu.memory_space<vmem>>, vector<16xf32>,
      %parallel_loop3A_416 = arith.constant 2 : i32
      %parallel_loop3A_417 = vector.broadcast %parallel_loop3A_416 : i32 to vector<16xi32>
      %parallel_loop3A_418 = tpu.vector_load_idx %arg5[%parallel_loop3A_417, %parallel_loop3A_399] : memref<9x100xf32, #tpu.memory_space<vmem>>[vector<16xi32>, vector<16xi32>], vector<16xf32>,
      %parallel_loop3A_419 = arith.constant 2 : i32
      %parallel_loop3A_420 = arith.index_cast %parallel_loop3A_419 : i32 to index
      %parallel_loop3A_421 = arith.index_cast %parallel_loop3A_378 : i32 to index
      %parallel_loop3A_422 = arith.index_cast %parallel_loop3A_396 : i32 to index
      %parallel_loop3A_423 = tpu.vector_load %arg8[%parallel_loop3A_420, %parallel_loop3A_421, %parallel_loop3A_422] {strides = array<i32>} : memref<9x8x256xf32, #tpu.memory_space<vmem>>, vector<16xf32>,
      tpu.vector_store %arg8[%parallel_loop3A_420, %parallel_loop3A_421, %parallel_loop3A_422], %parallel_loop3A_418 {strides = array<i32>} : memref<9x8x256xf32, #tpu.memory_space<vmem>>, vector<16xf32>,
      %parallel_loop3A_424 = arith.constant 3 : i32
      %parallel_loop3A_425 = vector.broadcast %parallel_loop3A_424 : i32 to vector<16xi32>
      %parallel_loop3A_426 = tpu.vector_load_idx %arg5[%parallel_loop3A_425, %parallel_loop3A_399] : memref<9x100xf32, #tpu.memory_space<vmem>>[vector<16xi32>, vector<16xi32>], vector<16xf32>,
      %parallel_loop3A_427 = arith.constant 3 : i32
      %parallel_loop3A_428 = arith.index_cast %parallel_loop3A_427 : i32 to index
      %parallel_loop3A_429 = arith.index_cast %parallel_loop3A_378 : i32 to index
      %parallel_loop3A_430 = arith.index_cast %parallel_loop3A_396 : i32 to index
      %parallel_loop3A_431 = tpu.vector_load %arg8[%parallel_loop3A_428, %parallel_loop3A_429, %parallel_loop3A_430] {strides = array<i32>} : memref<9x8x256xf32, #tpu.memory_space<vmem>>, vector<16xf32>,
      tpu.vector_store %arg8[%parallel_loop3A_428, %parallel_loop3A_429, %parallel_loop3A_430], %parallel_loop3A_426 {strides = array<i32>} : memref<9x8x256xf32, #tpu.memory_space<vmem>>, vector<16xf32>,
      %parallel_loop3A_432 = arith.constant 4 : i32
      %parallel_loop3A_433 = vector.broadcast %parallel_loop3A_432 : i32 to vector<16xi32>
      %parallel_loop3A_434 = tpu.vector_load_idx %arg5[%parallel_loop3A_433, %parallel_loop3A_399] : memref<9x100xf32, #tpu.memory_space<vmem>>[vector<16xi32>, vector<16xi32>], vector<16xf32>,
      %parallel_loop3A_435 = arith.constant 4 : i32
      %parallel_loop3A_436 = arith.index_cast %parallel_loop3A_435 : i32 to index
      %parallel_loop3A_437 = arith.index_cast %parallel_loop3A_378 : i32 to index
      %parallel_loop3A_438 = arith.index_cast %parallel_loop3A_396 : i32 to index
      %parallel_loop3A_439 = tpu.vector_load %arg8[%parallel_loop3A_436, %parallel_loop3A_437, %parallel_loop3A_438] {strides = array<i32>} : memref<9x8x256xf32, #tpu.memory_space<vmem>>, vector<16xf32>,
      tpu.vector_store %arg8[%parallel_loop3A_436, %parallel_loop3A_437, %parallel_loop3A_438], %parallel_loop3A_434 {strides = array<i32>} : memref<9x8x256xf32, #tpu.memory_space<vmem>>, vector<16xf32>,
      %parallel_loop3A_440 = arith.constant 5 : i32
      %parallel_loop3A_441 = vector.broadcast %parallel_loop3A_440 : i32 to vector<16xi32>
      %parallel_loop3A_442 = tpu.vector_load_idx %arg5[%parallel_loop3A_441, %parallel_loop3A_399] : memref<9x100xf32, #tpu.memory_space<vmem>>[vector<16xi32>, vector<16xi32>], vector<16xf32>,
      %parallel_loop3A_443 = arith.constant 5 : i32
      %parallel_loop3A_444 = arith.index_cast %parallel_loop3A_443 : i32 to index
      %parallel_loop3A_445 = arith.index_cast %parallel_loop3A_378 : i32 to index
      %parallel_loop3A_446 = arith.index_cast %parallel_loop3A_396 : i32 to index
      %parallel_loop3A_447 = tpu.vector_load %arg8[%parallel_loop3A_444, %parallel_loop3A_445, %parallel_loop3A_446] {strides = array<i32>} : memref<9x8x256xf32, #tpu.memory_space<vmem>>, vector<16xf32>,
      tpu.vector_store %arg8[%parallel_loop3A_444, %parallel_loop3A_445, %parallel_loop3A_446], %parallel_loop3A_442 {strides = array<i32>} : memref<9x8x256xf32, #tpu.memory_space<vmem>>, vector<16xf32>,
      %parallel_loop3A_448 = arith.constant 6 : i32
      %parallel_loop3A_449 = vector.broadcast %parallel_loop3A_448 : i32 to vector<16xi32>
      %parallel_loop3A_450 = tpu.vector_load_idx %arg5[%parallel_loop3A_449, %parallel_loop3A_399] : memref<9x100xf32, #tpu.memory_space<vmem>>[vector<16xi32>, vector<16xi32>], vector<16xf32>,
      %parallel_loop3A_451 = arith.constant 6 : i32
      %parallel_loop3A_452 = arith.index_cast %parallel_loop3A_451 : i32 to index
      %parallel_loop3A_453 = arith.index_cast %parallel_loop3A_378 : i32 to index
      %parallel_loop3A_454 = arith.index_cast %parallel_loop3A_396 : i32 to index
      %parallel_loop3A_455 = tpu.vector_load %arg8[%parallel_loop3A_452, %parallel_loop3A_453, %parallel_loop3A_454] {strides = array<i32>} : memref<9x8x256xf32, #tpu.memory_space<vmem>>, vector<16xf32>,
      tpu.vector_store %arg8[%parallel_loop3A_452, %parallel_loop3A_453, %parallel_loop3A_454], %parallel_loop3A_450 {strides = array<i32>} : memref<9x8x256xf32, #tpu.memory_space<vmem>>, vector<16xf32>,
      %parallel_loop3A_456 = arith.constant 7 : i32
      %parallel_loop3A_457 = vector.broadcast %parallel_loop3A_456 : i32 to vector<16xi32>
      %parallel_loop3A_458 = tpu.vector_load_idx %arg5[%parallel_loop3A_457, %parallel_loop3A_399] : memref<9x100xf32, #tpu.memory_space<vmem>>[vector<16xi32>, vector<16xi32>], vector<16xf32>,
      %parallel_loop3A_459 = arith.constant 7 : i32
      %parallel_loop3A_460 = arith.index_cast %parallel_loop3A_459 : i32 to index
      %parallel_loop3A_461 = arith.index_cast %parallel_loop3A_378 : i32 to index
      %parallel_loop3A_462 = arith.index_cast %parallel_loop3A_396 : i32 to index
      %parallel_loop3A_463 = tpu.vector_load %arg8[%parallel_loop3A_460, %parallel_loop3A_461, %parallel_loop3A_462] {strides = array<i32>} : memref<9x8x256xf32, #tpu.memory_space<vmem>>, vector<16xf32>,
      tpu.vector_store %arg8[%parallel_loop3A_460, %parallel_loop3A_461, %parallel_loop3A_462], %parallel_loop3A_458 {strides = array<i32>} : memref<9x8x256xf32, #tpu.memory_space<vmem>>, vector<16xf32>,
      %parallel_loop3A_464 = arith.constant 8 : i32
      %parallel_loop3A_465 = vector.broadcast %parallel_loop3A_464 : i32 to vector<16xi32>
      %parallel_loop3A_466 = tpu.vector_load_idx %arg5[%parallel_loop3A_465, %parallel_loop3A_399] : memref<9x100xf32, #tpu.memory_space<vmem>>[vector<16xi32>, vector<16xi32>], vector<16xf32>,
      %parallel_loop3A_467 = arith.constant 8 : i32
      %parallel_loop3A_468 = arith.index_cast %parallel_loop3A_467 : i32 to index
      %parallel_loop3A_469 = arith.index_cast %parallel_loop3A_378 : i32 to index
      %parallel_loop3A_470 = arith.index_cast %parallel_loop3A_396 : i32 to index
      %parallel_loop3A_471 = tpu.vector_load %arg8[%parallel_loop3A_468, %parallel_loop3A_469, %parallel_loop3A_470] {strides = array<i32>} : memref<9x8x256xf32, #tpu.memory_space<vmem>>, vector<16xf32>,
      tpu.vector_store %arg8[%parallel_loop3A_468, %parallel_loop3A_469, %parallel_loop3A_470], %parallel_loop3A_466 {strides = array<i32>} : memref<9x8x256xf32, #tpu.memory_space<vmem>>, vector<16xf32>,
    } {sc.loop_unroll_factor = 4 : i64, sc.parallel_access}
    %add3A_21 = arith.constant 0 : i32
    %add3A_22 = arith.addi %mul3A_2, %add3A_21 : i32
    %dma_start3A_23 = arith.constant 0 : i32
    %dma_start3A_24 = arith.constant 0 : i32
    %dma_start3A_25 = arith.constant 0 : i32
    %dma_start3A_26 = arith.constant 0 : i32
    %dma_start3A_27 = tpu.memref_slice %arg8[%dma_start3A_23, %dma_start3A_25, %dma_start3A_26] : memref<9x8x256xf32, #tpu.memory_space<vmem>> -> memref<1x8x256xf32, #tpu.memory_space<vmem>>
    %dma_start3A_28 = tpu.memref_squeeze %dma_start3A_27 : memref<1x8x256xf32, #tpu.memory_space<vmem>> -> memref<8x256xf32, #tpu.memory_space<vmem>>
    %dma_start3A_29 = arith.constant 0 : i32
    %dma_start3A_30 = tpu.memref_slice %arg4[%dma_start3A_24, %dma_start3A_29, %add3A_22] : memref<9x200x16384xf32, #tpu.memory_space<hbm>> -> memref<1x8x256xf32, #tpu.memory_space<hbm>>
    %dma_start3A_31 = tpu.memref_squeeze %dma_start3A_30 : memref<1x8x256xf32, #tpu.memory_space<hbm>> -> memref<8x256xf32, #tpu.memory_space<hbm>>
    %dma_start3A_32 = arith.constant 0 : i32
    %dma_start3A_33 = tpu.memref_slice %arg4[%dma_start3A_24, %dma_start3A_32, %add3A_22] : memref<9x200x16384xf32, #tpu.memory_space<hbm>> -> memref<1x8x256xf32, #tpu.memory_space<hbm>>
    %dma_start3A_34 = tpu.memref_squeeze %dma_start3A_33 : memref<1x8x256xf32, #tpu.memory_space<hbm>> -> memref<8x256xf32, #tpu.memory_space<hbm>>
    %dma_start3A_35 = arith.constant 0 : i32
    %dma_start3A_36 = arith.constant 0 : i32
    %dma_start3A_37 = tpu.memref_slice %arg8[%dma_start3A_23, %dma_start3A_35, %dma_start3A_36] : memref<9x8x256xf32, #tpu.memory_space<vmem>> -> memref<1x8x256xf32, #tpu.memory_space<vmem>>
    %dma_start3A_38 = tpu.memref_squeeze %dma_start3A_37 : memref<1x8x256xf32, #tpu.memory_space<vmem>> -> memref<8x256xf32, #tpu.memory_space<vmem>>
    tpu.enqueue_dma source(%dma_start3A_38 : memref<8x256xf32, #tpu.memory_space<vmem>>) target(%dma_start3A_34 : memref<8x256xf32, #tpu.memory_space<hbm>>) target_semaphore(%arg12 : memref<!tpu.dma_semaphore, #tpu.memory_space<semaphore_mem>>)
    %dma_start3A_39 = arith.constant 1 : i32
    %dma_start3A_40 = arith.constant 1 : i32
    %dma_start3A_41 = arith.constant 0 : i32
    %dma_start3A_42 = arith.constant 0 : i32
    %dma_start3A_43 = tpu.memref_slice %arg8[%dma_start3A_39, %dma_start3A_41, %dma_start3A_42] : memref<9x8x256xf32, #tpu.memory_space<vmem>> -> memref<1x8x256xf32, #tpu.memory_space<vmem>>
    %dma_start3A_44 = tpu.memref_squeeze %dma_start3A_43 : memref<1x8x256xf32, #tpu.memory_space<vmem>> -> memref<8x256xf32, #tpu.memory_space<vmem>>
    %dma_start3A_45 = arith.constant 0 : i32
    %dma_start3A_46 = tpu.memref_slice %arg4[%dma_start3A_40, %dma_start3A_45, %add3A_22] : memref<9x200x16384xf32, #tpu.memory_space<hbm>> -> memref<1x8x256xf32, #tpu.memory_space<hbm>>
    %dma_start3A_47 = tpu.memref_squeeze %dma_start3A_46 : memref<1x8x256xf32, #tpu.memory_space<hbm>> -> memref<8x256xf32, #tpu.memory_space<hbm>>
    %dma_start3A_48 = arith.constant 0 : i32
    %dma_start3A_49 = tpu.memref_slice %arg4[%dma_start3A_40, %dma_start3A_48, %add3A_22] : memref<9x200x16384xf32, #tpu.memory_space<hbm>> -> memref<1x8x256xf32, #tpu.memory_space<hbm>>
    %dma_start3A_50 = tpu.memref_squeeze %dma_start3A_49 : memref<1x8x256xf32, #tpu.memory_space<hbm>> -> memref<8x256xf32, #tpu.memory_space<hbm>>
    %dma_start3A_51 = arith.constant 0 : i32
    %dma_start3A_52 = arith.constant 0 : i32
    %dma_start3A_53 = tpu.memref_slice %arg8[%dma_start3A_39, %dma_start3A_51, %dma_start3A_52] : memref<9x8x256xf32, #tpu.memory_space<vmem>> -> memref<1x8x256xf32, #tpu.memory_space<vmem>>
    %dma_start3A_54 = tpu.memref_squeeze %dma_start3A_53 : memref<1x8x256xf32, #tpu.memory_space<vmem>> -> memref<8x256xf32, #tpu.memory_space<vmem>>
    tpu.enqueue_dma source(%dma_start3A_54 : memref<8x256xf32, #tpu.memory_space<vmem>>) target(%dma_start3A_50 : memref<8x256xf32, #tpu.memory_space<hbm>>) target_semaphore(%arg12 : memref<!tpu.dma_semaphore, #tpu.memory_space<semaphore_mem>>)
    %dma_start3A_55 = arith.constant 2 : i32
    %dma_start3A_56 = arith.constant 2 : i32
    %dma_start3A_57 = arith.constant 0 : i32
    %dma_start3A_58 = arith.constant 0 : i32
    %dma_start3A_59 = tpu.memref_slice %arg8[%dma_start3A_55, %dma_start3A_57, %dma_start3A_58] : memref<9x8x256xf32, #tpu.memory_space<vmem>> -> memref<1x8x256xf32, #tpu.memory_space<vmem>>
    %dma_start3A_60 = tpu.memref_squeeze %dma_start3A_59 : memref<1x8x256xf32, #tpu.memory_space<vmem>> -> memref<8x256xf32, #tpu.memory_space<vmem>>
    %dma_start3A_61 = arith.constant 0 : i32
    %dma_start3A_62 = tpu.memref_slice %arg4[%dma_start3A_56, %dma_start3A_61, %add3A_22] : memref<9x200x16384xf32, #tpu.memory_space<hbm>> -> memref<1x8x256xf32, #tpu.memory_space<hbm>>
    %dma_start3A_63 = tpu.memref_squeeze %dma_start3A_62 : memref<1x8x256xf32, #tpu.memory_space<hbm>> -> memref<8x256xf32, #tpu.memory_space<hbm>>
    %dma_start3A_64 = arith.constant 0 : i32
    %dma_start3A_65 = tpu.memref_slice %arg4[%dma_start3A_56, %dma_start3A_64, %add3A_22] : memref<9x200x16384xf32, #tpu.memory_space<hbm>> -> memref<1x8x256xf32, #tpu.memory_space<hbm>>
    %dma_start3A_66 = tpu.memref_squeeze %dma_start3A_65 : memref<1x8x256xf32, #tpu.memory_space<hbm>> -> memref<8x256xf32, #tpu.memory_space<hbm>>
    %dma_start3A_67 = arith.constant 0 : i32
    %dma_start3A_68 = arith.constant 0 : i32
    %dma_start3A_69 = tpu.memref_slice %arg8[%dma_start3A_55, %dma_start3A_67, %dma_start3A_68] : memref<9x8x256xf32, #tpu.memory_space<vmem>> -> memref<1x8x256xf32, #tpu.memory_space<vmem>>
    %dma_start3A_70 = tpu.memref_squeeze %dma_start3A_69 : memref<1x8x256xf32, #tpu.memory_space<vmem>> -> memref<8x256xf32, #tpu.memory_space<vmem>>
    tpu.enqueue_dma source(%dma_start3A_70 : memref<8x256xf32, #tpu.memory_space<vmem>>) target(%dma_start3A_66 : memref<8x256xf32, #tpu.memory_space<hbm>>) target_semaphore(%arg12 : memref<!tpu.dma_semaphore, #tpu.memory_space<semaphore_mem>>)
    %dma_start3A_71 = arith.constant 3 : i32
    %dma_start3A_72 = arith.constant 3 : i32
    %dma_start3A_73 = arith.constant 0 : i32
    %dma_start3A_74 = arith.constant 0 : i32
    %dma_start3A_75 = tpu.memref_slice %arg8[%dma_start3A_71, %dma_start3A_73, %dma_start3A_74] : memref<9x8x256xf32, #tpu.memory_space<vmem>> -> memref<1x8x256xf32, #tpu.memory_space<vmem>>
    %dma_start3A_76 = tpu.memref_squeeze %dma_start3A_75 : memref<1x8x256xf32, #tpu.memory_space<vmem>> -> memref<8x256xf32, #tpu.memory_space<vmem>>
    %dma_start3A_77 = arith.constant 0 : i32
    %dma_start3A_78 = tpu.memref_slice %arg4[%dma_start3A_72, %dma_start3A_77, %add3A_22] : memref<9x200x16384xf32, #tpu.memory_space<hbm>> -> memref<1x8x256xf32, #tpu.memory_space<hbm>>
    %dma_start3A_79 = tpu.memref_squeeze %dma_start3A_78 : memref<1x8x256xf32, #tpu.memory_space<hbm>> -> memref<8x256xf32, #tpu.memory_space<hbm>>
    %dma_start3A_80 = arith.constant 0 : i32
    %dma_start3A_81 = tpu.memref_slice %arg4[%dma_start3A_72, %dma_start3A_80, %add3A_22] : memref<9x200x16384xf32, #tpu.memory_space<hbm>> -> memref<1x8x256xf32, #tpu.memory_space<hbm>>
    %dma_start3A_82 = tpu.memref_squeeze %dma_start3A_81 : memref<1x8x256xf32, #tpu.memory_space<hbm>> -> memref<8x256xf32, #tpu.memory_space<hbm>>
    %dma_start3A_83 = arith.constant 0 : i32
    %dma_start3A_84 = arith.constant 0 : i32
    %dma_start3A_85 = tpu.memref_slice %arg8[%dma_start3A_71, %dma_start3A_83, %dma_start3A_84] : memref<9x8x256xf32, #tpu.memory_space<vmem>> -> memref<1x8x256xf32, #tpu.memory_space<vmem>>
    %dma_start3A_86 = tpu.memref_squeeze %dma_start3A_85 : memref<1x8x256xf32, #tpu.memory_space<vmem>> -> memref<8x256xf32, #tpu.memory_space<vmem>>
    tpu.enqueue_dma source(%dma_start3A_86 : memref<8x256xf32, #tpu.memory_space<vmem>>) target(%dma_start3A_82 : memref<8x256xf32, #tpu.memory_space<hbm>>) target_semaphore(%arg12 : memref<!tpu.dma_semaphore, #tpu.memory_space<semaphore_mem>>)
    %dma_start3A_87 = arith.constant 4 : i32
    %dma_start3A_88 = arith.constant 4 : i32
    %dma_start3A_89 = arith.constant 0 : i32
    %dma_start3A_90 = arith.constant 0 : i32
    %dma_start3A_91 = tpu.memref_slice %arg8[%dma_start3A_87, %dma_start3A_89, %dma_start3A_90] : memref<9x8x256xf32, #tpu.memory_space<vmem>> -> memref<1x8x256xf32, #tpu.memory_space<vmem>>
    %dma_start3A_92 = tpu.memref_squeeze %dma_start3A_91 : memref<1x8x256xf32, #tpu.memory_space<vmem>> -> memref<8x256xf32, #tpu.memory_space<vmem>>
    %dma_start3A_93 = arith.constant 0 : i32
    %dma_start3A_94 = tpu.memref_slice %arg4[%dma_start3A_88, %dma_start3A_93, %add3A_22] : memref<9x200x16384xf32, #tpu.memory_space<hbm>> -> memref<1x8x256xf32, #tpu.memory_space<hbm>>
    %dma_start3A_95 = tpu.memref_squeeze %dma_start3A_94 : memref<1x8x256xf32, #tpu.memory_space<hbm>> -> memref<8x256xf32, #tpu.memory_space<hbm>>
    %dma_start3A_96 = arith.constant 0 : i32
    %dma_start3A_97 = tpu.memref_slice %arg4[%dma_start3A_88, %dma_start3A_96, %add3A_22] : memref<9x200x16384xf32, #tpu.memory_space<hbm>> -> memref<1x8x256xf32, #tpu.memory_space<hbm>>
    %dma_start3A_98 = tpu.memref_squeeze %dma_start3A_97 : memref<1x8x256xf32, #tpu.memory_space<hbm>> -> memref<8x256xf32, #tpu.memory_space<hbm>>
    %dma_start3A_99 = arith.constant 0 : i32
    %dma_start3A_100 = arith.constant 0 : i32
    %dma_start3A_101 = tpu.memref_slice %arg8[%dma_start3A_87, %dma_start3A_99, %dma_start3A_100] : memref<9x8x256xf32, #tpu.memory_space<vmem>> -> memref<1x8x256xf32, #tpu.memory_space<vmem>>
    %dma_start3A_102 = tpu.memref_squeeze %dma_start3A_101 : memref<1x8x256xf32, #tpu.memory_space<vmem>> -> memref<8x256xf32, #tpu.memory_space<vmem>>
    tpu.enqueue_dma source(%dma_start3A_102 : memref<8x256xf32, #tpu.memory_space<vmem>>) target(%dma_start3A_98 : memref<8x256xf32, #tpu.memory_space<hbm>>) target_semaphore(%arg12 : memref<!tpu.dma_semaphore, #tpu.memory_space<semaphore_mem>>)
    %dma_start3A_103 = arith.constant 5 : i32
    %dma_start3A_104 = arith.constant 5 : i32
    %dma_start3A_105 = arith.constant 0 : i32
    %dma_start3A_106 = arith.constant 0 : i32
    %dma_start3A_107 = tpu.memref_slice %arg8[%dma_start3A_103, %dma_start3A_105, %dma_start3A_106] : memref<9x8x256xf32, #tpu.memory_space<vmem>> -> memref<1x8x256xf32, #tpu.memory_space<vmem>>
    %dma_start3A_108 = tpu.memref_squeeze %dma_start3A_107 : memref<1x8x256xf32, #tpu.memory_space<vmem>> -> memref<8x256xf32, #tpu.memory_space<vmem>>
    %dma_start3A_109 = arith.constant 0 : i32
    %dma_start3A_110 = tpu.memref_slice %arg4[%dma_start3A_104, %dma_start3A_109, %add3A_22] : memref<9x200x16384xf32, #tpu.memory_space<hbm>> -> memref<1x8x256xf32, #tpu.memory_space<hbm>>
    %dma_start3A_111 = tpu.memref_squeeze %dma_start3A_110 : memref<1x8x256xf32, #tpu.memory_space<hbm>> -> memref<8x256xf32, #tpu.memory_space<hbm>>
    %dma_start3A_112 = arith.constant 0 : i32
    %dma_start3A_113 = tpu.memref_slice %arg4[%dma_start3A_104, %dma_start3A_112, %add3A_22] : memref<9x200x16384xf32, #tpu.memory_space<hbm>> -> memref<1x8x256xf32, #tpu.memory_space<hbm>>
    %dma_start3A_114 = tpu.memref_squeeze %dma_start3A_113 : memref<1x8x256xf32, #tpu.memory_space<hbm>> -> memref<8x256xf32, #tpu.memory_space<hbm>>
    %dma_start3A_115 = arith.constant 0 : i32
    %dma_start3A_116 = arith.constant 0 : i32
    %dma_start3A_117 = tpu.memref_slice %arg8[%dma_start3A_103, %dma_start3A_115, %dma_start3A_116] : memref<9x8x256xf32, #tpu.memory_space<vmem>> -> memref<1x8x256xf32, #tpu.memory_space<vmem>>
    %dma_start3A_118 = tpu.memref_squeeze %dma_start3A_117 : memref<1x8x256xf32, #tpu.memory_space<vmem>> -> memref<8x256xf32, #tpu.memory_space<vmem>>
    tpu.enqueue_dma source(%dma_start3A_118 : memref<8x256xf32, #tpu.memory_space<vmem>>) target(%dma_start3A_114 : memref<8x256xf32, #tpu.memory_space<hbm>>) target_semaphore(%arg12 : memref<!tpu.dma_semaphore, #tpu.memory_space<semaphore_mem>>)
    %dma_start3A_119 = arith.constant 6 : i32
    %dma_start3A_120 = arith.constant 6 : i32
    %dma_start3A_121 = arith.constant 0 : i32
    %dma_start3A_122 = arith.constant 0 : i32
    %dma_start3A_123 = tpu.memref_slice %arg8[%dma_start3A_119, %dma_start3A_121, %dma_start3A_122] : memref<9x8x256xf32, #tpu.memory_space<vmem>> -> memref<1x8x256xf32, #tpu.memory_space<vmem>>
    %dma_start3A_124 = tpu.memref_squeeze %dma_start3A_123 : memref<1x8x256xf32, #tpu.memory_space<vmem>> -> memref<8x256xf32, #tpu.memory_space<vmem>>
    %dma_start3A_125 = arith.constant 0 : i32
    %dma_start3A_126 = tpu.memref_slice %arg4[%dma_start3A_120, %dma_start3A_125, %add3A_22] : memref<9x200x16384xf32, #tpu.memory_space<hbm>> -> memref<1x8x256xf32, #tpu.memory_space<hbm>>
    %dma_start3A_127 = tpu.memref_squeeze %dma_start3A_126 : memref<1x8x256xf32, #tpu.memory_space<hbm>> -> memref<8x256xf32, #tpu.memory_space<hbm>>
    %dma_start3A_128 = arith.constant 0 : i32
    %dma_start3A_129 = tpu.memref_slice %arg4[%dma_start3A_120, %dma_start3A_128, %add3A_22] : memref<9x200x16384xf32, #tpu.memory_space<hbm>> -> memref<1x8x256xf32, #tpu.memory_space<hbm>>
    %dma_start3A_130 = tpu.memref_squeeze %dma_start3A_129 : memref<1x8x256xf32, #tpu.memory_space<hbm>> -> memref<8x256xf32, #tpu.memory_space<hbm>>
    %dma_start3A_131 = arith.constant 0 : i32
    %dma_start3A_132 = arith.constant 0 : i32
    %dma_start3A_133 = tpu.memref_slice %arg8[%dma_start3A_119, %dma_start3A_131, %dma_start3A_132] : memref<9x8x256xf32, #tpu.memory_space<vmem>> -> memref<1x8x256xf32, #tpu.memory_space<vmem>>
    %dma_start3A_134 = tpu.memref_squeeze %dma_start3A_133 : memref<1x8x256xf32, #tpu.memory_space<vmem>> -> memref<8x256xf32, #tpu.memory_space<vmem>>
    tpu.enqueue_dma source(%dma_start3A_134 : memref<8x256xf32, #tpu.memory_space<vmem>>) target(%dma_start3A_130 : memref<8x256xf32, #tpu.memory_space<hbm>>) target_semaphore(%arg12 : memref<!tpu.dma_semaphore, #tpu.memory_space<semaphore_mem>>)
    %dma_start3A_135 = arith.constant 7 : i32
    %dma_start3A_136 = arith.constant 7 : i32
    %dma_start3A_137 = arith.constant 0 : i32
    %dma_start3A_138 = arith.constant 0 : i32
    %dma_start3A_139 = tpu.memref_slice %arg8[%dma_start3A_135, %dma_start3A_137, %dma_start3A_138] : memref<9x8x256xf32, #tpu.memory_space<vmem>> -> memref<1x8x256xf32, #tpu.memory_space<vmem>>
    %dma_start3A_140 = tpu.memref_squeeze %dma_start3A_139 : memref<1x8x256xf32, #tpu.memory_space<vmem>> -> memref<8x256xf32, #tpu.memory_space<vmem>>
    %dma_start3A_141 = arith.constant 0 : i32
    %dma_start3A_142 = tpu.memref_slice %arg4[%dma_start3A_136, %dma_start3A_141, %add3A_22] : memref<9x200x16384xf32, #tpu.memory_space<hbm>> -> memref<1x8x256xf32, #tpu.memory_space<hbm>>
    %dma_start3A_143 = tpu.memref_squeeze %dma_start3A_142 : memref<1x8x256xf32, #tpu.memory_space<hbm>> -> memref<8x256xf32, #tpu.memory_space<hbm>>
    %dma_start3A_144 = arith.constant 0 : i32
    %dma_start3A_145 = tpu.memref_slice %arg4[%dma_start3A_136, %dma_start3A_144, %add3A_22] : memref<9x200x16384xf32, #tpu.memory_space<hbm>> -> memref<1x8x256xf32, #tpu.memory_space<hbm>>
    %dma_start3A_146 = tpu.memref_squeeze %dma_start3A_145 : memref<1x8x256xf32, #tpu.memory_space<hbm>> -> memref<8x256xf32, #tpu.memory_space<hbm>>
    %dma_start3A_147 = arith.constant 0 : i32
    %dma_start3A_148 = arith.constant 0 : i32
    %dma_start3A_149 = tpu.memref_slice %arg8[%dma_start3A_135, %dma_start3A_147, %dma_start3A_148] : memref<9x8x256xf32, #tpu.memory_space<vmem>> -> memref<1x8x256xf32, #tpu.memory_space<vmem>>
    %dma_start3A_150 = tpu.memref_squeeze %dma_start3A_149 : memref<1x8x256xf32, #tpu.memory_space<vmem>> -> memref<8x256xf32, #tpu.memory_space<vmem>>
    tpu.enqueue_dma source(%dma_start3A_150 : memref<8x256xf32, #tpu.memory_space<vmem>>) target(%dma_start3A_146 : memref<8x256xf32, #tpu.memory_space<hbm>>) target_semaphore(%arg12 : memref<!tpu.dma_semaphore, #tpu.memory_space<semaphore_mem>>)
    %dma_start3A_151 = arith.constant 8 : i32
    %dma_start3A_152 = arith.constant 8 : i32
    %dma_start3A_153 = arith.constant 0 : i32
    %dma_start3A_154 = arith.constant 0 : i32
    %dma_start3A_155 = tpu.memref_slice %arg8[%dma_start3A_151, %dma_start3A_153, %dma_start3A_154] : memref<9x8x256xf32, #tpu.memory_space<vmem>> -> memref<1x8x256xf32, #tpu.memory_space<vmem>>
    %dma_start3A_156 = tpu.memref_squeeze %dma_start3A_155 : memref<1x8x256xf32, #tpu.memory_space<vmem>> -> memref<8x256xf32, #tpu.memory_space<vmem>>
    %dma_start3A_157 = arith.constant 0 : i32
    %dma_start3A_158 = tpu.memref_slice %arg4[%dma_start3A_152, %dma_start3A_157, %add3A_22] : memref<9x200x16384xf32, #tpu.memory_space<hbm>> -> memref<1x8x256xf32, #tpu.memory_space<hbm>>
    %dma_start3A_159 = tpu.memref_squeeze %dma_start3A_158 : memref<1x8x256xf32, #tpu.memory_space<hbm>> -> memref<8x256xf32, #tpu.memory_space<hbm>>
    %dma_start3A_160 = arith.constant 0 : i32
    %dma_start3A_161 = tpu.memref_slice %arg4[%dma_start3A_152, %dma_start3A_160, %add3A_22] : memref<9x200x16384xf32, #tpu.memory_space<hbm>> -> memref<1x8x256xf32, #tpu.memory_space<hbm>>
    %dma_start3A_162 = tpu.memref_squeeze %dma_start3A_161 : memref<1x8x256xf32, #tpu.memory_space<hbm>> -> memref<8x256xf32, #tpu.memory_space<hbm>>
    %dma_start3A_163 = arith.constant 0 : i32
    %dma_start3A_164 = arith.constant 0 : i32
    %dma_start3A_165 = tpu.memref_slice %arg8[%dma_start3A_151, %dma_start3A_163, %dma_start3A_164] : memref<9x8x256xf32, #tpu.memory_space<vmem>> -> memref<1x8x256xf32, #tpu.memory_space<vmem>>
    %dma_start3A_166 = tpu.memref_squeeze %dma_start3A_165 : memref<1x8x256xf32, #tpu.memory_space<vmem>> -> memref<8x256xf32, #tpu.memory_space<vmem>>
    tpu.enqueue_dma source(%dma_start3A_166 : memref<8x256xf32, #tpu.memory_space<vmem>>) target(%dma_start3A_162 : memref<8x256xf32, #tpu.memory_space<hbm>>) target_semaphore(%arg12 : memref<!tpu.dma_semaphore, #tpu.memory_space<semaphore_mem>>)
    %add3A_167 = arith.constant 0 : i32
    %add3A_168 = arith.addi %mul3A_2, %add3A_167 : i32
    %dma_start3A_169 = arith.constant 8 : i32
    %dma_start3A_170 = tpu.memref_slice %arg2[%dma_start3A_169, %add3A_168] : memref<200x16384xi32, #tpu.memory_space<hbm>> -> memref<8x256xi32, #tpu.memory_space<hbm>>
    %dma_start3A_171 = arith.constant 8 : i32
    %dma_start3A_172 = tpu.memref_slice %arg2[%dma_start3A_171, %add3A_168] : memref<200x16384xi32, #tpu.memory_space<hbm>> -> memref<8x256xi32, #tpu.memory_space<hbm>>
    tpu.enqueue_dma source(%dma_start3A_172 : memref<8x256xi32, #tpu.memory_space<hbm>>) target(%arg6 : memref<8x256xi32, #tpu.memory_space<vmem>>) target_semaphore(%arg10 : memref<!tpu.dma_semaphore, #tpu.memory_space<semaphore_mem>>)
    %add3A_173 = arith.constant 256 : i32
    %add3A_174 = arith.addi %mul3A_2, %add3A_173 : i32
    %dma_wait3A_175 = arith.constant 0 : i32
    %dma_wait3A_176 = tpu.memref_slice %arg2[%dma_wait3A_175, %add3A_174] : memref<200x16384xi32, #tpu.memory_space<hbm>> -> memref<8x256xi32, #tpu.memory_space<hbm>>
    %dma_wait3A_177 = arith.constant 0 : i32
    %dma_wait3A_178 = tpu.memref_slice %arg2[%dma_wait3A_177, %add3A_174] : memref<200x16384xi32, #tpu.memory_space<hbm>> -> memref<8x256xi32, #tpu.memory_space<hbm>>
    tpu.wait_dma2 semaphore(%arg11 : memref<!tpu.dma_semaphore, #tpu.memory_space<semaphore_mem>>) src(%dma_wait3A_178 : memref<8x256xi32, #tpu.memory_space<hbm>>) dst(%arg7 : memref<8x256xi32, #tpu.memory_space<vmem>>)
    %parallel_loop3A_179 = arith.constant 0 : i32
    %parallel_loop3A_180 = arith.constant 128 : i32
    %parallel_loop3A_181 = arith.constant 1 : i32
    scf.for %parallel_loop3A_354 = %parallel_loop3A_179 to %parallel_loop3A_180 step %parallel_loop3A_181  : i32 {
      %parallel_loop3A_355 = arith.constant 16 : i32
      %parallel_loop3A_356 = arith.divsi %parallel_loop3A_354, %parallel_loop3A_355 : i32
      %parallel_loop3A_357 = arith.constant 0 : i32
      %parallel_loop3A_358 = arith.cmpi sgt, %parallel_loop3A_354, %parallel_loop3A_357 : i32
      %parallel_loop3A_359 = arith.extui %parallel_loop3A_358 : i1 to i32
      %parallel_loop3A_360 = arith.constant 0 : i32
      %parallel_loop3A_361 = arith.cmpi slt, %parallel_loop3A_354, %parallel_loop3A_360 : i32
      %parallel_loop3A_362 = arith.extui %parallel_loop3A_361 : i1 to i32
      %parallel_loop3A_363 = arith.subi %parallel_loop3A_359, %parallel_loop3A_362 : i32
      %parallel_loop3A_364 = arith.constant 0 : i32
      %parallel_loop3A_365 = arith.cmpi sgt, %parallel_loop3A_355, %parallel_loop3A_364 : i32
      %parallel_loop3A_366 = arith.extui %parallel_loop3A_365 : i1 to i32
      %parallel_loop3A_367 = arith.constant 0 : i32
      %parallel_loop3A_368 = arith.cmpi slt, %parallel_loop3A_355, %parallel_loop3A_367 : i32
      %parallel_loop3A_369 = arith.extui %parallel_loop3A_368 : i1 to i32
      %parallel_loop3A_370 = arith.subi %parallel_loop3A_366, %parallel_loop3A_369 : i32
      %parallel_loop3A_371 = arith.cmpi ne, %parallel_loop3A_363, %parallel_loop3A_370 : i32
      %parallel_loop3A_372 = arith.remsi %parallel_loop3A_354, %parallel_loop3A_355 : i32
      %parallel_loop3A_373 = arith.constant 0 : i32
      %parallel_loop3A_374 = arith.cmpi ne, %parallel_loop3A_372, %parallel_loop3A_373 : i32
      %parallel_loop3A_375 = arith.andi %parallel_loop3A_371, %parallel_loop3A_374 : i1
      %parallel_loop3A_376 = arith.constant 1 : i32
      %parallel_loop3A_377 = arith.subi %parallel_loop3A_356, %parallel_loop3A_376 : i32
      %parallel_loop3A_378 = arith.select %parallel_loop3A_375, %parallel_loop3A_377, %parallel_loop3A_356 : i32
      %parallel_loop3A_379 = arith.constant 16 : i32
      %parallel_loop3A_380 = arith.constant 0 : i32
      %parallel_loop3A_381 = arith.cmpi eq, %parallel_loop3A_379, %parallel_loop3A_380 : i32
      %parallel_loop3A_382 = arith.constant 1 : i32
      %parallel_loop3A_383 = arith.select %parallel_loop3A_381, %parallel_loop3A_382, %parallel_loop3A_379 : i32
      %parallel_loop3A_384 = arith.remsi %parallel_loop3A_354, %parallel_loop3A_383 : i32
      %parallel_loop3A_385 = arith.constant 0 : i32
      %parallel_loop3A_386 = arith.cmpi ne, %parallel_loop3A_384, %parallel_loop3A_385 : i32
      %parallel_loop3A_387 = arith.constant 0 : i32
      %parallel_loop3A_388 = arith.cmpi slt, %parallel_loop3A_384, %parallel_loop3A_387 : i32
      %parallel_loop3A_389 = arith.constant 0 : i32
      %parallel_loop3A_390 = arith.cmpi slt, %parallel_loop3A_383, %parallel_loop3A_389 : i32
      %parallel_loop3A_391 = arith.xori %parallel_loop3A_388, %parallel_loop3A_390 : i1
      %parallel_loop3A_392 = arith.andi %parallel_loop3A_391, %parallel_loop3A_386 : i1
      %parallel_loop3A_393 = arith.addi %parallel_loop3A_384, %parallel_loop3A_383 : i32
      %parallel_loop3A_394 = arith.select %parallel_loop3A_392, %parallel_loop3A_393, %parallel_loop3A_384 : i32
      %parallel_loop3A_395 = arith.constant 16 : i32
      %parallel_loop3A_396 = arith.muli %parallel_loop3A_394, %parallel_loop3A_395 : i32
      %parallel_loop3A_397 = arith.index_cast %parallel_loop3A_378 : i32 to index
      %parallel_loop3A_398 = arith.index_cast %parallel_loop3A_396 : i32 to index
      %parallel_loop3A_399 = tpu.vector_load %arg7[%parallel_loop3A_397, %parallel_loop3A_398] {strides = array<i32>} : memref<8x256xi32, #tpu.memory_space<vmem>>, vector<16xi32>,
      %parallel_loop3A_400 = arith.constant 0 : i32
      %parallel_loop3A_401 = vector.broadcast %parallel_loop3A_400 : i32 to vector<16xi32>
      %parallel_loop3A_402 = tpu.vector_load_idx %arg5[%parallel_loop3A_401, %parallel_loop3A_399] : memref<9x100xf32, #tpu.memory_space<vmem>>[vector<16xi32>, vector<16xi32>], vector<16xf32>,
      %parallel_loop3A_403 = arith.constant 0 : i32
      %parallel_loop3A_404 = arith.index_cast %parallel_loop3A_403 : i32 to index
      %parallel_loop3A_405 = arith.index_cast %parallel_loop3A_378 : i32 to index
      %parallel_loop3A_406 = arith.index_cast %parallel_loop3A_396 : i32 to index
      %parallel_loop3A_407 = tpu.vector_load %arg9[%parallel_loop3A_404, %parallel_loop3A_405, %parallel_loop3A_406] {strides = array<i32>} : memref<9x8x256xf32, #tpu.memory_space<vmem>>, vector<16xf32>,
      tpu.vector_store %arg9[%parallel_loop3A_404, %parallel_loop3A_405, %parallel_loop3A_406], %parallel_loop3A_402 {strides = array<i32>} : memref<9x8x256xf32, #tpu.memory_space<vmem>>, vector<16xf32>,
      %parallel_loop3A_408 = arith.constant 1 : i32
      %parallel_loop3A_409 = vector.broadcast %parallel_loop3A_408 : i32 to vector<16xi32>
      %parallel_loop3A_410 = tpu.vector_load_idx %arg5[%parallel_loop3A_409, %parallel_loop3A_399] : memref<9x100xf32, #tpu.memory_space<vmem>>[vector<16xi32>, vector<16xi32>], vector<16xf32>,
      %parallel_loop3A_411 = arith.constant 1 : i32
      %parallel_loop3A_412 = arith.index_cast %parallel_loop3A_411 : i32 to index
      %parallel_loop3A_413 = arith.index_cast %parallel_loop3A_378 : i32 to index
      %parallel_loop3A_414 = arith.index_cast %parallel_loop3A_396 : i32 to index
      %parallel_loop3A_415 = tpu.vector_load %arg9[%parallel_loop3A_412, %parallel_loop3A_413, %parallel_loop3A_414] {strides = array<i32>} : memref<9x8x256xf32, #tpu.memory_space<vmem>>, vector<16xf32>,
      tpu.vector_store %arg9[%parallel_loop3A_412, %parallel_loop3A_413, %parallel_loop3A_414], %parallel_loop3A_410 {strides = array<i32>} : memref<9x8x256xf32, #tpu.memory_space<vmem>>, vector<16xf32>,
      %parallel_loop3A_416 = arith.constant 2 : i32
      %parallel_loop3A_417 = vector.broadcast %parallel_loop3A_416 : i32 to vector<16xi32>
      %parallel_loop3A_418 = tpu.vector_load_idx %arg5[%parallel_loop3A_417, %parallel_loop3A_399] : memref<9x100xf32, #tpu.memory_space<vmem>>[vector<16xi32>, vector<16xi32>], vector<16xf32>,
      %parallel_loop3A_419 = arith.constant 2 : i32
      %parallel_loop3A_420 = arith.index_cast %parallel_loop3A_419 : i32 to index
      %parallel_loop3A_421 = arith.index_cast %parallel_loop3A_378 : i32 to index
      %parallel_loop3A_422 = arith.index_cast %parallel_loop3A_396 : i32 to index
      %parallel_loop3A_423 = tpu.vector_load %arg9[%parallel_loop3A_420, %parallel_loop3A_421, %parallel_loop3A_422] {strides = array<i32>} : memref<9x8x256xf32, #tpu.memory_space<vmem>>, vector<16xf32>,
      tpu.vector_store %arg9[%parallel_loop3A_420, %parallel_loop3A_421, %parallel_loop3A_422], %parallel_loop3A_418 {strides = array<i32>} : memref<9x8x256xf32, #tpu.memory_space<vmem>>, vector<16xf32>,
      %parallel_loop3A_424 = arith.constant 3 : i32
      %parallel_loop3A_425 = vector.broadcast %parallel_loop3A_424 : i32 to vector<16xi32>
      %parallel_loop3A_426 = tpu.vector_load_idx %arg5[%parallel_loop3A_425, %parallel_loop3A_399] : memref<9x100xf32, #tpu.memory_space<vmem>>[vector<16xi32>, vector<16xi32>], vector<16xf32>,
      %parallel_loop3A_427 = arith.constant 3 : i32
      %parallel_loop3A_428 = arith.index_cast %parallel_loop3A_427 : i32 to index
      %parallel_loop3A_429 = arith.index_cast %parallel_loop3A_378 : i32 to index
      %parallel_loop3A_430 = arith.index_cast %parallel_loop3A_396 : i32 to index
      %parallel_loop3A_431 = tpu.vector_load %arg9[%parallel_loop3A_428, %parallel_loop3A_429, %parallel_loop3A_430] {strides = array<i32>} : memref<9x8x256xf32, #tpu.memory_space<vmem>>, vector<16xf32>,
      tpu.vector_store %arg9[%parallel_loop3A_428, %parallel_loop3A_429, %parallel_loop3A_430], %parallel_loop3A_426 {strides = array<i32>} : memref<9x8x256xf32, #tpu.memory_space<vmem>>, vector<16xf32>,
      %parallel_loop3A_432 = arith.constant 4 : i32
      %parallel_loop3A_433 = vector.broadcast %parallel_loop3A_432 : i32 to vector<16xi32>
      %parallel_loop3A_434 = tpu.vector_load_idx %arg5[%parallel_loop3A_433, %parallel_loop3A_399] : memref<9x100xf32, #tpu.memory_space<vmem>>[vector<16xi32>, vector<16xi32>], vector<16xf32>,
      %parallel_loop3A_435 = arith.constant 4 : i32
      %parallel_loop3A_436 = arith.index_cast %parallel_loop3A_435 : i32 to index
      %parallel_loop3A_437 = arith.index_cast %parallel_loop3A_378 : i32 to index
      %parallel_loop3A_438 = arith.index_cast %parallel_loop3A_396 : i32 to index
      %parallel_loop3A_439 = tpu.vector_load %arg9[%parallel_loop3A_436, %parallel_loop3A_437, %parallel_loop3A_438] {strides = array<i32>} : memref<9x8x256xf32, #tpu.memory_space<vmem>>, vector<16xf32>,
      tpu.vector_store %arg9[%parallel_loop3A_436, %parallel_loop3A_437, %parallel_loop3A_438], %parallel_loop3A_434 {strides = array<i32>} : memref<9x8x256xf32, #tpu.memory_space<vmem>>, vector<16xf32>,
      %parallel_loop3A_440 = arith.constant 5 : i32
      %parallel_loop3A_441 = vector.broadcast %parallel_loop3A_440 : i32 to vector<16xi32>
      %parallel_loop3A_442 = tpu.vector_load_idx %arg5[%parallel_loop3A_441, %parallel_loop3A_399] : memref<9x100xf32, #tpu.memory_space<vmem>>[vector<16xi32>, vector<16xi32>], vector<16xf32>,
      %parallel_loop3A_443 = arith.constant 5 : i32
      %parallel_loop3A_444 = arith.index_cast %parallel_loop3A_443 : i32 to index
      %parallel_loop3A_445 = arith.index_cast %parallel_loop3A_378 : i32 to index
      %parallel_loop3A_446 = arith.index_cast %parallel_loop3A_396 : i32 to index
      %parallel_loop3A_447 = tpu.vector_load %arg9[%parallel_loop3A_444, %parallel_loop3A_445, %parallel_loop3A_446] {strides = array<i32>} : memref<9x8x256xf32, #tpu.memory_space<vmem>>, vector<16xf32>,
      tpu.vector_store %arg9[%parallel_loop3A_444, %parallel_loop3A_445, %parallel_loop3A_446], %parallel_loop3A_442 {strides = array<i32>} : memref<9x8x256xf32, #tpu.memory_space<vmem>>, vector<16xf32>,
      %parallel_loop3A_448 = arith.constant 6 : i32
      %parallel_loop3A_449 = vector.broadcast %parallel_loop3A_448 : i32 to vector<16xi32>
      %parallel_loop3A_450 = tpu.vector_load_idx %arg5[%parallel_loop3A_449, %parallel_loop3A_399] : memref<9x100xf32, #tpu.memory_space<vmem>>[vector<16xi32>, vector<16xi32>], vector<16xf32>,
      %parallel_loop3A_451 = arith.constant 6 : i32
      %parallel_loop3A_452 = arith.index_cast %parallel_loop3A_451 : i32 to index
      %parallel_loop3A_453 = arith.index_cast %parallel_loop3A_378 : i32 to index
      %parallel_loop3A_454 = arith.index_cast %parallel_loop3A_396 : i32 to index
      %parallel_loop3A_455 = tpu.vector_load %arg9[%parallel_loop3A_452, %parallel_loop3A_453, %parallel_loop3A_454] {strides = array<i32>} : memref<9x8x256xf32, #tpu.memory_space<vmem>>, vector<16xf32>,
      tpu.vector_store %arg9[%parallel_loop3A_452, %parallel_loop3A_453, %parallel_loop3A_454], %parallel_loop3A_450 {strides = array<i32>} : memref<9x8x256xf32, #tpu.memory_space<vmem>>, vector<16xf32>,
      %parallel_loop3A_456 = arith.constant 7 : i32
      %parallel_loop3A_457 = vector.broadcast %parallel_loop3A_456 : i32 to vector<16xi32>
      %parallel_loop3A_458 = tpu.vector_load_idx %arg5[%parallel_loop3A_457, %parallel_loop3A_399] : memref<9x100xf32, #tpu.memory_space<vmem>>[vector<16xi32>, vector<16xi32>], vector<16xf32>,
      %parallel_loop3A_459 = arith.constant 7 : i32
      %parallel_loop3A_460 = arith.index_cast %parallel_loop3A_459 : i32 to index
      %parallel_loop3A_461 = arith.index_cast %parallel_loop3A_378 : i32 to index
      %parallel_loop3A_462 = arith.index_cast %parallel_loop3A_396 : i32 to index
      %parallel_loop3A_463 = tpu.vector_load %arg9[%parallel_loop3A_460, %parallel_loop3A_461, %parallel_loop3A_462] {strides = array<i32>} : memref<9x8x256xf32, #tpu.memory_space<vmem>>, vector<16xf32>,
      tpu.vector_store %arg9[%parallel_loop3A_460, %parallel_loop3A_461, %parallel_loop3A_462], %parallel_loop3A_458 {strides = array<i32>} : memref<9x8x256xf32, #tpu.memory_space<vmem>>, vector<16xf32>,
      %parallel_loop3A_464 = arith.constant 8 : i32
      %parallel_loop3A_465 = vector.broadcast %parallel_loop3A_464 : i32 to vector<16xi32>
      %parallel_loop3A_466 = tpu.vector_load_idx %arg5[%parallel_loop3A_465, %parallel_loop3A_399] : memref<9x100xf32, #tpu.memory_space<vmem>>[vector<16xi32>, vector<16xi32>], vector<16xf32>,
      %parallel_loop3A_467 = arith.constant 8 : i32
      %parallel_loop3A_468 = arith.index_cast %parallel_loop3A_467 : i32 to index
      %parallel_loop3A_469 = arith.index_cast %parallel_loop3A_378 : i32 to index
      %parallel_loop3A_470 = arith.index_cast %parallel_loop3A_396 : i32 to index
      %parallel_loop3A_471 = tpu.vector_load %arg9[%parallel_loop3A_468, %parallel_loop3A_469, %parallel_loop3A_470] {strides = array<i32>} : memref<9x8x256xf32, #tpu.memory_space<vmem>>, vector<16xf32>,
      tpu.vector_store %arg9[%parallel_loop3A_468, %parallel_loop3A_469, %parallel_loop3A_470], %parallel_loop3A_466 {strides = array<i32>} : memref<9x8x256xf32, #tpu.memory_space<vmem>>, vector<16xf32>,
    } {sc.loop_unroll_factor = 4 : i64, sc.parallel_access}
    %add3A_182 = arith.constant 256 : i32
    %add3A_183 = arith.addi %mul3A_2, %add3A_182 : i32
    %dma_start3A_184 = arith.constant 0 : i32
    %dma_start3A_185 = arith.constant 0 : i32
    %dma_start3A_186 = arith.constant 0 : i32
    %dma_start3A_187 = arith.constant 0 : i32
    %dma_start3A_188 = tpu.memref_slice %arg9[%dma_start3A_184, %dma_start3A_186, %dma_start3A_187] : memref<9x8x256xf32, #tpu.memory_space<vmem>> -> memref<1x8x256xf32, #tpu.memory_space<vmem>>
    %dma_start3A_189 = tpu.memref_squeeze %dma_start3A_188 : memref<1x8x256xf32, #tpu.memory_space<vmem>> -> memref<8x256xf32, #tpu.memory_space<vmem>>
    %dma_start3A_190 = arith.constant 0 : i32
    %dma_start3A_191 = tpu.memref_slice %arg4[%dma_start3A_185, %dma_start3A_190, %add3A_183] : memref<9x200x16384xf32, #tpu.memory_space<hbm>> -> memref<1x8x256xf32, #tpu.memory_space<hbm>>
    %dma_start3A_192 = tpu.memref_squeeze %dma_start3A_191 : memref<1x8x256xf32, #tpu.memory_space<hbm>> -> memref<8x256xf32, #tpu.memory_space<hbm>>
    %dma_start3A_193 = arith.constant 0 : i32
    %dma_start3A_194 = tpu.memref_slice %arg4[%dma_start3A_185, %dma_start3A_193, %add3A_183] : memref<9x200x16384xf32, #tpu.memory_space<hbm>> -> memref<1x8x256xf32, #tpu.memory_space<hbm>>
    %dma_start3A_195 = tpu.memref_squeeze %dma_start3A_194 : memref<1x8x256xf32, #tpu.memory_space<hbm>> -> memref<8x256xf32, #tpu.memory_space<hbm>>
    %dma_start3A_196 = arith.constant 0 : i32
    %dma_start3A_197 = arith.constant 0 : i32
    %dma_start3A_198 = tpu.memref_slice %arg9[%dma_start3A_184, %dma_start3A_196, %dma_start3A_197] : memref<9x8x256xf32, #tpu.memory_space<vmem>> -> memref<1x8x256xf32, #tpu.memory_space<vmem>>
    %dma_start3A_199 = tpu.memref_squeeze %dma_start3A_198 : memref<1x8x256xf32, #tpu.memory_space<vmem>> -> memref<8x256xf32, #tpu.memory_space<vmem>>
    tpu.enqueue_dma source(%dma_start3A_199 : memref<8x256xf32, #tpu.memory_space<vmem>>) target(%dma_start3A_195 : memref<8x256xf32, #tpu.memory_space<hbm>>) target_semaphore(%arg13 : memref<!tpu.dma_semaphore, #tpu.memory_space<semaphore_mem>>)
    %dma_start3A_200 = arith.constant 1 : i32
    %dma_start3A_201 = arith.constant 1 : i32
    %dma_start3A_202 = arith.constant 0 : i32
    %dma_start3A_203 = arith.constant 0 : i32
    %dma_start3A_204 = tpu.memref_slice %arg9[%dma_start3A_200, %dma_start3A_202, %dma_start3A_203] : memref<9x8x256xf32, #tpu.memory_space<vmem>> -> memref<1x8x256xf32, #tpu.memory_space<vmem>>
    %dma_start3A_205 = tpu.memref_squeeze %dma_start3A_204 : memref<1x8x256xf32, #tpu.memory_space<vmem>> -> memref<8x256xf32, #tpu.memory_space<vmem>>
    %dma_start3A_206 = arith.constant 0 : i32
    %dma_start3A_207 = tpu.memref_slice %arg4[%dma_start3A_201, %dma_start3A_206, %add3A_183] : memref<9x200x16384xf32, #tpu.memory_space<hbm>> -> memref<1x8x256xf32, #tpu.memory_space<hbm>>
    %dma_start3A_208 = tpu.memref_squeeze %dma_start3A_207 : memref<1x8x256xf32, #tpu.memory_space<hbm>> -> memref<8x256xf32, #tpu.memory_space<hbm>>
    %dma_start3A_209 = arith.constant 0 : i32
    %dma_start3A_210 = tpu.memref_slice %arg4[%dma_start3A_201, %dma_start3A_209, %add3A_183] : memref<9x200x16384xf32, #tpu.memory_space<hbm>> -> memref<1x8x256xf32, #tpu.memory_space<hbm>>
    %dma_start3A_211 = tpu.memref_squeeze %dma_start3A_210 : memref<1x8x256xf32, #tpu.memory_space<hbm>> -> memref<8x256xf32, #tpu.memory_space<hbm>>
    %dma_start3A_212 = arith.constant 0 : i32
    %dma_start3A_213 = arith.constant 0 : i32
    %dma_start3A_214 = tpu.memref_slice %arg9[%dma_start3A_200, %dma_start3A_212, %dma_start3A_213] : memref<9x8x256xf32, #tpu.memory_space<vmem>> -> memref<1x8x256xf32, #tpu.memory_space<vmem>>
    %dma_start3A_215 = tpu.memref_squeeze %dma_start3A_214 : memref<1x8x256xf32, #tpu.memory_space<vmem>> -> memref<8x256xf32, #tpu.memory_space<vmem>>
    tpu.enqueue_dma source(%dma_start3A_215 : memref<8x256xf32, #tpu.memory_space<vmem>>) target(%dma_start3A_211 : memref<8x256xf32, #tpu.memory_space<hbm>>) target_semaphore(%arg13 : memref<!tpu.dma_semaphore, #tpu.memory_space<semaphore_mem>>)
    %dma_start3A_216 = arith.constant 2 : i32
    %dma_start3A_217 = arith.constant 2 : i32
    %dma_start3A_218 = arith.constant 0 : i32
    %dma_start3A_219 = arith.constant 0 : i32
    %dma_start3A_220 = tpu.memref_slice %arg9[%dma_start3A_216, %dma_start3A_218, %dma_start3A_219] : memref<9x8x256xf32, #tpu.memory_space<vmem>> -> memref<1x8x256xf32, #tpu.memory_space<vmem>>
    %dma_start3A_221 = tpu.memref_squeeze %dma_start3A_220 : memref<1x8x256xf32, #tpu.memory_space<vmem>> -> memref<8x256xf32, #tpu.memory_space<vmem>>
    %dma_start3A_222 = arith.constant 0 : i32
    %dma_start3A_223 = tpu.memref_slice %arg4[%dma_start3A_217, %dma_start3A_222, %add3A_183] : memref<9x200x16384xf32, #tpu.memory_space<hbm>> -> memref<1x8x256xf32, #tpu.memory_space<hbm>>
    %dma_start3A_224 = tpu.memref_squeeze %dma_start3A_223 : memref<1x8x256xf32, #tpu.memory_space<hbm>> -> memref<8x256xf32, #tpu.memory_space<hbm>>
    %dma_start3A_225 = arith.constant 0 : i32
    %dma_start3A_226 = tpu.memref_slice %arg4[%dma_start3A_217, %dma_start3A_225, %add3A_183] : memref<9x200x16384xf32, #tpu.memory_space<hbm>> -> memref<1x8x256xf32, #tpu.memory_space<hbm>>
    %dma_start3A_227 = tpu.memref_squeeze %dma_start3A_226 : memref<1x8x256xf32, #tpu.memory_space<hbm>> -> memref<8x256xf32, #tpu.memory_space<hbm>>
    %dma_start3A_228 = arith.constant 0 : i32
    %dma_start3A_229 = arith.constant 0 : i32
    %dma_start3A_230 = tpu.memref_slice %arg9[%dma_start3A_216, %dma_start3A_228, %dma_start3A_229] : memref<9x8x256xf32, #tpu.memory_space<vmem>> -> memref<1x8x256xf32, #tpu.memory_space<vmem>>
    %dma_start3A_231 = tpu.memref_squeeze %dma_start3A_230 : memref<1x8x256xf32, #tpu.memory_space<vmem>> -> memref<8x256xf32, #tpu.memory_space<vmem>>
    tpu.enqueue_dma source(%dma_start3A_231 : memref<8x256xf32, #tpu.memory_space<vmem>>) target(%dma_start3A_227 : memref<8x256xf32, #tpu.memory_space<hbm>>) target_semaphore(%arg13 : memref<!tpu.dma_semaphore, #tpu.memory_space<semaphore_mem>>)
    %dma_start3A_232 = arith.constant 3 : i32
    %dma_start3A_233 = arith.constant 3 : i32
    %dma_start3A_234 = arith.constant 0 : i32
    %dma_start3A_235 = arith.constant 0 : i32
    %dma_start3A_236 = tpu.memref_slice %arg9[%dma_start3A_232, %dma_start3A_234, %dma_start3A_235] : memref<9x8x256xf32, #tpu.memory_space<vmem>> -> memref<1x8x256xf32, #tpu.memory_space<vmem>>
    %dma_start3A_237 = tpu.memref_squeeze %dma_start3A_236 : memref<1x8x256xf32, #tpu.memory_space<vmem>> -> memref<8x256xf32, #tpu.memory_space<vmem>>
    %dma_start3A_238 = arith.constant 0 : i32
    %dma_start3A_239 = tpu.memref_slice %arg4[%dma_start3A_233, %dma_start3A_238, %add3A_183] : memref<9x200x16384xf32, #tpu.memory_space<hbm>> -> memref<1x8x256xf32, #tpu.memory_space<hbm>>
    %dma_start3A_240 = tpu.memref_squeeze %dma_start3A_239 : memref<1x8x256xf32, #tpu.memory_space<hbm>> -> memref<8x256xf32, #tpu.memory_space<hbm>>
    %dma_start3A_241 = arith.constant 0 : i32
    %dma_start3A_242 = tpu.memref_slice %arg4[%dma_start3A_233, %dma_start3A_241, %add3A_183] : memref<9x200x16384xf32, #tpu.memory_space<hbm>> -> memref<1x8x256xf32, #tpu.memory_space<hbm>>
    %dma_start3A_243 = tpu.memref_squeeze %dma_start3A_242 : memref<1x8x256xf32, #tpu.memory_space<hbm>> -> memref<8x256xf32, #tpu.memory_space<hbm>>
    %dma_start3A_244 = arith.constant 0 : i32
    %dma_start3A_245 = arith.constant 0 : i32
    %dma_start3A_246 = tpu.memref_slice %arg9[%dma_start3A_232, %dma_start3A_244, %dma_start3A_245] : memref<9x8x256xf32, #tpu.memory_space<vmem>> -> memref<1x8x256xf32, #tpu.memory_space<vmem>>
    %dma_start3A_247 = tpu.memref_squeeze %dma_start3A_246 : memref<1x8x256xf32, #tpu.memory_space<vmem>> -> memref<8x256xf32, #tpu.memory_space<vmem>>
    tpu.enqueue_dma source(%dma_start3A_247 : memref<8x256xf32, #tpu.memory_space<vmem>>) target(%dma_start3A_243 : memref<8x256xf32, #tpu.memory_space<hbm>>) target_semaphore(%arg13 : memref<!tpu.dma_semaphore, #tpu.memory_space<semaphore_mem>>)
    %dma_start3A_248 = arith.constant 4 : i32
    %dma_start3A_249 = arith.constant 4 : i32
    %dma_start3A_250 = arith.constant 0 : i32
    %dma_start3A_251 = arith.constant 0 : i32
    %dma_start3A_252 = tpu.memref_slice %arg9[%dma_start3A_248, %dma_start3A_250, %dma_start3A_251] : memref<9x8x256xf32, #tpu.memory_space<vmem>> -> memref<1x8x256xf32, #tpu.memory_space<vmem>>
    %dma_start3A_253 = tpu.memref_squeeze %dma_start3A_252 : memref<1x8x256xf32, #tpu.memory_space<vmem>> -> memref<8x256xf32, #tpu.memory_space<vmem>>
    %dma_start3A_254 = arith.constant 0 : i32
    %dma_start3A_255 = tpu.memref_slice %arg4[%dma_start3A_249, %dma_start3A_254, %add3A_183] : memref<9x200x16384xf32, #tpu.memory_space<hbm>> -> memref<1x8x256xf32, #tpu.memory_space<hbm>>
    %dma_start3A_256 = tpu.memref_squeeze %dma_start3A_255 : memref<1x8x256xf32, #tpu.memory_space<hbm>> -> memref<8x256xf32, #tpu.memory_space<hbm>>
    %dma_start3A_257 = arith.constant 0 : i32
    %dma_start3A_258 = tpu.memref_slice %arg4[%dma_start3A_249, %dma_start3A_257, %add3A_183] : memref<9x200x16384xf32, #tpu.memory_space<hbm>> -> memref<1x8x256xf32, #tpu.memory_space<hbm>>
    %dma_start3A_259 = tpu.memref_squeeze %dma_start3A_258 : memref<1x8x256xf32, #tpu.memory_space<hbm>> -> memref<8x256xf32, #tpu.memory_space<hbm>>
    %dma_start3A_260 = arith.constant 0 : i32
    %dma_start3A_261 = arith.constant 0 : i32
    %dma_start3A_262 = tpu.memref_slice %arg9[%dma_start3A_248, %dma_start3A_260, %dma_start3A_261] : memref<9x8x256xf32, #tpu.memory_space<vmem>> -> memref<1x8x256xf32, #tpu.memory_space<vmem>>
    %dma_start3A_263 = tpu.memref_squeeze %dma_start3A_262 : memref<1x8x256xf32, #tpu.memory_space<vmem>> -> memref<8x256xf32, #tpu.memory_space<vmem>>
    tpu.enqueue_dma source(%dma_start3A_263 : memref<8x256xf32, #tpu.memory_space<vmem>>) target(%dma_start3A_259 : memref<8x256xf32, #tpu.memory_space<hbm>>) target_semaphore(%arg13 : memref<!tpu.dma_semaphore, #tpu.memory_space<semaphore_mem>>)
    %dma_start3A_264 = arith.constant 5 : i32
    %dma_start3A_265 = arith.constant 5 : i32
    %dma_start3A_266 = arith.constant 0 : i32
    %dma_start3A_267 = arith.constant 0 : i32
    %dma_start3A_268 = tpu.memref_slice %arg9[%dma_start3A_264, %dma_start3A_266, %dma_start3A_267] : memref<9x8x256xf32, #tpu.memory_space<vmem>> -> memref<1x8x256xf32, #tpu.memory_space<vmem>>
    %dma_start3A_269 = tpu.memref_squeeze %dma_start3A_268 : memref<1x8x256xf32, #tpu.memory_space<vmem>> -> memref<8x256xf32, #tpu.memory_space<vmem>>
    %dma_start3A_270 = arith.constant 0 : i32
    %dma_start3A_271 = tpu.memref_slice %arg4[%dma_start3A_265, %dma_start3A_270, %add3A_183] : memref<9x200x16384xf32, #tpu.memory_space<hbm>> -> memref<1x8x256xf32, #tpu.memory_space<hbm>>
    %dma_start3A_272 = tpu.memref_squeeze %dma_start3A_271 : memref<1x8x256xf32, #tpu.memory_space<hbm>> -> memref<8x256xf32, #tpu.memory_space<hbm>>
    %dma_start3A_273 = arith.constant 0 : i32
    %dma_start3A_274 = tpu.memref_slice %arg4[%dma_start3A_265, %dma_start3A_273, %add3A_183] : memref<9x200x16384xf32, #tpu.memory_space<hbm>> -> memref<1x8x256xf32, #tpu.memory_space<hbm>>
    %dma_start3A_275 = tpu.memref_squeeze %dma_start3A_274 : memref<1x8x256xf32, #tpu.memory_space<hbm>> -> memref<8x256xf32, #tpu.memory_space<hbm>>
    %dma_start3A_276 = arith.constant 0 : i32
    %dma_start3A_277 = arith.constant 0 : i32
    %dma_start3A_278 = tpu.memref_slice %arg9[%dma_start3A_264, %dma_start3A_276, %dma_start3A_277] : memref<9x8x256xf32, #tpu.memory_space<vmem>> -> memref<1x8x256xf32, #tpu.memory_space<vmem>>
    %dma_start3A_279 = tpu.memref_squeeze %dma_start3A_278 : memref<1x8x256xf32, #tpu.memory_space<vmem>> -> memref<8x256xf32, #tpu.memory_space<vmem>>
    tpu.enqueue_dma source(%dma_start3A_279 : memref<8x256xf32, #tpu.memory_space<vmem>>) target(%dma_start3A_275 : memref<8x256xf32, #tpu.memory_space<hbm>>) target_semaphore(%arg13 : memref<!tpu.dma_semaphore, #tpu.memory_space<semaphore_mem>>)
    %dma_start3A_280 = arith.constant 6 : i32
    %dma_start3A_281 = arith.constant 6 : i32
    %dma_start3A_282 = arith.constant 0 : i32
    %dma_start3A_283 = arith.constant 0 : i32
    %dma_start3A_284 = tpu.memref_slice %arg9[%dma_start3A_280, %dma_start3A_282, %dma_start3A_283] : memref<9x8x256xf32, #tpu.memory_space<vmem>> -> memref<1x8x256xf32, #tpu.memory_space<vmem>>
    %dma_start3A_285 = tpu.memref_squeeze %dma_start3A_284 : memref<1x8x256xf32, #tpu.memory_space<vmem>> -> memref<8x256xf32, #tpu.memory_space<vmem>>
    %dma_start3A_286 = arith.constant 0 : i32
    %dma_start3A_287 = tpu.memref_slice %arg4[%dma_start3A_281, %dma_start3A_286, %add3A_183] : memref<9x200x16384xf32, #tpu.memory_space<hbm>> -> memref<1x8x256xf32, #tpu.memory_space<hbm>>
    %dma_start3A_288 = tpu.memref_squeeze %dma_start3A_287 : memref<1x8x256xf32, #tpu.memory_space<hbm>> -> memref<8x256xf32, #tpu.memory_space<hbm>>
    %dma_start3A_289 = arith.constant 0 : i32
    %dma_start3A_290 = tpu.memref_slice %arg4[%dma_start3A_281, %dma_start3A_289, %add3A_183] : memref<9x200x16384xf32, #tpu.memory_space<hbm>> -> memref<1x8x256xf32, #tpu.memory_space<hbm>>
    %dma_start3A_291 = tpu.memref_squeeze %dma_start3A_290 : memref<1x8x256xf32, #tpu.memory_space<hbm>> -> memref<8x256xf32, #tpu.memory_space<hbm>>
    %dma_start3A_292 = arith.constant 0 : i32
    %dma_start3A_293 = arith.constant 0 : i32
    %dma_start3A_294 = tpu.memref_slice %arg9[%dma_start3A_280, %dma_start3A_292, %dma_start3A_293] : memref<9x8x256xf32, #tpu.memory_space<vmem>> -> memref<1x8x256xf32, #tpu.memory_space<vmem>>
    %dma_start3A_295 = tpu.memref_squeeze %dma_start3A_294 : memref<1x8x256xf32, #tpu.memory_space<vmem>> -> memref<8x256xf32, #tpu.memory_space<vmem>>
    tpu.enqueue_dma source(%dma_start3A_295 : memref<8x256xf32, #tpu.memory_space<vmem>>) target(%dma_start3A_291 : memref<8x256xf32, #tpu.memory_space<hbm>>) target_semaphore(%arg13 : memref<!tpu.dma_semaphore, #tpu.memory_space<semaphore_mem>>)
    %dma_start3A_296 = arith.constant 7 : i32
    %dma_start3A_297 = arith.constant 7 : i32
    %dma_start3A_298 = arith.constant 0 : i32
    %dma_start3A_299 = arith.constant 0 : i32
    %dma_start3A_300 = tpu.memref_slice %arg9[%dma_start3A_296, %dma_start3A_298, %dma_start3A_299] : memref<9x8x256xf32, #tpu.memory_space<vmem>> -> memref<1x8x256xf32, #tpu.memory_space<vmem>>
    %dma_start3A_301 = tpu.memref_squeeze %dma_start3A_300 : memref<1x8x256xf32, #tpu.memory_space<vmem>> -> memref<8x256xf32, #tpu.memory_space<vmem>>
    %dma_start3A_302 = arith.constant 0 : i32
    %dma_start3A_303 = tpu.memref_slice %arg4[%dma_start3A_297, %dma_start3A_302, %add3A_183] : memref<9x200x16384xf32, #tpu.memory_space<hbm>> -> memref<1x8x256xf32, #tpu.memory_space<hbm>>
    %dma_start3A_304 = tpu.memref_squeeze %dma_start3A_303 : memref<1x8x256xf32, #tpu.memory_space<hbm>> -> memref<8x256xf32, #tpu.memory_space<hbm>>
    %dma_start3A_305 = arith.constant 0 : i32
    %dma_start3A_306 = tpu.memref_slice %arg4[%dma_start3A_297, %dma_start3A_305, %add3A_183] : memref<9x200x16384xf32, #tpu.memory_space<hbm>> -> memref<1x8x256xf32, #tpu.memory_space<hbm>>
    %dma_start3A_307 = tpu.memref_squeeze %dma_start3A_306 : memref<1x8x256xf32, #tpu.memory_space<hbm>> -> memref<8x256xf32, #tpu.memory_space<hbm>>
    %dma_start3A_308 = arith.constant 0 : i32
    %dma_start3A_309 = arith.constant 0 : i32
    %dma_start3A_310 = tpu.memref_slice %arg9[%dma_start3A_296, %dma_start3A_308, %dma_start3A_309] : memref<9x8x256xf32, #tpu.memory_space<vmem>> -> memref<1x8x256xf32, #tpu.memory_space<vmem>>
    %dma_start3A_311 = tpu.memref_squeeze %dma_start3A_310 : memref<1x8x256xf32, #tpu.memory_space<vmem>> -> memref<8x256xf32, #tpu.memory_space<vmem>>
    tpu.enqueue_dma source(%dma_start3A_311 : memref<8x256xf32, #tpu.memory_space<vmem>>) target(%dma_start3A_307 : memref<8x256xf32, #tpu.memory_space<hbm>>) target_semaphore(%arg13 : memref<!tpu.dma_semaphore, #tpu.memory_space<semaphore_mem>>)
    %dma_start3A_312 = arith.constant 8 : i32
    %dma_start3A_313 = arith.constant 8 : i32
    %dma_start3A_314 = arith.constant 0 : i32
    %dma_start3A_315 = arith.constant 0 : i32
    %dma_start3A_316 = tpu.memref_slice %arg9[%dma_start3A_312, %dma_start3A_314, %dma_start3A_315] : memref<9x8x256xf32, #tpu.memory_space<vmem>> -> memref<1x8x256xf32, #tpu.memory_space<vmem>>
    %dma_start3A_317 = tpu.memref_squeeze %dma_start3A_316 : memref<1x8x256xf32, #tpu.memory_space<vmem>> -> memref<8x256xf32, #tpu.memory_space<vmem>>
    %dma_start3A_318 = arith.constant 0 : i32
    %dma_start3A_319 = tpu.memref_slice %arg4[%dma_start3A_313, %dma_start3A_318, %add3A_183] : memref<9x200x16384xf32, #tpu.memory_space<hbm>> -> memref<1x8x256xf32, #tpu.memory_space<hbm>>
    %dma_start3A_320 = tpu.memref_squeeze %dma_start3A_319 : memref<1x8x256xf32, #tpu.memory_space<hbm>> -> memref<8x256xf32, #tpu.memory_space<hbm>>
    %dma_start3A_321 = arith.constant 0 : i32
    %dma_start3A_322 = tpu.memref_slice %arg4[%dma_start3A_313, %dma_start3A_321, %add3A_183] : memref<9x200x16384xf32, #tpu.memory_space<hbm>> -> memref<1x8x256xf32, #tpu.memory_space<hbm>>
    %dma_start3A_323 = tpu.memref_squeeze %dma_start3A_322 : memref<1x8x256xf32, #tpu.memory_space<hbm>> -> memref<8x256xf32, #tpu.memory_space<hbm>>
    %dma_start3A_324 = arith.constant 0 : i32
    %dma_start3A_325 = arith.constant 0 : i32
    %dma_start3A_326 = tpu.memref_slice %arg9[%dma_start3A_312, %dma_start3A_324, %dma_start3A_325] : memref<9x8x256xf32, #tpu.memory_space<vmem>> -> memref<1x8x256xf32, #tpu.memory_space<vmem>>
    %dma_start3A_327 = tpu.memref_squeeze %dma_start3A_326 : memref<1x8x256xf32, #tpu.memory_space<vmem>> -> memref<8x256xf32, #tpu.memory_space<vmem>>
    tpu.enqueue_dma source(%dma_start3A_327 : memref<8x256xf32, #tpu.memory_space<vmem>>) target(%dma_start3A_323 : memref<8x256xf32, #tpu.memory_space<hbm>>) target_semaphore(%arg13 : memref<!tpu.dma_semaphore, #tpu.memory_space<semaphore_mem>>)
    %add3A_328 = arith.constant 256 : i32
    %add3A_329 = arith.addi %mul3A_2, %add3A_328 : i32
    %dma_start3A_330 = arith.constant 8 : i32
    %dma_start3A_331 = tpu.memref_slice %arg2[%dma_start3A_330, %add3A_329] : memref<200x16384xi32, #tpu.memory_space<hbm>> -> memref<8x256xi32, #tpu.memory_space<hbm>>
    %dma_start3A_332 = arith.constant 8 : i32
    %dma_start3A_333 = tpu.memref_slice %arg2[%dma_start3A_332, %add3A_329] : memref<200x16384xi32, #tpu.memory_space<hbm>> -> memref<8x256xi32, #tpu.memory_space<hbm>>
    tpu.enqueue_dma source(%dma_start3A_333 : memref<8x256xi32, #tpu.memory_space<hbm>>) target(%arg7 : memref<8x256xi32, #tpu.memory_space<vmem>>) target_semaphore(%arg11 : memref<!tpu.dma_semaphore, #tpu.memory_space<semaphore_mem>>)
    %scan3A = arith.constant 0 : i32
    %scan3A_334 = arith.constant 24 : i32
    %scan3A_335 = arith.addi %scan3A, %scan3A_334 : i32
    %scan3A_336 = arith.constant 1 : i32
    scf.for %scan3A_354 = %scan3A to %scan3A_335 step %scan3A_336  : i32 {
      %mul3A_355 = arith.constant 2 : i32
      %mul3A_356 = arith.muli %scan3A_354, %mul3A_355 : i32
      %add3A_357 = arith.constant 2 : i32
      %add3A_358 = arith.addi %add3A_357, %mul3A_356 : i32
      %add3A_359 = arith.constant 0 : i32
      %add3A_360 = arith.addi %add3A_358, %add3A_359 : i32
      %jit3A = arith.constant 2 : i32
      %div3A = arith.divsi %add3A_360, %jit3A : i32
      %sign3A = arith.constant 0 : i32
      %sign3A_361 = arith.cmpi sgt, %add3A_360, %sign3A : i32
      %sign3A_362 = arith.extui %sign3A_361 : i1 to i32
      %sign3A_363 = arith.constant 0 : i32
      %sign3A_364 = arith.cmpi slt, %add3A_360, %sign3A_363 : i32
      %sign3A_365 = arith.extui %sign3A_364 : i1 to i32
      %sign3A_366 = arith.subi %sign3A_362, %sign3A_365 : i32
      %sign3A_367 = arith.constant 0 : i32
      %sign3A_368 = arith.cmpi sgt, %jit3A, %sign3A_367 : i32
      %sign3A_369 = arith.extui %sign3A_368 : i1 to i32
      %sign3A_370 = arith.constant 0 : i32
      %sign3A_371 = arith.cmpi slt, %jit3A, %sign3A_370 : i32
      %sign3A_372 = arith.extui %sign3A_371 : i1 to i32
      %sign3A_373 = arith.subi %sign3A_369, %sign3A_372 : i32
      %ne3A = arith.cmpi ne, %sign3A_366, %sign3A_373 : i32
      %rem3A = arith.remsi %add3A_360, %jit3A : i32
      %ne3A_374 = arith.constant 0 : i32
      %ne3A_375 = arith.cmpi ne, %rem3A, %ne3A_374 : i32
      %and3A = arith.andi %ne3A, %ne3A_375 : i1
      %sub3A = arith.constant 1 : i32
      %sub3A_376 = arith.subi %div3A, %sub3A : i32
      %select_n3A = arith.select %and3A, %sub3A_376, %div3A : i32
      %mul3A_377 = arith.constant 8 : i32
      %mul3A_378 = arith.muli %select_n3A, %mul3A_377 : i32
      %jit3A_379 = arith.constant 2 : i32
      %eq3A = arith.constant 0 : i32
      %eq3A_380 = arith.cmpi eq, %jit3A_379, %eq3A : i32
      %jit3A_381 = arith.constant 1 : i32
      %select_n3A_382 = arith.select %eq3A_380, %jit3A_381, %jit3A_379 : i32
      %rem3A_383 = arith.remsi %add3A_360, %select_n3A_382 : i32
      %ne3A_384 = arith.constant 0 : i32
      %ne3A_385 = arith.cmpi ne, %rem3A_383, %ne3A_384 : i32
      %lt3A = arith.constant 0 : i32
      %lt3A_386 = arith.cmpi slt, %rem3A_383, %lt3A : i32
      %lt3A_387 = arith.constant 0 : i32
      %lt3A_388 = arith.cmpi slt, %select_n3A_382, %lt3A_387 : i32
      %ne3A_389 = arith.xori %lt3A_386, %lt3A_388 : i1
      %and3A_390 = arith.andi %ne3A_389, %ne3A_385 : i1
      %add3A_391 = arith.addi %rem3A_383, %select_n3A_382 : i32
      %select_n3A_392 = arith.select %and3A_390, %add3A_391, %rem3A_383 : i32
      %mul3A_393 = arith.constant 256 : i32
      %mul3A_394 = arith.muli %select_n3A_392, %mul3A_393 : i32
      %add3A_395 = arith.addi %mul3A_2, %mul3A_394 : i32
      %dma_wait3A_396 = tpu.memref_slice %arg2[%mul3A_378, %add3A_395] : memref<200x16384xi32, #tpu.memory_space<hbm>> -> memref<8x256xi32, #tpu.memory_space<hbm>>
      %dma_wait3A_397 = tpu.memref_slice %arg2[%mul3A_378, %add3A_395] : memref<200x16384xi32, #tpu.memory_space<hbm>> -> memref<8x256xi32, #tpu.memory_space<hbm>>
      tpu.wait_dma2 semaphore(%arg10 : memref<!tpu.dma_semaphore, #tpu.memory_space<semaphore_mem>>) src(%dma_wait3A_397 : memref<8x256xi32, #tpu.memory_space<hbm>>) dst(%arg6 : memref<8x256xi32, #tpu.memory_space<vmem>>)
      %dma_wait3A_398 = arith.constant 0 : i32
      %dma_wait3A_399 = arith.constant 0 : i32
      %dma_wait3A_400 = arith.constant 0 : i32
      %dma_wait3A_401 = tpu.memref_slice %arg4[%dma_wait3A_398, %dma_wait3A_399, %dma_wait3A_400] : memref<9x200x16384xf32, #tpu.memory_space<hbm>> -> memref<9x8x256xf32, #tpu.memory_space<hbm>>
      %dma_wait3A_402 = arith.constant 0 : i32
      %dma_wait3A_403 = arith.constant 0 : i32
      %dma_wait3A_404 = arith.constant 0 : i32
      %dma_wait3A_405 = tpu.memref_slice %arg4[%dma_wait3A_402, %dma_wait3A_403, %dma_wait3A_404] : memref<9x200x16384xf32, #tpu.memory_space<hbm>> -> memref<9x8x256xf32, #tpu.memory_space<hbm>>
      tpu.wait_dma2 semaphore(%arg12 : memref<!tpu.dma_semaphore, #tpu.memory_space<semaphore_mem>>) src(%dma_wait3A_405 : memref<9x8x256xf32, #tpu.memory_space<hbm>>) dst(%arg8 : memref<9x8x256xf32, #tpu.memory_space<vmem>>)
      %parallel_loop3A_406 = arith.constant 0 : i32
      %parallel_loop3A_407 = arith.constant 128 : i32
      %parallel_loop3A_408 = arith.constant 1 : i32
      scf.for %parallel_loop3A_823 = %parallel_loop3A_406 to %parallel_loop3A_407 step %parallel_loop3A_408  : i32 {
        %parallel_loop3A_824 = arith.constant 16 : i32
        %parallel_loop3A_825 = arith.divsi %parallel_loop3A_823, %parallel_loop3A_824 : i32
        %parallel_loop3A_826 = arith.constant 0 : i32
        %parallel_loop3A_827 = arith.cmpi sgt, %parallel_loop3A_823, %parallel_loop3A_826 : i32
        %parallel_loop3A_828 = arith.extui %parallel_loop3A_827 : i1 to i32
        %parallel_loop3A_829 = arith.constant 0 : i32
        %parallel_loop3A_830 = arith.cmpi slt, %parallel_loop3A_823, %parallel_loop3A_829 : i32
        %parallel_loop3A_831 = arith.extui %parallel_loop3A_830 : i1 to i32
        %parallel_loop3A_832 = arith.subi %parallel_loop3A_828, %parallel_loop3A_831 : i32
        %parallel_loop3A_833 = arith.constant 0 : i32
        %parallel_loop3A_834 = arith.cmpi sgt, %parallel_loop3A_824, %parallel_loop3A_833 : i32
        %parallel_loop3A_835 = arith.extui %parallel_loop3A_834 : i1 to i32
        %parallel_loop3A_836 = arith.constant 0 : i32
        %parallel_loop3A_837 = arith.cmpi slt, %parallel_loop3A_824, %parallel_loop3A_836 : i32
        %parallel_loop3A_838 = arith.extui %parallel_loop3A_837 : i1 to i32
        %parallel_loop3A_839 = arith.subi %parallel_loop3A_835, %parallel_loop3A_838 : i32
        %parallel_loop3A_840 = arith.cmpi ne, %parallel_loop3A_832, %parallel_loop3A_839 : i32
        %parallel_loop3A_841 = arith.remsi %parallel_loop3A_823, %parallel_loop3A_824 : i32
        %parallel_loop3A_842 = arith.constant 0 : i32
        %parallel_loop3A_843 = arith.cmpi ne, %parallel_loop3A_841, %parallel_loop3A_842 : i32
        %parallel_loop3A_844 = arith.andi %parallel_loop3A_840, %parallel_loop3A_843 : i1
        %parallel_loop3A_845 = arith.constant 1 : i32
        %parallel_loop3A_846 = arith.subi %parallel_loop3A_825, %parallel_loop3A_845 : i32
        %parallel_loop3A_847 = arith.select %parallel_loop3A_844, %parallel_loop3A_846, %parallel_loop3A_825 : i32
        %parallel_loop3A_848 = arith.constant 16 : i32
        %parallel_loop3A_849 = arith.constant 0 : i32
        %parallel_loop3A_850 = arith.cmpi eq, %parallel_loop3A_848, %parallel_loop3A_849 : i32
        %parallel_loop3A_851 = arith.constant 1 : i32
        %parallel_loop3A_852 = arith.select %parallel_loop3A_850, %parallel_loop3A_851, %parallel_loop3A_848 : i32
        %parallel_loop3A_853 = arith.remsi %parallel_loop3A_823, %parallel_loop3A_852 : i32
        %parallel_loop3A_854 = arith.constant 0 : i32
        %parallel_loop3A_855 = arith.cmpi ne, %parallel_loop3A_853, %parallel_loop3A_854 : i32
        %parallel_loop3A_856 = arith.constant 0 : i32
        %parallel_loop3A_857 = arith.cmpi slt, %parallel_loop3A_853, %parallel_loop3A_856 : i32
        %parallel_loop3A_858 = arith.constant 0 : i32
        %parallel_loop3A_859 = arith.cmpi slt, %parallel_loop3A_852, %parallel_loop3A_858 : i32
        %parallel_loop3A_860 = arith.xori %parallel_loop3A_857, %parallel_loop3A_859 : i1
        %parallel_loop3A_861 = arith.andi %parallel_loop3A_860, %parallel_loop3A_855 : i1
        %parallel_loop3A_862 = arith.addi %parallel_loop3A_853, %parallel_loop3A_852 : i32
        %parallel_loop3A_863 = arith.select %parallel_loop3A_861, %parallel_loop3A_862, %parallel_loop3A_853 : i32
        %parallel_loop3A_864 = arith.constant 16 : i32
        %parallel_loop3A_865 = arith.muli %parallel_loop3A_863, %parallel_loop3A_864 : i32
        %parallel_loop3A_866 = arith.index_cast %parallel_loop3A_847 : i32 to index
        %parallel_loop3A_867 = arith.index_cast %parallel_loop3A_865 : i32 to index
        %parallel_loop3A_868 = tpu.vector_load %arg6[%parallel_loop3A_866, %parallel_loop3A_867] {strides = array<i32>} : memref<8x256xi32, #tpu.memory_space<vmem>>, vector<16xi32>,
        %parallel_loop3A_869 = arith.constant 0 : i32
        %parallel_loop3A_870 = vector.broadcast %parallel_loop3A_869 : i32 to vector<16xi32>
        %parallel_loop3A_871 = tpu.vector_load_idx %arg5[%parallel_loop3A_870, %parallel_loop3A_868] : memref<9x100xf32, #tpu.memory_space<vmem>>[vector<16xi32>, vector<16xi32>], vector<16xf32>,
        %parallel_loop3A_872 = arith.constant 0 : i32
        %parallel_loop3A_873 = arith.index_cast %parallel_loop3A_872 : i32 to index
        %parallel_loop3A_874 = arith.index_cast %parallel_loop3A_847 : i32 to index
        %parallel_loop3A_875 = arith.index_cast %parallel_loop3A_865 : i32 to index
        %parallel_loop3A_876 = tpu.vector_load %arg8[%parallel_loop3A_873, %parallel_loop3A_874, %parallel_loop3A_875] {strides = array<i32>} : memref<9x8x256xf32, #tpu.memory_space<vmem>>, vector<16xf32>,
        tpu.vector_store %arg8[%parallel_loop3A_873, %parallel_loop3A_874, %parallel_loop3A_875], %parallel_loop3A_871 {strides = array<i32>} : memref<9x8x256xf32, #tpu.memory_space<vmem>>, vector<16xf32>,
        %parallel_loop3A_877 = arith.constant 1 : i32
        %parallel_loop3A_878 = vector.broadcast %parallel_loop3A_877 : i32 to vector<16xi32>
        %parallel_loop3A_879 = tpu.vector_load_idx %arg5[%parallel_loop3A_878, %parallel_loop3A_868] : memref<9x100xf32, #tpu.memory_space<vmem>>[vector<16xi32>, vector<16xi32>], vector<16xf32>,
        %parallel_loop3A_880 = arith.constant 1 : i32
        %parallel_loop3A_881 = arith.index_cast %parallel_loop3A_880 : i32 to index
        %parallel_loop3A_882 = arith.index_cast %parallel_loop3A_847 : i32 to index
        %parallel_loop3A_883 = arith.index_cast %parallel_loop3A_865 : i32 to index
        %parallel_loop3A_884 = tpu.vector_load %arg8[%parallel_loop3A_881, %parallel_loop3A_882, %parallel_loop3A_883] {strides = array<i32>} : memref<9x8x256xf32, #tpu.memory_space<vmem>>, vector<16xf32>,
        tpu.vector_store %arg8[%parallel_loop3A_881, %parallel_loop3A_882, %parallel_loop3A_883], %parallel_loop3A_879 {strides = array<i32>} : memref<9x8x256xf32, #tpu.memory_space<vmem>>, vector<16xf32>,
        %parallel_loop3A_885 = arith.constant 2 : i32
        %parallel_loop3A_886 = vector.broadcast %parallel_loop3A_885 : i32 to vector<16xi32>
        %parallel_loop3A_887 = tpu.vector_load_idx %arg5[%parallel_loop3A_886, %parallel_loop3A_868] : memref<9x100xf32, #tpu.memory_space<vmem>>[vector<16xi32>, vector<16xi32>], vector<16xf32>,
        %parallel_loop3A_888 = arith.constant 2 : i32
        %parallel_loop3A_889 = arith.index_cast %parallel_loop3A_888 : i32 to index
        %parallel_loop3A_890 = arith.index_cast %parallel_loop3A_847 : i32 to index
        %parallel_loop3A_891 = arith.index_cast %parallel_loop3A_865 : i32 to index
        %parallel_loop3A_892 = tpu.vector_load %arg8[%parallel_loop3A_889, %parallel_loop3A_890, %parallel_loop3A_891] {strides = array<i32>} : memref<9x8x256xf32, #tpu.memory_space<vmem>>, vector<16xf32>,
        tpu.vector_store %arg8[%parallel_loop3A_889, %parallel_loop3A_890, %parallel_loop3A_891], %parallel_loop3A_887 {strides = array<i32>} : memref<9x8x256xf32, #tpu.memory_space<vmem>>, vector<16xf32>,
        %parallel_loop3A_893 = arith.constant 3 : i32
        %parallel_loop3A_894 = vector.broadcast %parallel_loop3A_893 : i32 to vector<16xi32>
        %parallel_loop3A_895 = tpu.vector_load_idx %arg5[%parallel_loop3A_894, %parallel_loop3A_868] : memref<9x100xf32, #tpu.memory_space<vmem>>[vector<16xi32>, vector<16xi32>], vector<16xf32>,
        %parallel_loop3A_896 = arith.constant 3 : i32
        %parallel_loop3A_897 = arith.index_cast %parallel_loop3A_896 : i32 to index
        %parallel_loop3A_898 = arith.index_cast %parallel_loop3A_847 : i32 to index
        %parallel_loop3A_899 = arith.index_cast %parallel_loop3A_865 : i32 to index
        %parallel_loop3A_900 = tpu.vector_load %arg8[%parallel_loop3A_897, %parallel_loop3A_898, %parallel_loop3A_899] {strides = array<i32>} : memref<9x8x256xf32, #tpu.memory_space<vmem>>, vector<16xf32>,
        tpu.vector_store %arg8[%parallel_loop3A_897, %parallel_loop3A_898, %parallel_loop3A_899], %parallel_loop3A_895 {strides = array<i32>} : memref<9x8x256xf32, #tpu.memory_space<vmem>>, vector<16xf32>,
        %parallel_loop3A_901 = arith.constant 4 : i32
        %parallel_loop3A_902 = vector.broadcast %parallel_loop3A_901 : i32 to vector<16xi32>
        %parallel_loop3A_903 = tpu.vector_load_idx %arg5[%parallel_loop3A_902, %parallel_loop3A_868] : memref<9x100xf32, #tpu.memory_space<vmem>>[vector<16xi32>, vector<16xi32>], vector<16xf32>,
        %parallel_loop3A_904 = arith.constant 4 : i32
        %parallel_loop3A_905 = arith.index_cast %parallel_loop3A_904 : i32 to index
        %parallel_loop3A_906 = arith.index_cast %parallel_loop3A_847 : i32 to index
        %parallel_loop3A_907 = arith.index_cast %parallel_loop3A_865 : i32 to index
        %parallel_loop3A_908 = tpu.vector_load %arg8[%parallel_loop3A_905, %parallel_loop3A_906, %parallel_loop3A_907] {strides = array<i32>} : memref<9x8x256xf32, #tpu.memory_space<vmem>>, vector<16xf32>,
        tpu.vector_store %arg8[%parallel_loop3A_905, %parallel_loop3A_906, %parallel_loop3A_907], %parallel_loop3A_903 {strides = array<i32>} : memref<9x8x256xf32, #tpu.memory_space<vmem>>, vector<16xf32>,
        %parallel_loop3A_909 = arith.constant 5 : i32
        %parallel_loop3A_910 = vector.broadcast %parallel_loop3A_909 : i32 to vector<16xi32>
        %parallel_loop3A_911 = tpu.vector_load_idx %arg5[%parallel_loop3A_910, %parallel_loop3A_868] : memref<9x100xf32, #tpu.memory_space<vmem>>[vector<16xi32>, vector<16xi32>], vector<16xf32>,
        %parallel_loop3A_912 = arith.constant 5 : i32
        %parallel_loop3A_913 = arith.index_cast %parallel_loop3A_912 : i32 to index
        %parallel_loop3A_914 = arith.index_cast %parallel_loop3A_847 : i32 to index
        %parallel_loop3A_915 = arith.index_cast %parallel_loop3A_865 : i32 to index
        %parallel_loop3A_916 = tpu.vector_load %arg8[%parallel_loop3A_913, %parallel_loop3A_914, %parallel_loop3A_915] {strides = array<i32>} : memref<9x8x256xf32, #tpu.memory_space<vmem>>, vector<16xf32>,
        tpu.vector_store %arg8[%parallel_loop3A_913, %parallel_loop3A_914, %parallel_loop3A_915], %parallel_loop3A_911 {strides = array<i32>} : memref<9x8x256xf32, #tpu.memory_space<vmem>>, vector<16xf32>,
        %parallel_loop3A_917 = arith.constant 6 : i32
        %parallel_loop3A_918 = vector.broadcast %parallel_loop3A_917 : i32 to vector<16xi32>
        %parallel_loop3A_919 = tpu.vector_load_idx %arg5[%parallel_loop3A_918, %parallel_loop3A_868] : memref<9x100xf32, #tpu.memory_space<vmem>>[vector<16xi32>, vector<16xi32>], vector<16xf32>,
        %parallel_loop3A_920 = arith.constant 6 : i32
        %parallel_loop3A_921 = arith.index_cast %parallel_loop3A_920 : i32 to index
        %parallel_loop3A_922 = arith.index_cast %parallel_loop3A_847 : i32 to index
        %parallel_loop3A_923 = arith.index_cast %parallel_loop3A_865 : i32 to index
        %parallel_loop3A_924 = tpu.vector_load %arg8[%parallel_loop3A_921, %parallel_loop3A_922, %parallel_loop3A_923] {strides = array<i32>} : memref<9x8x256xf32, #tpu.memory_space<vmem>>, vector<16xf32>,
        tpu.vector_store %arg8[%parallel_loop3A_921, %parallel_loop3A_922, %parallel_loop3A_923], %parallel_loop3A_919 {strides = array<i32>} : memref<9x8x256xf32, #tpu.memory_space<vmem>>, vector<16xf32>,
        %parallel_loop3A_925 = arith.constant 7 : i32
        %parallel_loop3A_926 = vector.broadcast %parallel_loop3A_925 : i32 to vector<16xi32>
        %parallel_loop3A_927 = tpu.vector_load_idx %arg5[%parallel_loop3A_926, %parallel_loop3A_868] : memref<9x100xf32, #tpu.memory_space<vmem>>[vector<16xi32>, vector<16xi32>], vector<16xf32>,
        %parallel_loop3A_928 = arith.constant 7 : i32
        %parallel_loop3A_929 = arith.index_cast %parallel_loop3A_928 : i32 to index
        %parallel_loop3A_930 = arith.index_cast %parallel_loop3A_847 : i32 to index
        %parallel_loop3A_931 = arith.index_cast %parallel_loop3A_865 : i32 to index
        %parallel_loop3A_932 = tpu.vector_load %arg8[%parallel_loop3A_929, %parallel_loop3A_930, %parallel_loop3A_931] {strides = array<i32>} : memref<9x8x256xf32, #tpu.memory_space<vmem>>, vector<16xf32>,
        tpu.vector_store %arg8[%parallel_loop3A_929, %parallel_loop3A_930, %parallel_loop3A_931], %parallel_loop3A_927 {strides = array<i32>} : memref<9x8x256xf32, #tpu.memory_space<vmem>>, vector<16xf32>,
        %parallel_loop3A_933 = arith.constant 8 : i32
        %parallel_loop3A_934 = vector.broadcast %parallel_loop3A_933 : i32 to vector<16xi32>
        %parallel_loop3A_935 = tpu.vector_load_idx %arg5[%parallel_loop3A_934, %parallel_loop3A_868] : memref<9x100xf32, #tpu.memory_space<vmem>>[vector<16xi32>, vector<16xi32>], vector<16xf32>,
        %parallel_loop3A_936 = arith.constant 8 : i32
        %parallel_loop3A_937 = arith.index_cast %parallel_loop3A_936 : i32 to index
        %parallel_loop3A_938 = arith.index_cast %parallel_loop3A_847 : i32 to index
        %parallel_loop3A_939 = arith.index_cast %parallel_loop3A_865 : i32 to index
        %parallel_loop3A_940 = tpu.vector_load %arg8[%parallel_loop3A_937, %parallel_loop3A_938, %parallel_loop3A_939] {strides = array<i32>} : memref<9x8x256xf32, #tpu.memory_space<vmem>>, vector<16xf32>,
        tpu.vector_store %arg8[%parallel_loop3A_937, %parallel_loop3A_938, %parallel_loop3A_939], %parallel_loop3A_935 {strides = array<i32>} : memref<9x8x256xf32, #tpu.memory_space<vmem>>, vector<16xf32>,
      } {sc.loop_unroll_factor = 4 : i64, sc.parallel_access}
      %jit3A_409 = arith.constant 2 : i32
      %div3A_410 = arith.divsi %add3A_360, %jit3A_409 : i32
      %sign3A_411 = arith.constant 0 : i32
      %sign3A_412 = arith.cmpi sgt, %add3A_360, %sign3A_411 : i32
      %sign3A_413 = arith.extui %sign3A_412 : i1 to i32
      %sign3A_414 = arith.constant 0 : i32
      %sign3A_415 = arith.cmpi slt, %add3A_360, %sign3A_414 : i32
      %sign3A_416 = arith.extui %sign3A_415 : i1 to i32
      %sign3A_417 = arith.subi %sign3A_413, %sign3A_416 : i32
      %sign3A_418 = arith.constant 0 : i32
      %sign3A_419 = arith.cmpi sgt, %jit3A_409, %sign3A_418 : i32
      %sign3A_420 = arith.extui %sign3A_419 : i1 to i32
      %sign3A_421 = arith.constant 0 : i32
      %sign3A_422 = arith.cmpi slt, %jit3A_409, %sign3A_421 : i32
      %sign3A_423 = arith.extui %sign3A_422 : i1 to i32
      %sign3A_424 = arith.subi %sign3A_420, %sign3A_423 : i32
      %ne3A_425 = arith.cmpi ne, %sign3A_417, %sign3A_424 : i32
      %rem3A_426 = arith.remsi %add3A_360, %jit3A_409 : i32
      %ne3A_427 = arith.constant 0 : i32
      %ne3A_428 = arith.cmpi ne, %rem3A_426, %ne3A_427 : i32
      %and3A_429 = arith.andi %ne3A_425, %ne3A_428 : i1
      %sub3A_430 = arith.constant 1 : i32
      %sub3A_431 = arith.subi %div3A_410, %sub3A_430 : i32
      %select_n3A_432 = arith.select %and3A_429, %sub3A_431, %div3A_410 : i32
      %mul3A_433 = arith.constant 8 : i32
      %mul3A_434 = arith.muli %select_n3A_432, %mul3A_433 : i32
      %jit3A_435 = arith.constant 2 : i32
      %eq3A_436 = arith.constant 0 : i32
      %eq3A_437 = arith.cmpi eq, %jit3A_435, %eq3A_436 : i32
      %jit3A_438 = arith.constant 1 : i32
      %select_n3A_439 = arith.select %eq3A_437, %jit3A_438, %jit3A_435 : i32
      %rem3A_440 = arith.remsi %add3A_360, %select_n3A_439 : i32
      %ne3A_441 = arith.constant 0 : i32
      %ne3A_442 = arith.cmpi ne, %rem3A_440, %ne3A_441 : i32
      %lt3A_443 = arith.constant 0 : i32
      %lt3A_444 = arith.cmpi slt, %rem3A_440, %lt3A_443 : i32
      %lt3A_445 = arith.constant 0 : i32
      %lt3A_446 = arith.cmpi slt, %select_n3A_439, %lt3A_445 : i32
      %ne3A_447 = arith.xori %lt3A_444, %lt3A_446 : i1
      %and3A_448 = arith.andi %ne3A_447, %ne3A_442 : i1
      %add3A_449 = arith.addi %rem3A_440, %select_n3A_439 : i32
      %select_n3A_450 = arith.select %and3A_448, %add3A_449, %rem3A_440 : i32
      %mul3A_451 = arith.constant 256 : i32
      %mul3A_452 = arith.muli %select_n3A_450, %mul3A_451 : i32
      %add3A_453 = arith.addi %mul3A_2, %mul3A_452 : i32
      %dma_start3A_454 = arith.constant 0 : i32
      %dma_start3A_455 = arith.constant 0 : i32
      %dma_start3A_456 = arith.constant 0 : i32
      %dma_start3A_457 = arith.constant 0 : i32
      %dma_start3A_458 = tpu.memref_slice %arg8[%dma_start3A_454, %dma_start3A_456, %dma_start3A_457] : memref<9x8x256xf32, #tpu.memory_space<vmem>> -> memref<1x8x256xf32, #tpu.memory_space<vmem>>
      %dma_start3A_459 = tpu.memref_squeeze %dma_start3A_458 : memref<1x8x256xf32, #tpu.memory_space<vmem>> -> memref<8x256xf32, #tpu.memory_space<vmem>>
      %dma_start3A_460 = tpu.memref_slice %arg4[%dma_start3A_455, %mul3A_434, %add3A_453] : memref<9x200x16384xf32, #tpu.memory_space<hbm>> -> memref<1x8x256xf32, #tpu.memory_space<hbm>>
      %dma_start3A_461 = tpu.memref_squeeze %dma_start3A_460 : memref<1x8x256xf32, #tpu.memory_space<hbm>> -> memref<8x256xf32, #tpu.memory_space<hbm>>
      %dma_start3A_462 = tpu.memref_slice %arg4[%dma_start3A_455, %mul3A_434, %add3A_453] : memref<9x200x16384xf32, #tpu.memory_space<hbm>> -> memref<1x8x256xf32, #tpu.memory_space<hbm>>
      %dma_start3A_463 = tpu.memref_squeeze %dma_start3A_462 : memref<1x8x256xf32, #tpu.memory_space<hbm>> -> memref<8x256xf32, #tpu.memory_space<hbm>>
      %dma_start3A_464 = arith.constant 0 : i32
      %dma_start3A_465 = arith.constant 0 : i32
      %dma_start3A_466 = tpu.memref_slice %arg8[%dma_start3A_454, %dma_start3A_464, %dma_start3A_465] : memref<9x8x256xf32, #tpu.memory_space<vmem>> -> memref<1x8x256xf32, #tpu.memory_space<vmem>>
      %dma_start3A_467 = tpu.memref_squeeze %dma_start3A_466 : memref<1x8x256xf32, #tpu.memory_space<vmem>> -> memref<8x256xf32, #tpu.memory_space<vmem>>
      tpu.enqueue_dma source(%dma_start3A_467 : memref<8x256xf32, #tpu.memory_space<vmem>>) target(%dma_start3A_463 : memref<8x256xf32, #tpu.memory_space<hbm>>) target_semaphore(%arg12 : memref<!tpu.dma_semaphore, #tpu.memory_space<semaphore_mem>>)
      %dma_start3A_468 = arith.constant 1 : i32
      %dma_start3A_469 = arith.constant 1 : i32
      %dma_start3A_470 = arith.constant 0 : i32
      %dma_start3A_471 = arith.constant 0 : i32
      %dma_start3A_472 = tpu.memref_slice %arg8[%dma_start3A_468, %dma_start3A_470, %dma_start3A_471] : memref<9x8x256xf32, #tpu.memory_space<vmem>> -> memref<1x8x256xf32, #tpu.memory_space<vmem>>
      %dma_start3A_473 = tpu.memref_squeeze %dma_start3A_472 : memref<1x8x256xf32, #tpu.memory_space<vmem>> -> memref<8x256xf32, #tpu.memory_space<vmem>>
      %dma_start3A_474 = tpu.memref_slice %arg4[%dma_start3A_469, %mul3A_434, %add3A_453] : memref<9x200x16384xf32, #tpu.memory_space<hbm>> -> memref<1x8x256xf32, #tpu.memory_space<hbm>>
      %dma_start3A_475 = tpu.memref_squeeze %dma_start3A_474 : memref<1x8x256xf32, #tpu.memory_space<hbm>> -> memref<8x256xf32, #tpu.memory_space<hbm>>
      %dma_start3A_476 = tpu.memref_slice %arg4[%dma_start3A_469, %mul3A_434, %add3A_453] : memref<9x200x16384xf32, #tpu.memory_space<hbm>> -> memref<1x8x256xf32, #tpu.memory_space<hbm>>
      %dma_start3A_477 = tpu.memref_squeeze %dma_start3A_476 : memref<1x8x256xf32, #tpu.memory_space<hbm>> -> memref<8x256xf32, #tpu.memory_space<hbm>>
      %dma_start3A_478 = arith.constant 0 : i32
      %dma_start3A_479 = arith.constant 0 : i32
      %dma_start3A_480 = tpu.memref_slice %arg8[%dma_start3A_468, %dma_start3A_478, %dma_start3A_479] : memref<9x8x256xf32, #tpu.memory_space<vmem>> -> memref<1x8x256xf32, #tpu.memory_space<vmem>>
      %dma_start3A_481 = tpu.memref_squeeze %dma_start3A_480 : memref<1x8x256xf32, #tpu.memory_space<vmem>> -> memref<8x256xf32, #tpu.memory_space<vmem>>
      tpu.enqueue_dma source(%dma_start3A_481 : memref<8x256xf32, #tpu.memory_space<vmem>>) target(%dma_start3A_477 : memref<8x256xf32, #tpu.memory_space<hbm>>) target_semaphore(%arg12 : memref<!tpu.dma_semaphore, #tpu.memory_space<semaphore_mem>>)
      %dma_start3A_482 = arith.constant 2 : i32
      %dma_start3A_483 = arith.constant 2 : i32
      %dma_start3A_484 = arith.constant 0 : i32
      %dma_start3A_485 = arith.constant 0 : i32
      %dma_start3A_486 = tpu.memref_slice %arg8[%dma_start3A_482, %dma_start3A_484, %dma_start3A_485] : memref<9x8x256xf32, #tpu.memory_space<vmem>> -> memref<1x8x256xf32, #tpu.memory_space<vmem>>
      %dma_start3A_487 = tpu.memref_squeeze %dma_start3A_486 : memref<1x8x256xf32, #tpu.memory_space<vmem>> -> memref<8x256xf32, #tpu.memory_space<vmem>>
      %dma_start3A_488 = tpu.memref_slice %arg4[%dma_start3A_483, %mul3A_434, %add3A_453] : memref<9x200x16384xf32, #tpu.memory_space<hbm>> -> memref<1x8x256xf32, #tpu.memory_space<hbm>>
      %dma_start3A_489 = tpu.memref_squeeze %dma_start3A_488 : memref<1x8x256xf32, #tpu.memory_space<hbm>> -> memref<8x256xf32, #tpu.memory_space<hbm>>
      %dma_start3A_490 = tpu.memref_slice %arg4[%dma_start3A_483, %mul3A_434, %add3A_453] : memref<9x200x16384xf32, #tpu.memory_space<hbm>> -> memref<1x8x256xf32, #tpu.memory_space<hbm>>
      %dma_start3A_491 = tpu.memref_squeeze %dma_start3A_490 : memref<1x8x256xf32, #tpu.memory_space<hbm>> -> memref<8x256xf32, #tpu.memory_space<hbm>>
      %dma_start3A_492 = arith.constant 0 : i32
      %dma_start3A_493 = arith.constant 0 : i32
      %dma_start3A_494 = tpu.memref_slice %arg8[%dma_start3A_482, %dma_start3A_492, %dma_start3A_493] : memref<9x8x256xf32, #tpu.memory_space<vmem>> -> memref<1x8x256xf32, #tpu.memory_space<vmem>>
      %dma_start3A_495 = tpu.memref_squeeze %dma_start3A_494 : memref<1x8x256xf32, #tpu.memory_space<vmem>> -> memref<8x256xf32, #tpu.memory_space<vmem>>
      tpu.enqueue_dma source(%dma_start3A_495 : memref<8x256xf32, #tpu.memory_space<vmem>>) target(%dma_start3A_491 : memref<8x256xf32, #tpu.memory_space<hbm>>) target_semaphore(%arg12 : memref<!tpu.dma_semaphore, #tpu.memory_space<semaphore_mem>>)
      %dma_start3A_496 = arith.constant 3 : i32
      %dma_start3A_497 = arith.constant 3 : i32
      %dma_start3A_498 = arith.constant 0 : i32
      %dma_start3A_499 = arith.constant 0 : i32
      %dma_start3A_500 = tpu.memref_slice %arg8[%dma_start3A_496, %dma_start3A_498, %dma_start3A_499] : memref<9x8x256xf32, #tpu.memory_space<vmem>> -> memref<1x8x256xf32, #tpu.memory_space<vmem>>
      %dma_start3A_501 = tpu.memref_squeeze %dma_start3A_500 : memref<1x8x256xf32, #tpu.memory_space<vmem>> -> memref<8x256xf32, #tpu.memory_space<vmem>>
      %dma_start3A_502 = tpu.memref_slice %arg4[%dma_start3A_497, %mul3A_434, %add3A_453] : memref<9x200x16384xf32, #tpu.memory_space<hbm>> -> memref<1x8x256xf32, #tpu.memory_space<hbm>>
      %dma_start3A_503 = tpu.memref_squeeze %dma_start3A_502 : memref<1x8x256xf32, #tpu.memory_space<hbm>> -> memref<8x256xf32, #tpu.memory_space<hbm>>
      %dma_start3A_504 = tpu.memref_slice %arg4[%dma_start3A_497, %mul3A_434, %add3A_453] : memref<9x200x16384xf32, #tpu.memory_space<hbm>> -> memref<1x8x256xf32, #tpu.memory_space<hbm>>
      %dma_start3A_505 = tpu.memref_squeeze %dma_start3A_504 : memref<1x8x256xf32, #tpu.memory_space<hbm>> -> memref<8x256xf32, #tpu.memory_space<hbm>>
      %dma_start3A_506 = arith.constant 0 : i32
      %dma_start3A_507 = arith.constant 0 : i32
      %dma_start3A_508 = tpu.memref_slice %arg8[%dma_start3A_496, %dma_start3A_506, %dma_start3A_507] : memref<9x8x256xf32, #tpu.memory_space<vmem>> -> memref<1x8x256xf32, #tpu.memory_space<vmem>>
      %dma_start3A_509 = tpu.memref_squeeze %dma_start3A_508 : memref<1x8x256xf32, #tpu.memory_space<vmem>> -> memref<8x256xf32, #tpu.memory_space<vmem>>
      tpu.enqueue_dma source(%dma_start3A_509 : memref<8x256xf32, #tpu.memory_space<vmem>>) target(%dma_start3A_505 : memref<8x256xf32, #tpu.memory_space<hbm>>) target_semaphore(%arg12 : memref<!tpu.dma_semaphore, #tpu.memory_space<semaphore_mem>>)
      %dma_start3A_510 = arith.constant 4 : i32
      %dma_start3A_511 = arith.constant 4 : i32
      %dma_start3A_512 = arith.constant 0 : i32
      %dma_start3A_513 = arith.constant 0 : i32
      %dma_start3A_514 = tpu.memref_slice %arg8[%dma_start3A_510, %dma_start3A_512, %dma_start3A_513] : memref<9x8x256xf32, #tpu.memory_space<vmem>> -> memref<1x8x256xf32, #tpu.memory_space<vmem>>
      %dma_start3A_515 = tpu.memref_squeeze %dma_start3A_514 : memref<1x8x256xf32, #tpu.memory_space<vmem>> -> memref<8x256xf32, #tpu.memory_space<vmem>>
      %dma_start3A_516 = tpu.memref_slice %arg4[%dma_start3A_511, %mul3A_434, %add3A_453] : memref<9x200x16384xf32, #tpu.memory_space<hbm>> -> memref<1x8x256xf32, #tpu.memory_space<hbm>>
      %dma_start3A_517 = tpu.memref_squeeze %dma_start3A_516 : memref<1x8x256xf32, #tpu.memory_space<hbm>> -> memref<8x256xf32, #tpu.memory_space<hbm>>
      %dma_start3A_518 = tpu.memref_slice %arg4[%dma_start3A_511, %mul3A_434, %add3A_453] : memref<9x200x16384xf32, #tpu.memory_space<hbm>> -> memref<1x8x256xf32, #tpu.memory_space<hbm>>
      %dma_start3A_519 = tpu.memref_squeeze %dma_start3A_518 : memref<1x8x256xf32, #tpu.memory_space<hbm>> -> memref<8x256xf32, #tpu.memory_space<hbm>>
      %dma_start3A_520 = arith.constant 0 : i32
      %dma_start3A_521 = arith.constant 0 : i32
      %dma_start3A_522 = tpu.memref_slice %arg8[%dma_start3A_510, %dma_start3A_520, %dma_start3A_521] : memref<9x8x256xf32, #tpu.memory_space<vmem>> -> memref<1x8x256xf32, #tpu.memory_space<vmem>>
      %dma_start3A_523 = tpu.memref_squeeze %dma_start3A_522 : memref<1x8x256xf32, #tpu.memory_space<vmem>> -> memref<8x256xf32, #tpu.memory_space<vmem>>
      tpu.enqueue_dma source(%dma_start3A_523 : memref<8x256xf32, #tpu.memory_space<vmem>>) target(%dma_start3A_519 : memref<8x256xf32, #tpu.memory_space<hbm>>) target_semaphore(%arg12 : memref<!tpu.dma_semaphore, #tpu.memory_space<semaphore_mem>>)
      %dma_start3A_524 = arith.constant 5 : i32
      %dma_start3A_525 = arith.constant 5 : i32
      %dma_start3A_526 = arith.constant 0 : i32
      %dma_start3A_527 = arith.constant 0 : i32
      %dma_start3A_528 = tpu.memref_slice %arg8[%dma_start3A_524, %dma_start3A_526, %dma_start3A_527] : memref<9x8x256xf32, #tpu.memory_space<vmem>> -> memref<1x8x256xf32, #tpu.memory_space<vmem>>
      %dma_start3A_529 = tpu.memref_squeeze %dma_start3A_528 : memref<1x8x256xf32, #tpu.memory_space<vmem>> -> memref<8x256xf32, #tpu.memory_space<vmem>>
      %dma_start3A_530 = tpu.memref_slice %arg4[%dma_start3A_525, %mul3A_434, %add3A_453] : memref<9x200x16384xf32, #tpu.memory_space<hbm>> -> memref<1x8x256xf32, #tpu.memory_space<hbm>>
      %dma_start3A_531 = tpu.memref_squeeze %dma_start3A_530 : memref<1x8x256xf32, #tpu.memory_space<hbm>> -> memref<8x256xf32, #tpu.memory_space<hbm>>
      %dma_start3A_532 = tpu.memref_slice %arg4[%dma_start3A_525, %mul3A_434, %add3A_453] : memref<9x200x16384xf32, #tpu.memory_space<hbm>> -> memref<1x8x256xf32, #tpu.memory_space<hbm>>
      %dma_start3A_533 = tpu.memref_squeeze %dma_start3A_532 : memref<1x8x256xf32, #tpu.memory_space<hbm>> -> memref<8x256xf32, #tpu.memory_space<hbm>>
      %dma_start3A_534 = arith.constant 0 : i32
      %dma_start3A_535 = arith.constant 0 : i32
      %dma_start3A_536 = tpu.memref_slice %arg8[%dma_start3A_524, %dma_start3A_534, %dma_start3A_535] : memref<9x8x256xf32, #tpu.memory_space<vmem>> -> memref<1x8x256xf32, #tpu.memory_space<vmem>>
      %dma_start3A_537 = tpu.memref_squeeze %dma_start3A_536 : memref<1x8x256xf32, #tpu.memory_space<vmem>> -> memref<8x256xf32, #tpu.memory_space<vmem>>
      tpu.enqueue_dma source(%dma_start3A_537 : memref<8x256xf32, #tpu.memory_space<vmem>>) target(%dma_start3A_533 : memref<8x256xf32, #tpu.memory_space<hbm>>) target_semaphore(%arg12 : memref<!tpu.dma_semaphore, #tpu.memory_space<semaphore_mem>>)
      %dma_start3A_538 = arith.constant 6 : i32
      %dma_start3A_539 = arith.constant 6 : i32
      %dma_start3A_540 = arith.constant 0 : i32
      %dma_start3A_541 = arith.constant 0 : i32
      %dma_start3A_542 = tpu.memref_slice %arg8[%dma_start3A_538, %dma_start3A_540, %dma_start3A_541] : memref<9x8x256xf32, #tpu.memory_space<vmem>> -> memref<1x8x256xf32, #tpu.memory_space<vmem>>
      %dma_start3A_543 = tpu.memref_squeeze %dma_start3A_542 : memref<1x8x256xf32, #tpu.memory_space<vmem>> -> memref<8x256xf32, #tpu.memory_space<vmem>>
      %dma_start3A_544 = tpu.memref_slice %arg4[%dma_start3A_539, %mul3A_434, %add3A_453] : memref<9x200x16384xf32, #tpu.memory_space<hbm>> -> memref<1x8x256xf32, #tpu.memory_space<hbm>>
      %dma_start3A_545 = tpu.memref_squeeze %dma_start3A_544 : memref<1x8x256xf32, #tpu.memory_space<hbm>> -> memref<8x256xf32, #tpu.memory_space<hbm>>
      %dma_start3A_546 = tpu.memref_slice %arg4[%dma_start3A_539, %mul3A_434, %add3A_453] : memref<9x200x16384xf32, #tpu.memory_space<hbm>> -> memref<1x8x256xf32, #tpu.memory_space<hbm>>
      %dma_start3A_547 = tpu.memref_squeeze %dma_start3A_546 : memref<1x8x256xf32, #tpu.memory_space<hbm>> -> memref<8x256xf32, #tpu.memory_space<hbm>>
      %dma_start3A_548 = arith.constant 0 : i32
      %dma_start3A_549 = arith.constant 0 : i32
      %dma_start3A_550 = tpu.memref_slice %arg8[%dma_start3A_538, %dma_start3A_548, %dma_start3A_549] : memref<9x8x256xf32, #tpu.memory_space<vmem>> -> memref<1x8x256xf32, #tpu.memory_space<vmem>>
      %dma_start3A_551 = tpu.memref_squeeze %dma_start3A_550 : memref<1x8x256xf32, #tpu.memory_space<vmem>> -> memref<8x256xf32, #tpu.memory_space<vmem>>
      tpu.enqueue_dma source(%dma_start3A_551 : memref<8x256xf32, #tpu.memory_space<vmem>>) target(%dma_start3A_547 : memref<8x256xf32, #tpu.memory_space<hbm>>) target_semaphore(%arg12 : memref<!tpu.dma_semaphore, #tpu.memory_space<semaphore_mem>>)
      %dma_start3A_552 = arith.constant 7 : i32
      %dma_start3A_553 = arith.constant 7 : i32
      %dma_start3A_554 = arith.constant 0 : i32
      %dma_start3A_555 = arith.constant 0 : i32
      %dma_start3A_556 = tpu.memref_slice %arg8[%dma_start3A_552, %dma_start3A_554, %dma_start3A_555] : memref<9x8x256xf32, #tpu.memory_space<vmem>> -> memref<1x8x256xf32, #tpu.memory_space<vmem>>
      %dma_start3A_557 = tpu.memref_squeeze %dma_start3A_556 : memref<1x8x256xf32, #tpu.memory_space<vmem>> -> memref<8x256xf32, #tpu.memory_space<vmem>>
      %dma_start3A_558 = tpu.memref_slice %arg4[%dma_start3A_553, %mul3A_434, %add3A_453] : memref<9x200x16384xf32, #tpu.memory_space<hbm>> -> memref<1x8x256xf32, #tpu.memory_space<hbm>>
      %dma_start3A_559 = tpu.memref_squeeze %dma_start3A_558 : memref<1x8x256xf32, #tpu.memory_space<hbm>> -> memref<8x256xf32, #tpu.memory_space<hbm>>
      %dma_start3A_560 = tpu.memref_slice %arg4[%dma_start3A_553, %mul3A_434, %add3A_453] : memref<9x200x16384xf32, #tpu.memory_space<hbm>> -> memref<1x8x256xf32, #tpu.memory_space<hbm>>
      %dma_start3A_561 = tpu.memref_squeeze %dma_start3A_560 : memref<1x8x256xf32, #tpu.memory_space<hbm>> -> memref<8x256xf32, #tpu.memory_space<hbm>>
      %dma_start3A_562 = arith.constant 0 : i32
      %dma_start3A_563 = arith.constant 0 : i32
      %dma_start3A_564 = tpu.memref_slice %arg8[%dma_start3A_552, %dma_start3A_562, %dma_start3A_563] : memref<9x8x256xf32, #tpu.memory_space<vmem>> -> memref<1x8x256xf32, #tpu.memory_space<vmem>>
      %dma_start3A_565 = tpu.memref_squeeze %dma_start3A_564 : memref<1x8x256xf32, #tpu.memory_space<vmem>> -> memref<8x256xf32, #tpu.memory_space<vmem>>
      tpu.enqueue_dma source(%dma_start3A_565 : memref<8x256xf32, #tpu.memory_space<vmem>>) target(%dma_start3A_561 : memref<8x256xf32, #tpu.memory_space<hbm>>) target_semaphore(%arg12 : memref<!tpu.dma_semaphore, #tpu.memory_space<semaphore_mem>>)
      %dma_start3A_566 = arith.constant 8 : i32
      %dma_start3A_567 = arith.constant 8 : i32
      %dma_start3A_568 = arith.constant 0 : i32
      %dma_start3A_569 = arith.constant 0 : i32
      %dma_start3A_570 = tpu.memref_slice %arg8[%dma_start3A_566, %dma_start3A_568, %dma_start3A_569] : memref<9x8x256xf32, #tpu.memory_space<vmem>> -> memref<1x8x256xf32, #tpu.memory_space<vmem>>
      %dma_start3A_571 = tpu.memref_squeeze %dma_start3A_570 : memref<1x8x256xf32, #tpu.memory_space<vmem>> -> memref<8x256xf32, #tpu.memory_space<vmem>>
      %dma_start3A_572 = tpu.memref_slice %arg4[%dma_start3A_567, %mul3A_434, %add3A_453] : memref<9x200x16384xf32, #tpu.memory_space<hbm>> -> memref<1x8x256xf32, #tpu.memory_space<hbm>>
      %dma_start3A_573 = tpu.memref_squeeze %dma_start3A_572 : memref<1x8x256xf32, #tpu.memory_space<hbm>> -> memref<8x256xf32, #tpu.memory_space<hbm>>
      %dma_start3A_574 = tpu.memref_slice %arg4[%dma_start3A_567, %mul3A_434, %add3A_453] : memref<9x200x16384xf32, #tpu.memory_space<hbm>> -> memref<1x8x256xf32, #tpu.memory_space<hbm>>
      %dma_start3A_575 = tpu.memref_squeeze %dma_start3A_574 : memref<1x8x256xf32, #tpu.memory_space<hbm>> -> memref<8x256xf32, #tpu.memory_space<hbm>>
      %dma_start3A_576 = arith.constant 0 : i32
      %dma_start3A_577 = arith.constant 0 : i32
      %dma_start3A_578 = tpu.memref_slice %arg8[%dma_start3A_566, %dma_start3A_576, %dma_start3A_577] : memref<9x8x256xf32, #tpu.memory_space<vmem>> -> memref<1x8x256xf32, #tpu.memory_space<vmem>>
      %dma_start3A_579 = tpu.memref_squeeze %dma_start3A_578 : memref<1x8x256xf32, #tpu.memory_space<vmem>> -> memref<8x256xf32, #tpu.memory_space<vmem>>
      tpu.enqueue_dma source(%dma_start3A_579 : memref<8x256xf32, #tpu.memory_space<vmem>>) target(%dma_start3A_575 : memref<8x256xf32, #tpu.memory_space<hbm>>) target_semaphore(%arg12 : memref<!tpu.dma_semaphore, #tpu.memory_space<semaphore_mem>>)
      %add3A_580 = arith.constant 2 : i32
      %add3A_581 = arith.addi %add3A_360, %add3A_580 : i32
      %lt3A_582 = arith.constant 50 : i32
      %lt3A_583 = arith.cmpi slt, %add3A_581, %lt3A_582 : i32
      %convert_element_type3A = arith.extui %lt3A_583 : i1 to i32
      %cond3A = arith.constant 0 : i32
      %cond3A_584 = arith.cmpi ne, %convert_element_type3A, %cond3A : i32
      scf.if %cond3A_584 {
        %add3A_823 = arith.constant 2 : i32
        %add3A_824 = arith.addi %add3A_360, %add3A_823 : i32
        %jit3A_825 = arith.constant 2 : i32
        %div3A_826 = arith.divsi %add3A_824, %jit3A_825 : i32
        %sign3A_827 = arith.constant 0 : i32
        %sign3A_828 = arith.cmpi sgt, %add3A_824, %sign3A_827 : i32
        %sign3A_829 = arith.extui %sign3A_828 : i1 to i32
        %sign3A_830 = arith.constant 0 : i32
        %sign3A_831 = arith.cmpi slt, %add3A_824, %sign3A_830 : i32
        %sign3A_832 = arith.extui %sign3A_831 : i1 to i32
        %sign3A_833 = arith.subi %sign3A_829, %sign3A_832 : i32
        %sign3A_834 = arith.constant 0 : i32
        %sign3A_835 = arith.cmpi sgt, %jit3A_825, %sign3A_834 : i32
        %sign3A_836 = arith.extui %sign3A_835 : i1 to i32
        %sign3A_837 = arith.constant 0 : i32
        %sign3A_838 = arith.cmpi slt, %jit3A_825, %sign3A_837 : i32
        %sign3A_839 = arith.extui %sign3A_838 : i1 to i32
        %sign3A_840 = arith.subi %sign3A_836, %sign3A_839 : i32
        %ne3A_841 = arith.cmpi ne, %sign3A_833, %sign3A_840 : i32
        %rem3A_842 = arith.remsi %add3A_824, %jit3A_825 : i32
        %ne3A_843 = arith.constant 0 : i32
        %ne3A_844 = arith.cmpi ne, %rem3A_842, %ne3A_843 : i32
        %and3A_845 = arith.andi %ne3A_841, %ne3A_844 : i1
        %sub3A_846 = arith.constant 1 : i32
        %sub3A_847 = arith.subi %div3A_826, %sub3A_846 : i32
        %select_n3A_848 = arith.select %and3A_845, %sub3A_847, %div3A_826 : i32
        %mul3A_849 = arith.constant 8 : i32
        %mul3A_850 = arith.muli %select_n3A_848, %mul3A_849 : i32
        %jit3A_851 = arith.constant 2 : i32
        %eq3A_852 = arith.constant 0 : i32
        %eq3A_853 = arith.cmpi eq, %jit3A_851, %eq3A_852 : i32
        %jit3A_854 = arith.constant 1 : i32
        %select_n3A_855 = arith.select %eq3A_853, %jit3A_854, %jit3A_851 : i32
        %rem3A_856 = arith.remsi %add3A_824, %select_n3A_855 : i32
        %ne3A_857 = arith.constant 0 : i32
        %ne3A_858 = arith.cmpi ne, %rem3A_856, %ne3A_857 : i32
        %lt3A_859 = arith.constant 0 : i32
        %lt3A_860 = arith.cmpi slt, %rem3A_856, %lt3A_859 : i32
        %lt3A_861 = arith.constant 0 : i32
        %lt3A_862 = arith.cmpi slt, %select_n3A_855, %lt3A_861 : i32
        %ne3A_863 = arith.xori %lt3A_860, %lt3A_862 : i1
        %and3A_864 = arith.andi %ne3A_863, %ne3A_858 : i1
        %add3A_865 = arith.addi %rem3A_856, %select_n3A_855 : i32
        %select_n3A_866 = arith.select %and3A_864, %add3A_865, %rem3A_856 : i32
        %mul3A_867 = arith.constant 256 : i32
        %mul3A_868 = arith.muli %select_n3A_866, %mul3A_867 : i32
        %add3A_869 = arith.addi %mul3A_2, %mul3A_868 : i32
        %dma_start3A_870 = tpu.memref_slice %arg2[%mul3A_850, %add3A_869] : memref<200x16384xi32, #tpu.memory_space<hbm>> -> memref<8x256xi32, #tpu.memory_space<hbm>>
        %dma_start3A_871 = tpu.memref_slice %arg2[%mul3A_850, %add3A_869] : memref<200x16384xi32, #tpu.memory_space<hbm>> -> memref<8x256xi32, #tpu.memory_space<hbm>>
        tpu.enqueue_dma source(%dma_start3A_871 : memref<8x256xi32, #tpu.memory_space<hbm>>) target(%arg6 : memref<8x256xi32, #tpu.memory_space<vmem>>) target_semaphore(%arg10 : memref<!tpu.dma_semaphore, #tpu.memory_space<semaphore_mem>>)
      } else {
      }
      %add3A_585 = arith.constant 1 : i32
      %add3A_586 = arith.addi %add3A_358, %add3A_585 : i32
      %jit3A_587 = arith.constant 2 : i32
      %div3A_588 = arith.divsi %add3A_586, %jit3A_587 : i32
      %sign3A_589 = arith.constant 0 : i32
      %sign3A_590 = arith.cmpi sgt, %add3A_586, %sign3A_589 : i32
      %sign3A_591 = arith.extui %sign3A_590 : i1 to i32
      %sign3A_592 = arith.constant 0 : i32
      %sign3A_593 = arith.cmpi slt, %add3A_586, %sign3A_592 : i32
      %sign3A_594 = arith.extui %sign3A_593 : i1 to i32
      %sign3A_595 = arith.subi %sign3A_591, %sign3A_594 : i32
      %sign3A_596 = arith.constant 0 : i32
      %sign3A_597 = arith.cmpi sgt, %jit3A_587, %sign3A_596 : i32
      %sign3A_598 = arith.extui %sign3A_597 : i1 to i32
      %sign3A_599 = arith.constant 0 : i32
      %sign3A_600 = arith.cmpi slt, %jit3A_587, %sign3A_599 : i32
      %sign3A_601 = arith.extui %sign3A_600 : i1 to i32
      %sign3A_602 = arith.subi %sign3A_598, %sign3A_601 : i32
      %ne3A_603 = arith.cmpi ne, %sign3A_595, %sign3A_602 : i32
      %rem3A_604 = arith.remsi %add3A_586, %jit3A_587 : i32
      %ne3A_605 = arith.constant 0 : i32
      %ne3A_606 = arith.cmpi ne, %rem3A_604, %ne3A_605 : i32
      %and3A_607 = arith.andi %ne3A_603, %ne3A_606 : i1
      %sub3A_608 = arith.constant 1 : i32
      %sub3A_609 = arith.subi %div3A_588, %sub3A_608 : i32
      %select_n3A_610 = arith.select %and3A_607, %sub3A_609, %div3A_588 : i32
      %mul3A_611 = arith.constant 8 : i32
      %mul3A_612 = arith.muli %select_n3A_610, %mul3A_611 : i32
      %jit3A_613 = arith.constant 2 : i32
      %eq3A_614 = arith.constant 0 : i32
      %eq3A_615 = arith.cmpi eq, %jit3A_613, %eq3A_614 : i32
      %jit3A_616 = arith.constant 1 : i32
      %select_n3A_617 = arith.select %eq3A_615, %jit3A_616, %jit3A_613 : i32
      %rem3A_618 = arith.remsi %add3A_586, %select_n3A_617 : i32
      %ne3A_619 = arith.constant 0 : i32
      %ne3A_620 = arith.cmpi ne, %rem3A_618, %ne3A_619 : i32
      %lt3A_621 = arith.constant 0 : i32
      %lt3A_622 = arith.cmpi slt, %rem3A_618, %lt3A_621 : i32
      %lt3A_623 = arith.constant 0 : i32
      %lt3A_624 = arith.cmpi slt, %select_n3A_617, %lt3A_623 : i32
      %ne3A_625 = arith.xori %lt3A_622, %lt3A_624 : i1
      %and3A_626 = arith.andi %ne3A_625, %ne3A_620 : i1
      %add3A_627 = arith.addi %rem3A_618, %select_n3A_617 : i32
      %select_n3A_628 = arith.select %and3A_626, %add3A_627, %rem3A_618 : i32
      %mul3A_629 = arith.constant 256 : i32
      %mul3A_630 = arith.muli %select_n3A_628, %mul3A_629 : i32
      %add3A_631 = arith.addi %mul3A_2, %mul3A_630 : i32
      %dma_wait3A_632 = tpu.memref_slice %arg2[%mul3A_612, %add3A_631] : memref<200x16384xi32, #tpu.memory_space<hbm>> -> memref<8x256xi32, #tpu.memory_space<hbm>>
      %dma_wait3A_633 = tpu.memref_slice %arg2[%mul3A_612, %add3A_631] : memref<200x16384xi32, #tpu.memory_space<hbm>> -> memref<8x256xi32, #tpu.memory_space<hbm>>
      tpu.wait_dma2 semaphore(%arg11 : memref<!tpu.dma_semaphore, #tpu.memory_space<semaphore_mem>>) src(%dma_wait3A_633 : memref<8x256xi32, #tpu.memory_space<hbm>>) dst(%arg7 : memref<8x256xi32, #tpu.memory_space<vmem>>)
      %dma_wait3A_634 = arith.constant 0 : i32
      %dma_wait3A_635 = arith.constant 0 : i32
      %dma_wait3A_636 = arith.constant 0 : i32
      %dma_wait3A_637 = tpu.memref_slice %arg4[%dma_wait3A_634, %dma_wait3A_635, %dma_wait3A_636] : memref<9x200x16384xf32, #tpu.memory_space<hbm>> -> memref<9x8x256xf32, #tpu.memory_space<hbm>>
      %dma_wait3A_638 = arith.constant 0 : i32
      %dma_wait3A_639 = arith.constant 0 : i32
      %dma_wait3A_640 = arith.constant 0 : i32
      %dma_wait3A_641 = tpu.memref_slice %arg4[%dma_wait3A_638, %dma_wait3A_639, %dma_wait3A_640] : memref<9x200x16384xf32, #tpu.memory_space<hbm>> -> memref<9x8x256xf32, #tpu.memory_space<hbm>>
      tpu.wait_dma2 semaphore(%arg13 : memref<!tpu.dma_semaphore, #tpu.memory_space<semaphore_mem>>) src(%dma_wait3A_641 : memref<9x8x256xf32, #tpu.memory_space<hbm>>) dst(%arg9 : memref<9x8x256xf32, #tpu.memory_space<vmem>>)
      %parallel_loop3A_642 = arith.constant 0 : i32
      %parallel_loop3A_643 = arith.constant 128 : i32
      %parallel_loop3A_644 = arith.constant 1 : i32
      scf.for %parallel_loop3A_823 = %parallel_loop3A_642 to %parallel_loop3A_643 step %parallel_loop3A_644  : i32 {
        %parallel_loop3A_824 = arith.constant 16 : i32
        %parallel_loop3A_825 = arith.divsi %parallel_loop3A_823, %parallel_loop3A_824 : i32
        %parallel_loop3A_826 = arith.constant 0 : i32
        %parallel_loop3A_827 = arith.cmpi sgt, %parallel_loop3A_823, %parallel_loop3A_826 : i32
        %parallel_loop3A_828 = arith.extui %parallel_loop3A_827 : i1 to i32
        %parallel_loop3A_829 = arith.constant 0 : i32
        %parallel_loop3A_830 = arith.cmpi slt, %parallel_loop3A_823, %parallel_loop3A_829 : i32
        %parallel_loop3A_831 = arith.extui %parallel_loop3A_830 : i1 to i32
        %parallel_loop3A_832 = arith.subi %parallel_loop3A_828, %parallel_loop3A_831 : i32
        %parallel_loop3A_833 = arith.constant 0 : i32
        %parallel_loop3A_834 = arith.cmpi sgt, %parallel_loop3A_824, %parallel_loop3A_833 : i32
        %parallel_loop3A_835 = arith.extui %parallel_loop3A_834 : i1 to i32
        %parallel_loop3A_836 = arith.constant 0 : i32
        %parallel_loop3A_837 = arith.cmpi slt, %parallel_loop3A_824, %parallel_loop3A_836 : i32
        %parallel_loop3A_838 = arith.extui %parallel_loop3A_837 : i1 to i32
        %parallel_loop3A_839 = arith.subi %parallel_loop3A_835, %parallel_loop3A_838 : i32
        %parallel_loop3A_840 = arith.cmpi ne, %parallel_loop3A_832, %parallel_loop3A_839 : i32
        %parallel_loop3A_841 = arith.remsi %parallel_loop3A_823, %parallel_loop3A_824 : i32
        %parallel_loop3A_842 = arith.constant 0 : i32
        %parallel_loop3A_843 = arith.cmpi ne, %parallel_loop3A_841, %parallel_loop3A_842 : i32
        %parallel_loop3A_844 = arith.andi %parallel_loop3A_840, %parallel_loop3A_843 : i1
        %parallel_loop3A_845 = arith.constant 1 : i32
        %parallel_loop3A_846 = arith.subi %parallel_loop3A_825, %parallel_loop3A_845 : i32
        %parallel_loop3A_847 = arith.select %parallel_loop3A_844, %parallel_loop3A_846, %parallel_loop3A_825 : i32
        %parallel_loop3A_848 = arith.constant 16 : i32
        %parallel_loop3A_849 = arith.constant 0 : i32
        %parallel_loop3A_850 = arith.cmpi eq, %parallel_loop3A_848, %parallel_loop3A_849 : i32
        %parallel_loop3A_851 = arith.constant 1 : i32
        %parallel_loop3A_852 = arith.select %parallel_loop3A_850, %parallel_loop3A_851, %parallel_loop3A_848 : i32
        %parallel_loop3A_853 = arith.remsi %parallel_loop3A_823, %parallel_loop3A_852 : i32
        %parallel_loop3A_854 = arith.constant 0 : i32
        %parallel_loop3A_855 = arith.cmpi ne, %parallel_loop3A_853, %parallel_loop3A_854 : i32
        %parallel_loop3A_856 = arith.constant 0 : i32
        %parallel_loop3A_857 = arith.cmpi slt, %parallel_loop3A_853, %parallel_loop3A_856 : i32
        %parallel_loop3A_858 = arith.constant 0 : i32
        %parallel_loop3A_859 = arith.cmpi slt, %parallel_loop3A_852, %parallel_loop3A_858 : i32
        %parallel_loop3A_860 = arith.xori %parallel_loop3A_857, %parallel_loop3A_859 : i1
        %parallel_loop3A_861 = arith.andi %parallel_loop3A_860, %parallel_loop3A_855 : i1
        %parallel_loop3A_862 = arith.addi %parallel_loop3A_853, %parallel_loop3A_852 : i32
        %parallel_loop3A_863 = arith.select %parallel_loop3A_861, %parallel_loop3A_862, %parallel_loop3A_853 : i32
        %parallel_loop3A_864 = arith.constant 16 : i32
        %parallel_loop3A_865 = arith.muli %parallel_loop3A_863, %parallel_loop3A_864 : i32
        %parallel_loop3A_866 = arith.index_cast %parallel_loop3A_847 : i32 to index
        %parallel_loop3A_867 = arith.index_cast %parallel_loop3A_865 : i32 to index
        %parallel_loop3A_868 = tpu.vector_load %arg7[%parallel_loop3A_866, %parallel_loop3A_867] {strides = array<i32>} : memref<8x256xi32, #tpu.memory_space<vmem>>, vector<16xi32>,
        %parallel_loop3A_869 = arith.constant 0 : i32
        %parallel_loop3A_870 = vector.broadcast %parallel_loop3A_869 : i32 to vector<16xi32>
        %parallel_loop3A_871 = tpu.vector_load_idx %arg5[%parallel_loop3A_870, %parallel_loop3A_868] : memref<9x100xf32, #tpu.memory_space<vmem>>[vector<16xi32>, vector<16xi32>], vector<16xf32>,
        %parallel_loop3A_872 = arith.constant 0 : i32
        %parallel_loop3A_873 = arith.index_cast %parallel_loop3A_872 : i32 to index
        %parallel_loop3A_874 = arith.index_cast %parallel_loop3A_847 : i32 to index
        %parallel_loop3A_875 = arith.index_cast %parallel_loop3A_865 : i32 to index
        %parallel_loop3A_876 = tpu.vector_load %arg9[%parallel_loop3A_873, %parallel_loop3A_874, %parallel_loop3A_875] {strides = array<i32>} : memref<9x8x256xf32, #tpu.memory_space<vmem>>, vector<16xf32>,
        tpu.vector_store %arg9[%parallel_loop3A_873, %parallel_loop3A_874, %parallel_loop3A_875], %parallel_loop3A_871 {strides = array<i32>} : memref<9x8x256xf32, #tpu.memory_space<vmem>>, vector<16xf32>,
        %parallel_loop3A_877 = arith.constant 1 : i32
        %parallel_loop3A_878 = vector.broadcast %parallel_loop3A_877 : i32 to vector<16xi32>
        %parallel_loop3A_879 = tpu.vector_load_idx %arg5[%parallel_loop3A_878, %parallel_loop3A_868] : memref<9x100xf32, #tpu.memory_space<vmem>>[vector<16xi32>, vector<16xi32>], vector<16xf32>,
        %parallel_loop3A_880 = arith.constant 1 : i32
        %parallel_loop3A_881 = arith.index_cast %parallel_loop3A_880 : i32 to index
        %parallel_loop3A_882 = arith.index_cast %parallel_loop3A_847 : i32 to index
        %parallel_loop3A_883 = arith.index_cast %parallel_loop3A_865 : i32 to index
        %parallel_loop3A_884 = tpu.vector_load %arg9[%parallel_loop3A_881, %parallel_loop3A_882, %parallel_loop3A_883] {strides = array<i32>} : memref<9x8x256xf32, #tpu.memory_space<vmem>>, vector<16xf32>,
        tpu.vector_store %arg9[%parallel_loop3A_881, %parallel_loop3A_882, %parallel_loop3A_883], %parallel_loop3A_879 {strides = array<i32>} : memref<9x8x256xf32, #tpu.memory_space<vmem>>, vector<16xf32>,
        %parallel_loop3A_885 = arith.constant 2 : i32
        %parallel_loop3A_886 = vector.broadcast %parallel_loop3A_885 : i32 to vector<16xi32>
        %parallel_loop3A_887 = tpu.vector_load_idx %arg5[%parallel_loop3A_886, %parallel_loop3A_868] : memref<9x100xf32, #tpu.memory_space<vmem>>[vector<16xi32>, vector<16xi32>], vector<16xf32>,
        %parallel_loop3A_888 = arith.constant 2 : i32
        %parallel_loop3A_889 = arith.index_cast %parallel_loop3A_888 : i32 to index
        %parallel_loop3A_890 = arith.index_cast %parallel_loop3A_847 : i32 to index
        %parallel_loop3A_891 = arith.index_cast %parallel_loop3A_865 : i32 to index
        %parallel_loop3A_892 = tpu.vector_load %arg9[%parallel_loop3A_889, %parallel_loop3A_890, %parallel_loop3A_891] {strides = array<i32>} : memref<9x8x256xf32, #tpu.memory_space<vmem>>, vector<16xf32>,
        tpu.vector_store %arg9[%parallel_loop3A_889, %parallel_loop3A_890, %parallel_loop3A_891], %parallel_loop3A_887 {strides = array<i32>} : memref<9x8x256xf32, #tpu.memory_space<vmem>>, vector<16xf32>,
        %parallel_loop3A_893 = arith.constant 3 : i32
        %parallel_loop3A_894 = vector.broadcast %parallel_loop3A_893 : i32 to vector<16xi32>
        %parallel_loop3A_895 = tpu.vector_load_idx %arg5[%parallel_loop3A_894, %parallel_loop3A_868] : memref<9x100xf32, #tpu.memory_space<vmem>>[vector<16xi32>, vector<16xi32>], vector<16xf32>,
        %parallel_loop3A_896 = arith.constant 3 : i32
        %parallel_loop3A_897 = arith.index_cast %parallel_loop3A_896 : i32 to index
        %parallel_loop3A_898 = arith.index_cast %parallel_loop3A_847 : i32 to index
        %parallel_loop3A_899 = arith.index_cast %parallel_loop3A_865 : i32 to index
        %parallel_loop3A_900 = tpu.vector_load %arg9[%parallel_loop3A_897, %parallel_loop3A_898, %parallel_loop3A_899] {strides = array<i32>} : memref<9x8x256xf32, #tpu.memory_space<vmem>>, vector<16xf32>,
        tpu.vector_store %arg9[%parallel_loop3A_897, %parallel_loop3A_898, %parallel_loop3A_899], %parallel_loop3A_895 {strides = array<i32>} : memref<9x8x256xf32, #tpu.memory_space<vmem>>, vector<16xf32>,
        %parallel_loop3A_901 = arith.constant 4 : i32
        %parallel_loop3A_902 = vector.broadcast %parallel_loop3A_901 : i32 to vector<16xi32>
        %parallel_loop3A_903 = tpu.vector_load_idx %arg5[%parallel_loop3A_902, %parallel_loop3A_868] : memref<9x100xf32, #tpu.memory_space<vmem>>[vector<16xi32>, vector<16xi32>], vector<16xf32>,
        %parallel_loop3A_904 = arith.constant 4 : i32
        %parallel_loop3A_905 = arith.index_cast %parallel_loop3A_904 : i32 to index
        %parallel_loop3A_906 = arith.index_cast %parallel_loop3A_847 : i32 to index
        %parallel_loop3A_907 = arith.index_cast %parallel_loop3A_865 : i32 to index
        %parallel_loop3A_908 = tpu.vector_load %arg9[%parallel_loop3A_905, %parallel_loop3A_906, %parallel_loop3A_907] {strides = array<i32>} : memref<9x8x256xf32, #tpu.memory_space<vmem>>, vector<16xf32>,
        tpu.vector_store %arg9[%parallel_loop3A_905, %parallel_loop3A_906, %parallel_loop3A_907], %parallel_loop3A_903 {strides = array<i32>} : memref<9x8x256xf32, #tpu.memory_space<vmem>>, vector<16xf32>,
        %parallel_loop3A_909 = arith.constant 5 : i32
        %parallel_loop3A_910 = vector.broadcast %parallel_loop3A_909 : i32 to vector<16xi32>
        %parallel_loop3A_911 = tpu.vector_load_idx %arg5[%parallel_loop3A_910, %parallel_loop3A_868] : memref<9x100xf32, #tpu.memory_space<vmem>>[vector<16xi32>, vector<16xi32>], vector<16xf32>,
        %parallel_loop3A_912 = arith.constant 5 : i32
        %parallel_loop3A_913 = arith.index_cast %parallel_loop3A_912 : i32 to index
        %parallel_loop3A_914 = arith.index_cast %parallel_loop3A_847 : i32 to index
        %parallel_loop3A_915 = arith.index_cast %parallel_loop3A_865 : i32 to index
        %parallel_loop3A_916 = tpu.vector_load %arg9[%parallel_loop3A_913, %parallel_loop3A_914, %parallel_loop3A_915] {strides = array<i32>} : memref<9x8x256xf32, #tpu.memory_space<vmem>>, vector<16xf32>,
        tpu.vector_store %arg9[%parallel_loop3A_913, %parallel_loop3A_914, %parallel_loop3A_915], %parallel_loop3A_911 {strides = array<i32>} : memref<9x8x256xf32, #tpu.memory_space<vmem>>, vector<16xf32>,
        %parallel_loop3A_917 = arith.constant 6 : i32
        %parallel_loop3A_918 = vector.broadcast %parallel_loop3A_917 : i32 to vector<16xi32>
        %parallel_loop3A_919 = tpu.vector_load_idx %arg5[%parallel_loop3A_918, %parallel_loop3A_868] : memref<9x100xf32, #tpu.memory_space<vmem>>[vector<16xi32>, vector<16xi32>], vector<16xf32>,
        %parallel_loop3A_920 = arith.constant 6 : i32
        %parallel_loop3A_921 = arith.index_cast %parallel_loop3A_920 : i32 to index
        %parallel_loop3A_922 = arith.index_cast %parallel_loop3A_847 : i32 to index
        %parallel_loop3A_923 = arith.index_cast %parallel_loop3A_865 : i32 to index
        %parallel_loop3A_924 = tpu.vector_load %arg9[%parallel_loop3A_921, %parallel_loop3A_922, %parallel_loop3A_923] {strides = array<i32>} : memref<9x8x256xf32, #tpu.memory_space<vmem>>, vector<16xf32>,
        tpu.vector_store %arg9[%parallel_loop3A_921, %parallel_loop3A_922, %parallel_loop3A_923], %parallel_loop3A_919 {strides = array<i32>} : memref<9x8x256xf32, #tpu.memory_space<vmem>>, vector<16xf32>,
        %parallel_loop3A_925 = arith.constant 7 : i32
        %parallel_loop3A_926 = vector.broadcast %parallel_loop3A_925 : i32 to vector<16xi32>
        %parallel_loop3A_927 = tpu.vector_load_idx %arg5[%parallel_loop3A_926, %parallel_loop3A_868] : memref<9x100xf32, #tpu.memory_space<vmem>>[vector<16xi32>, vector<16xi32>], vector<16xf32>,
        %parallel_loop3A_928 = arith.constant 7 : i32
        %parallel_loop3A_929 = arith.index_cast %parallel_loop3A_928 : i32 to index
        %parallel_loop3A_930 = arith.index_cast %parallel_loop3A_847 : i32 to index
        %parallel_loop3A_931 = arith.index_cast %parallel_loop3A_865 : i32 to index
        %parallel_loop3A_932 = tpu.vector_load %arg9[%parallel_loop3A_929, %parallel_loop3A_930, %parallel_loop3A_931] {strides = array<i32>} : memref<9x8x256xf32, #tpu.memory_space<vmem>>, vector<16xf32>,
        tpu.vector_store %arg9[%parallel_loop3A_929, %parallel_loop3A_930, %parallel_loop3A_931], %parallel_loop3A_927 {strides = array<i32>} : memref<9x8x256xf32, #tpu.memory_space<vmem>>, vector<16xf32>,
        %parallel_loop3A_933 = arith.constant 8 : i32
        %parallel_loop3A_934 = vector.broadcast %parallel_loop3A_933 : i32 to vector<16xi32>
        %parallel_loop3A_935 = tpu.vector_load_idx %arg5[%parallel_loop3A_934, %parallel_loop3A_868] : memref<9x100xf32, #tpu.memory_space<vmem>>[vector<16xi32>, vector<16xi32>], vector<16xf32>,
        %parallel_loop3A_936 = arith.constant 8 : i32
        %parallel_loop3A_937 = arith.index_cast %parallel_loop3A_936 : i32 to index
        %parallel_loop3A_938 = arith.index_cast %parallel_loop3A_847 : i32 to index
        %parallel_loop3A_939 = arith.index_cast %parallel_loop3A_865 : i32 to index
        %parallel_loop3A_940 = tpu.vector_load %arg9[%parallel_loop3A_937, %parallel_loop3A_938, %parallel_loop3A_939] {strides = array<i32>} : memref<9x8x256xf32, #tpu.memory_space<vmem>>, vector<16xf32>,
        tpu.vector_store %arg9[%parallel_loop3A_937, %parallel_loop3A_938, %parallel_loop3A_939], %parallel_loop3A_935 {strides = array<i32>} : memref<9x8x256xf32, #tpu.memory_space<vmem>>, vector<16xf32>,
      } {sc.loop_unroll_factor = 4 : i64, sc.parallel_access}
      %jit3A_645 = arith.constant 2 : i32
      %div3A_646 = arith.divsi %add3A_586, %jit3A_645 : i32
      %sign3A_647 = arith.constant 0 : i32
      %sign3A_648 = arith.cmpi sgt, %add3A_586, %sign3A_647 : i32
      %sign3A_649 = arith.extui %sign3A_648 : i1 to i32
      %sign3A_650 = arith.constant 0 : i32
      %sign3A_651 = arith.cmpi slt, %add3A_586, %sign3A_650 : i32
      %sign3A_652 = arith.extui %sign3A_651 : i1 to i32
      %sign3A_653 = arith.subi %sign3A_649, %sign3A_652 : i32
      %sign3A_654 = arith.constant 0 : i32
      %sign3A_655 = arith.cmpi sgt, %jit3A_645, %sign3A_654 : i32
      %sign3A_656 = arith.extui %sign3A_655 : i1 to i32
      %sign3A_657 = arith.constant 0 : i32
      %sign3A_658 = arith.cmpi slt, %jit3A_645, %sign3A_657 : i32
      %sign3A_659 = arith.extui %sign3A_658 : i1 to i32
      %sign3A_660 = arith.subi %sign3A_656, %sign3A_659 : i32
      %ne3A_661 = arith.cmpi ne, %sign3A_653, %sign3A_660 : i32
      %rem3A_662 = arith.remsi %add3A_586, %jit3A_645 : i32
      %ne3A_663 = arith.constant 0 : i32
      %ne3A_664 = arith.cmpi ne, %rem3A_662, %ne3A_663 : i32
      %and3A_665 = arith.andi %ne3A_661, %ne3A_664 : i1
      %sub3A_666 = arith.constant 1 : i32
      %sub3A_667 = arith.subi %div3A_646, %sub3A_666 : i32
      %select_n3A_668 = arith.select %and3A_665, %sub3A_667, %div3A_646 : i32
      %mul3A_669 = arith.constant 8 : i32
      %mul3A_670 = arith.muli %select_n3A_668, %mul3A_669 : i32
      %jit3A_671 = arith.constant 2 : i32
      %eq3A_672 = arith.constant 0 : i32
      %eq3A_673 = arith.cmpi eq, %jit3A_671, %eq3A_672 : i32
      %jit3A_674 = arith.constant 1 : i32
      %select_n3A_675 = arith.select %eq3A_673, %jit3A_674, %jit3A_671 : i32
      %rem3A_676 = arith.remsi %add3A_586, %select_n3A_675 : i32
      %ne3A_677 = arith.constant 0 : i32
      %ne3A_678 = arith.cmpi ne, %rem3A_676, %ne3A_677 : i32
      %lt3A_679 = arith.constant 0 : i32
      %lt3A_680 = arith.cmpi slt, %rem3A_676, %lt3A_679 : i32
      %lt3A_681 = arith.constant 0 : i32
      %lt3A_682 = arith.cmpi slt, %select_n3A_675, %lt3A_681 : i32
      %ne3A_683 = arith.xori %lt3A_680, %lt3A_682 : i1
      %and3A_684 = arith.andi %ne3A_683, %ne3A_678 : i1
      %add3A_685 = arith.addi %rem3A_676, %select_n3A_675 : i32
      %select_n3A_686 = arith.select %and3A_684, %add3A_685, %rem3A_676 : i32
      %mul3A_687 = arith.constant 256 : i32
      %mul3A_688 = arith.muli %select_n3A_686, %mul3A_687 : i32
      %add3A_689 = arith.addi %mul3A_2, %mul3A_688 : i32
      %dma_start3A_690 = arith.constant 0 : i32
      %dma_start3A_691 = arith.constant 0 : i32
      %dma_start3A_692 = arith.constant 0 : i32
      %dma_start3A_693 = arith.constant 0 : i32
      %dma_start3A_694 = tpu.memref_slice %arg9[%dma_start3A_690, %dma_start3A_692, %dma_start3A_693] : memref<9x8x256xf32, #tpu.memory_space<vmem>> -> memref<1x8x256xf32, #tpu.memory_space<vmem>>
      %dma_start3A_695 = tpu.memref_squeeze %dma_start3A_694 : memref<1x8x256xf32, #tpu.memory_space<vmem>> -> memref<8x256xf32, #tpu.memory_space<vmem>>
      %dma_start3A_696 = tpu.memref_slice %arg4[%dma_start3A_691, %mul3A_670, %add3A_689] : memref<9x200x16384xf32, #tpu.memory_space<hbm>> -> memref<1x8x256xf32, #tpu.memory_space<hbm>>
      %dma_start3A_697 = tpu.memref_squeeze %dma_start3A_696 : memref<1x8x256xf32, #tpu.memory_space<hbm>> -> memref<8x256xf32, #tpu.memory_space<hbm>>
      %dma_start3A_698 = tpu.memref_slice %arg4[%dma_start3A_691, %mul3A_670, %add3A_689] : memref<9x200x16384xf32, #tpu.memory_space<hbm>> -> memref<1x8x256xf32, #tpu.memory_space<hbm>>
      %dma_start3A_699 = tpu.memref_squeeze %dma_start3A_698 : memref<1x8x256xf32, #tpu.memory_space<hbm>> -> memref<8x256xf32, #tpu.memory_space<hbm>>
      %dma_start3A_700 = arith.constant 0 : i32
      %dma_start3A_701 = arith.constant 0 : i32
      %dma_start3A_702 = tpu.memref_slice %arg9[%dma_start3A_690, %dma_start3A_700, %dma_start3A_701] : memref<9x8x256xf32, #tpu.memory_space<vmem>> -> memref<1x8x256xf32, #tpu.memory_space<vmem>>
      %dma_start3A_703 = tpu.memref_squeeze %dma_start3A_702 : memref<1x8x256xf32, #tpu.memory_space<vmem>> -> memref<8x256xf32, #tpu.memory_space<vmem>>
      tpu.enqueue_dma source(%dma_start3A_703 : memref<8x256xf32, #tpu.memory_space<vmem>>) target(%dma_start3A_699 : memref<8x256xf32, #tpu.memory_space<hbm>>) target_semaphore(%arg13 : memref<!tpu.dma_semaphore, #tpu.memory_space<semaphore_mem>>)
      %dma_start3A_704 = arith.constant 1 : i32
      %dma_start3A_705 = arith.constant 1 : i32
      %dma_start3A_706 = arith.constant 0 : i32
      %dma_start3A_707 = arith.constant 0 : i32
      %dma_start3A_708 = tpu.memref_slice %arg9[%dma_start3A_704, %dma_start3A_706, %dma_start3A_707] : memref<9x8x256xf32, #tpu.memory_space<vmem>> -> memref<1x8x256xf32, #tpu.memory_space<vmem>>
      %dma_start3A_709 = tpu.memref_squeeze %dma_start3A_708 : memref<1x8x256xf32, #tpu.memory_space<vmem>> -> memref<8x256xf32, #tpu.memory_space<vmem>>
      %dma_start3A_710 = tpu.memref_slice %arg4[%dma_start3A_705, %mul3A_670, %add3A_689] : memref<9x200x16384xf32, #tpu.memory_space<hbm>> -> memref<1x8x256xf32, #tpu.memory_space<hbm>>
      %dma_start3A_711 = tpu.memref_squeeze %dma_start3A_710 : memref<1x8x256xf32, #tpu.memory_space<hbm>> -> memref<8x256xf32, #tpu.memory_space<hbm>>
      %dma_start3A_712 = tpu.memref_slice %arg4[%dma_start3A_705, %mul3A_670, %add3A_689] : memref<9x200x16384xf32, #tpu.memory_space<hbm>> -> memref<1x8x256xf32, #tpu.memory_space<hbm>>
      %dma_start3A_713 = tpu.memref_squeeze %dma_start3A_712 : memref<1x8x256xf32, #tpu.memory_space<hbm>> -> memref<8x256xf32, #tpu.memory_space<hbm>>
      %dma_start3A_714 = arith.constant 0 : i32
      %dma_start3A_715 = arith.constant 0 : i32
      %dma_start3A_716 = tpu.memref_slice %arg9[%dma_start3A_704, %dma_start3A_714, %dma_start3A_715] : memref<9x8x256xf32, #tpu.memory_space<vmem>> -> memref<1x8x256xf32, #tpu.memory_space<vmem>>
      %dma_start3A_717 = tpu.memref_squeeze %dma_start3A_716 : memref<1x8x256xf32, #tpu.memory_space<vmem>> -> memref<8x256xf32, #tpu.memory_space<vmem>>
      tpu.enqueue_dma source(%dma_start3A_717 : memref<8x256xf32, #tpu.memory_space<vmem>>) target(%dma_start3A_713 : memref<8x256xf32, #tpu.memory_space<hbm>>) target_semaphore(%arg13 : memref<!tpu.dma_semaphore, #tpu.memory_space<semaphore_mem>>)
      %dma_start3A_718 = arith.constant 2 : i32
      %dma_start3A_719 = arith.constant 2 : i32
      %dma_start3A_720 = arith.constant 0 : i32
      %dma_start3A_721 = arith.constant 0 : i32
      %dma_start3A_722 = tpu.memref_slice %arg9[%dma_start3A_718, %dma_start3A_720, %dma_start3A_721] : memref<9x8x256xf32, #tpu.memory_space<vmem>> -> memref<1x8x256xf32, #tpu.memory_space<vmem>>
      %dma_start3A_723 = tpu.memref_squeeze %dma_start3A_722 : memref<1x8x256xf32, #tpu.memory_space<vmem>> -> memref<8x256xf32, #tpu.memory_space<vmem>>
      %dma_start3A_724 = tpu.memref_slice %arg4[%dma_start3A_719, %mul3A_670, %add3A_689] : memref<9x200x16384xf32, #tpu.memory_space<hbm>> -> memref<1x8x256xf32, #tpu.memory_space<hbm>>
      %dma_start3A_725 = tpu.memref_squeeze %dma_start3A_724 : memref<1x8x256xf32, #tpu.memory_space<hbm>> -> memref<8x256xf32, #tpu.memory_space<hbm>>
      %dma_start3A_726 = tpu.memref_slice %arg4[%dma_start3A_719, %mul3A_670, %add3A_689] : memref<9x200x16384xf32, #tpu.memory_space<hbm>> -> memref<1x8x256xf32, #tpu.memory_space<hbm>>
      %dma_start3A_727 = tpu.memref_squeeze %dma_start3A_726 : memref<1x8x256xf32, #tpu.memory_space<hbm>> -> memref<8x256xf32, #tpu.memory_space<hbm>>
      %dma_start3A_728 = arith.constant 0 : i32
      %dma_start3A_729 = arith.constant 0 : i32
      %dma_start3A_730 = tpu.memref_slice %arg9[%dma_start3A_718, %dma_start3A_728, %dma_start3A_729] : memref<9x8x256xf32, #tpu.memory_space<vmem>> -> memref<1x8x256xf32, #tpu.memory_space<vmem>>
      %dma_start3A_731 = tpu.memref_squeeze %dma_start3A_730 : memref<1x8x256xf32, #tpu.memory_space<vmem>> -> memref<8x256xf32, #tpu.memory_space<vmem>>
      tpu.enqueue_dma source(%dma_start3A_731 : memref<8x256xf32, #tpu.memory_space<vmem>>) target(%dma_start3A_727 : memref<8x256xf32, #tpu.memory_space<hbm>>) target_semaphore(%arg13 : memref<!tpu.dma_semaphore, #tpu.memory_space<semaphore_mem>>)
      %dma_start3A_732 = arith.constant 3 : i32
      %dma_start3A_733 = arith.constant 3 : i32
      %dma_start3A_734 = arith.constant 0 : i32
      %dma_start3A_735 = arith.constant 0 : i32
      %dma_start3A_736 = tpu.memref_slice %arg9[%dma_start3A_732, %dma_start3A_734, %dma_start3A_735] : memref<9x8x256xf32, #tpu.memory_space<vmem>> -> memref<1x8x256xf32, #tpu.memory_space<vmem>>
      %dma_start3A_737 = tpu.memref_squeeze %dma_start3A_736 : memref<1x8x256xf32, #tpu.memory_space<vmem>> -> memref<8x256xf32, #tpu.memory_space<vmem>>
      %dma_start3A_738 = tpu.memref_slice %arg4[%dma_start3A_733, %mul3A_670, %add3A_689] : memref<9x200x16384xf32, #tpu.memory_space<hbm>> -> memref<1x8x256xf32, #tpu.memory_space<hbm>>
      %dma_start3A_739 = tpu.memref_squeeze %dma_start3A_738 : memref<1x8x256xf32, #tpu.memory_space<hbm>> -> memref<8x256xf32, #tpu.memory_space<hbm>>
      %dma_start3A_740 = tpu.memref_slice %arg4[%dma_start3A_733, %mul3A_670, %add3A_689] : memref<9x200x16384xf32, #tpu.memory_space<hbm>> -> memref<1x8x256xf32, #tpu.memory_space<hbm>>
      %dma_start3A_741 = tpu.memref_squeeze %dma_start3A_740 : memref<1x8x256xf32, #tpu.memory_space<hbm>> -> memref<8x256xf32, #tpu.memory_space<hbm>>
      %dma_start3A_742 = arith.constant 0 : i32
      %dma_start3A_743 = arith.constant 0 : i32
      %dma_start3A_744 = tpu.memref_slice %arg9[%dma_start3A_732, %dma_start3A_742, %dma_start3A_743] : memref<9x8x256xf32, #tpu.memory_space<vmem>> -> memref<1x8x256xf32, #tpu.memory_space<vmem>>
      %dma_start3A_745 = tpu.memref_squeeze %dma_start3A_744 : memref<1x8x256xf32, #tpu.memory_space<vmem>> -> memref<8x256xf32, #tpu.memory_space<vmem>>
      tpu.enqueue_dma source(%dma_start3A_745 : memref<8x256xf32, #tpu.memory_space<vmem>>) target(%dma_start3A_741 : memref<8x256xf32, #tpu.memory_space<hbm>>) target_semaphore(%arg13 : memref<!tpu.dma_semaphore, #tpu.memory_space<semaphore_mem>>)
      %dma_start3A_746 = arith.constant 4 : i32
      %dma_start3A_747 = arith.constant 4 : i32
      %dma_start3A_748 = arith.constant 0 : i32
      %dma_start3A_749 = arith.constant 0 : i32
      %dma_start3A_750 = tpu.memref_slice %arg9[%dma_start3A_746, %dma_start3A_748, %dma_start3A_749] : memref<9x8x256xf32, #tpu.memory_space<vmem>> -> memref<1x8x256xf32, #tpu.memory_space<vmem>>
      %dma_start3A_751 = tpu.memref_squeeze %dma_start3A_750 : memref<1x8x256xf32, #tpu.memory_space<vmem>> -> memref<8x256xf32, #tpu.memory_space<vmem>>
      %dma_start3A_752 = tpu.memref_slice %arg4[%dma_start3A_747, %mul3A_670, %add3A_689] : memref<9x200x16384xf32, #tpu.memory_space<hbm>> -> memref<1x8x256xf32, #tpu.memory_space<hbm>>
      %dma_start3A_753 = tpu.memref_squeeze %dma_start3A_752 : memref<1x8x256xf32, #tpu.memory_space<hbm>> -> memref<8x256xf32, #tpu.memory_space<hbm>>
      %dma_start3A_754 = tpu.memref_slice %arg4[%dma_start3A_747, %mul3A_670, %add3A_689] : memref<9x200x16384xf32, #tpu.memory_space<hbm>> -> memref<1x8x256xf32, #tpu.memory_space<hbm>>
      %dma_start3A_755 = tpu.memref_squeeze %dma_start3A_754 : memref<1x8x256xf32, #tpu.memory_space<hbm>> -> memref<8x256xf32, #tpu.memory_space<hbm>>
      %dma_start3A_756 = arith.constant 0 : i32
      %dma_start3A_757 = arith.constant 0 : i32
      %dma_start3A_758 = tpu.memref_slice %arg9[%dma_start3A_746, %dma_start3A_756, %dma_start3A_757] : memref<9x8x256xf32, #tpu.memory_space<vmem>> -> memref<1x8x256xf32, #tpu.memory_space<vmem>>
      %dma_start3A_759 = tpu.memref_squeeze %dma_start3A_758 : memref<1x8x256xf32, #tpu.memory_space<vmem>> -> memref<8x256xf32, #tpu.memory_space<vmem>>
      tpu.enqueue_dma source(%dma_start3A_759 : memref<8x256xf32, #tpu.memory_space<vmem>>) target(%dma_start3A_755 : memref<8x256xf32, #tpu.memory_space<hbm>>) target_semaphore(%arg13 : memref<!tpu.dma_semaphore, #tpu.memory_space<semaphore_mem>>)
      %dma_start3A_760 = arith.constant 5 : i32
      %dma_start3A_761 = arith.constant 5 : i32
      %dma_start3A_762 = arith.constant 0 : i32
      %dma_start3A_763 = arith.constant 0 : i32
      %dma_start3A_764 = tpu.memref_slice %arg9[%dma_start3A_760, %dma_start3A_762, %dma_start3A_763] : memref<9x8x256xf32, #tpu.memory_space<vmem>> -> memref<1x8x256xf32, #tpu.memory_space<vmem>>
      %dma_start3A_765 = tpu.memref_squeeze %dma_start3A_764 : memref<1x8x256xf32, #tpu.memory_space<vmem>> -> memref<8x256xf32, #tpu.memory_space<vmem>>
      %dma_start3A_766 = tpu.memref_slice %arg4[%dma_start3A_761, %mul3A_670, %add3A_689] : memref<9x200x16384xf32, #tpu.memory_space<hbm>> -> memref<1x8x256xf32, #tpu.memory_space<hbm>>
      %dma_start3A_767 = tpu.memref_squeeze %dma_start3A_766 : memref<1x8x256xf32, #tpu.memory_space<hbm>> -> memref<8x256xf32, #tpu.memory_space<hbm>>
      %dma_start3A_768 = tpu.memref_slice %arg4[%dma_start3A_761, %mul3A_670, %add3A_689] : memref<9x200x16384xf32, #tpu.memory_space<hbm>> -> memref<1x8x256xf32, #tpu.memory_space<hbm>>
      %dma_start3A_769 = tpu.memref_squeeze %dma_start3A_768 : memref<1x8x256xf32, #tpu.memory_space<hbm>> -> memref<8x256xf32, #tpu.memory_space<hbm>>
      %dma_start3A_770 = arith.constant 0 : i32
      %dma_start3A_771 = arith.constant 0 : i32
      %dma_start3A_772 = tpu.memref_slice %arg9[%dma_start3A_760, %dma_start3A_770, %dma_start3A_771] : memref<9x8x256xf32, #tpu.memory_space<vmem>> -> memref<1x8x256xf32, #tpu.memory_space<vmem>>
      %dma_start3A_773 = tpu.memref_squeeze %dma_start3A_772 : memref<1x8x256xf32, #tpu.memory_space<vmem>> -> memref<8x256xf32, #tpu.memory_space<vmem>>
      tpu.enqueue_dma source(%dma_start3A_773 : memref<8x256xf32, #tpu.memory_space<vmem>>) target(%dma_start3A_769 : memref<8x256xf32, #tpu.memory_space<hbm>>) target_semaphore(%arg13 : memref<!tpu.dma_semaphore, #tpu.memory_space<semaphore_mem>>)
      %dma_start3A_774 = arith.constant 6 : i32
      %dma_start3A_775 = arith.constant 6 : i32
      %dma_start3A_776 = arith.constant 0 : i32
      %dma_start3A_777 = arith.constant 0 : i32
      %dma_start3A_778 = tpu.memref_slice %arg9[%dma_start3A_774, %dma_start3A_776, %dma_start3A_777] : memref<9x8x256xf32, #tpu.memory_space<vmem>> -> memref<1x8x256xf32, #tpu.memory_space<vmem>>
      %dma_start3A_779 = tpu.memref_squeeze %dma_start3A_778 : memref<1x8x256xf32, #tpu.memory_space<vmem>> -> memref<8x256xf32, #tpu.memory_space<vmem>>
      %dma_start3A_780 = tpu.memref_slice %arg4[%dma_start3A_775, %mul3A_670, %add3A_689] : memref<9x200x16384xf32, #tpu.memory_space<hbm>> -> memref<1x8x256xf32, #tpu.memory_space<hbm>>
      %dma_start3A_781 = tpu.memref_squeeze %dma_start3A_780 : memref<1x8x256xf32, #tpu.memory_space<hbm>> -> memref<8x256xf32, #tpu.memory_space<hbm>>
      %dma_start3A_782 = tpu.memref_slice %arg4[%dma_start3A_775, %mul3A_670, %add3A_689] : memref<9x200x16384xf32, #tpu.memory_space<hbm>> -> memref<1x8x256xf32, #tpu.memory_space<hbm>>
      %dma_start3A_783 = tpu.memref_squeeze %dma_start3A_782 : memref<1x8x256xf32, #tpu.memory_space<hbm>> -> memref<8x256xf32, #tpu.memory_space<hbm>>
      %dma_start3A_784 = arith.constant 0 : i32
      %dma_start3A_785 = arith.constant 0 : i32
      %dma_start3A_786 = tpu.memref_slice %arg9[%dma_start3A_774, %dma_start3A_784, %dma_start3A_785] : memref<9x8x256xf32, #tpu.memory_space<vmem>> -> memref<1x8x256xf32, #tpu.memory_space<vmem>>
      %dma_start3A_787 = tpu.memref_squeeze %dma_start3A_786 : memref<1x8x256xf32, #tpu.memory_space<vmem>> -> memref<8x256xf32, #tpu.memory_space<vmem>>
      tpu.enqueue_dma source(%dma_start3A_787 : memref<8x256xf32, #tpu.memory_space<vmem>>) target(%dma_start3A_783 : memref<8x256xf32, #tpu.memory_space<hbm>>) target_semaphore(%arg13 : memref<!tpu.dma_semaphore, #tpu.memory_space<semaphore_mem>>)
      %dma_start3A_788 = arith.constant 7 : i32
      %dma_start3A_789 = arith.constant 7 : i32
      %dma_start3A_790 = arith.constant 0 : i32
      %dma_start3A_791 = arith.constant 0 : i32
      %dma_start3A_792 = tpu.memref_slice %arg9[%dma_start3A_788, %dma_start3A_790, %dma_start3A_791] : memref<9x8x256xf32, #tpu.memory_space<vmem>> -> memref<1x8x256xf32, #tpu.memory_space<vmem>>
      %dma_start3A_793 = tpu.memref_squeeze %dma_start3A_792 : memref<1x8x256xf32, #tpu.memory_space<vmem>> -> memref<8x256xf32, #tpu.memory_space<vmem>>
      %dma_start3A_794 = tpu.memref_slice %arg4[%dma_start3A_789, %mul3A_670, %add3A_689] : memref<9x200x16384xf32, #tpu.memory_space<hbm>> -> memref<1x8x256xf32, #tpu.memory_space<hbm>>
      %dma_start3A_795 = tpu.memref_squeeze %dma_start3A_794 : memref<1x8x256xf32, #tpu.memory_space<hbm>> -> memref<8x256xf32, #tpu.memory_space<hbm>>
      %dma_start3A_796 = tpu.memref_slice %arg4[%dma_start3A_789, %mul3A_670, %add3A_689] : memref<9x200x16384xf32, #tpu.memory_space<hbm>> -> memref<1x8x256xf32, #tpu.memory_space<hbm>>
      %dma_start3A_797 = tpu.memref_squeeze %dma_start3A_796 : memref<1x8x256xf32, #tpu.memory_space<hbm>> -> memref<8x256xf32, #tpu.memory_space<hbm>>
      %dma_start3A_798 = arith.constant 0 : i32
      %dma_start3A_799 = arith.constant 0 : i32
      %dma_start3A_800 = tpu.memref_slice %arg9[%dma_start3A_788, %dma_start3A_798, %dma_start3A_799] : memref<9x8x256xf32, #tpu.memory_space<vmem>> -> memref<1x8x256xf32, #tpu.memory_space<vmem>>
      %dma_start3A_801 = tpu.memref_squeeze %dma_start3A_800 : memref<1x8x256xf32, #tpu.memory_space<vmem>> -> memref<8x256xf32, #tpu.memory_space<vmem>>
      tpu.enqueue_dma source(%dma_start3A_801 : memref<8x256xf32, #tpu.memory_space<vmem>>) target(%dma_start3A_797 : memref<8x256xf32, #tpu.memory_space<hbm>>) target_semaphore(%arg13 : memref<!tpu.dma_semaphore, #tpu.memory_space<semaphore_mem>>)
      %dma_start3A_802 = arith.constant 8 : i32
      %dma_start3A_803 = arith.constant 8 : i32
      %dma_start3A_804 = arith.constant 0 : i32
      %dma_start3A_805 = arith.constant 0 : i32
      %dma_start3A_806 = tpu.memref_slice %arg9[%dma_start3A_802, %dma_start3A_804, %dma_start3A_805] : memref<9x8x256xf32, #tpu.memory_space<vmem>> -> memref<1x8x256xf32, #tpu.memory_space<vmem>>
      %dma_start3A_807 = tpu.memref_squeeze %dma_start3A_806 : memref<1x8x256xf32, #tpu.memory_space<vmem>> -> memref<8x256xf32, #tpu.memory_space<vmem>>
      %dma_start3A_808 = tpu.memref_slice %arg4[%dma_start3A_803, %mul3A_670, %add3A_689] : memref<9x200x16384xf32, #tpu.memory_space<hbm>> -> memref<1x8x256xf32, #tpu.memory_space<hbm>>
      %dma_start3A_809 = tpu.memref_squeeze %dma_start3A_808 : memref<1x8x256xf32, #tpu.memory_space<hbm>> -> memref<8x256xf32, #tpu.memory_space<hbm>>
      %dma_start3A_810 = tpu.memref_slice %arg4[%dma_start3A_803, %mul3A_670, %add3A_689] : memref<9x200x16384xf32, #tpu.memory_space<hbm>> -> memref<1x8x256xf32, #tpu.memory_space<hbm>>
      %dma_start3A_811 = tpu.memref_squeeze %dma_start3A_810 : memref<1x8x256xf32, #tpu.memory_space<hbm>> -> memref<8x256xf32, #tpu.memory_space<hbm>>
      %dma_start3A_812 = arith.constant 0 : i32
      %dma_start3A_813 = arith.constant 0 : i32
      %dma_start3A_814 = tpu.memref_slice %arg9[%dma_start3A_802, %dma_start3A_812, %dma_start3A_813] : memref<9x8x256xf32, #tpu.memory_space<vmem>> -> memref<1x8x256xf32, #tpu.memory_space<vmem>>
      %dma_start3A_815 = tpu.memref_squeeze %dma_start3A_814 : memref<1x8x256xf32, #tpu.memory_space<vmem>> -> memref<8x256xf32, #tpu.memory_space<vmem>>
      tpu.enqueue_dma source(%dma_start3A_815 : memref<8x256xf32, #tpu.memory_space<vmem>>) target(%dma_start3A_811 : memref<8x256xf32, #tpu.memory_space<hbm>>) target_semaphore(%arg13 : memref<!tpu.dma_semaphore, #tpu.memory_space<semaphore_mem>>)
      %add3A_816 = arith.constant 2 : i32
      %add3A_817 = arith.addi %add3A_586, %add3A_816 : i32
      %lt3A_818 = arith.constant 50 : i32
      %lt3A_819 = arith.cmpi slt, %add3A_817, %lt3A_818 : i32
      %convert_element_type3A_820 = arith.extui %lt3A_819 : i1 to i32
      %cond3A_821 = arith.constant 0 : i32
      %cond3A_822 = arith.cmpi ne, %convert_element_type3A_820, %cond3A_821 : i32
      scf.if %cond3A_822 {
        %add3A_823 = arith.constant 2 : i32
        %add3A_824 = arith.addi %add3A_586, %add3A_823 : i32
        %jit3A_825 = arith.constant 2 : i32
        %div3A_826 = arith.divsi %add3A_824, %jit3A_825 : i32
        %sign3A_827 = arith.constant 0 : i32
        %sign3A_828 = arith.cmpi sgt, %add3A_824, %sign3A_827 : i32
        %sign3A_829 = arith.extui %sign3A_828 : i1 to i32
        %sign3A_830 = arith.constant 0 : i32
        %sign3A_831 = arith.cmpi slt, %add3A_824, %sign3A_830 : i32
        %sign3A_832 = arith.extui %sign3A_831 : i1 to i32
        %sign3A_833 = arith.subi %sign3A_829, %sign3A_832 : i32
        %sign3A_834 = arith.constant 0 : i32
        %sign3A_835 = arith.cmpi sgt, %jit3A_825, %sign3A_834 : i32
        %sign3A_836 = arith.extui %sign3A_835 : i1 to i32
        %sign3A_837 = arith.constant 0 : i32
        %sign3A_838 = arith.cmpi slt, %jit3A_825, %sign3A_837 : i32
        %sign3A_839 = arith.extui %sign3A_838 : i1 to i32
        %sign3A_840 = arith.subi %sign3A_836, %sign3A_839 : i32
        %ne3A_841 = arith.cmpi ne, %sign3A_833, %sign3A_840 : i32
        %rem3A_842 = arith.remsi %add3A_824, %jit3A_825 : i32
        %ne3A_843 = arith.constant 0 : i32
        %ne3A_844 = arith.cmpi ne, %rem3A_842, %ne3A_843 : i32
        %and3A_845 = arith.andi %ne3A_841, %ne3A_844 : i1
        %sub3A_846 = arith.constant 1 : i32
        %sub3A_847 = arith.subi %div3A_826, %sub3A_846 : i32
        %select_n3A_848 = arith.select %and3A_845, %sub3A_847, %div3A_826 : i32
        %mul3A_849 = arith.constant 8 : i32
        %mul3A_850 = arith.muli %select_n3A_848, %mul3A_849 : i32
        %jit3A_851 = arith.constant 2 : i32
        %eq3A_852 = arith.constant 0 : i32
        %eq3A_853 = arith.cmpi eq, %jit3A_851, %eq3A_852 : i32
        %jit3A_854 = arith.constant 1 : i32
        %select_n3A_855 = arith.select %eq3A_853, %jit3A_854, %jit3A_851 : i32
        %rem3A_856 = arith.remsi %add3A_824, %select_n3A_855 : i32
        %ne3A_857 = arith.constant 0 : i32
        %ne3A_858 = arith.cmpi ne, %rem3A_856, %ne3A_857 : i32
        %lt3A_859 = arith.constant 0 : i32
        %lt3A_860 = arith.cmpi slt, %rem3A_856, %lt3A_859 : i32
        %lt3A_861 = arith.constant 0 : i32
        %lt3A_862 = arith.cmpi slt, %select_n3A_855, %lt3A_861 : i32
        %ne3A_863 = arith.xori %lt3A_860, %lt3A_862 : i1
        %and3A_864 = arith.andi %ne3A_863, %ne3A_858 : i1
        %add3A_865 = arith.addi %rem3A_856, %select_n3A_855 : i32
        %select_n3A_866 = arith.select %and3A_864, %add3A_865, %rem3A_856 : i32
        %mul3A_867 = arith.constant 256 : i32
        %mul3A_868 = arith.muli %select_n3A_866, %mul3A_867 : i32
        %add3A_869 = arith.addi %mul3A_2, %mul3A_868 : i32
        %dma_start3A_870 = tpu.memref_slice %arg2[%mul3A_850, %add3A_869] : memref<200x16384xi32, #tpu.memory_space<hbm>> -> memref<8x256xi32, #tpu.memory_space<hbm>>
        %dma_start3A_871 = tpu.memref_slice %arg2[%mul3A_850, %add3A_869] : memref<200x16384xi32, #tpu.memory_space<hbm>> -> memref<8x256xi32, #tpu.memory_space<hbm>>
        tpu.enqueue_dma source(%dma_start3A_871 : memref<8x256xi32, #tpu.memory_space<hbm>>) target(%arg7 : memref<8x256xi32, #tpu.memory_space<vmem>>) target_semaphore(%arg11 : memref<!tpu.dma_semaphore, #tpu.memory_space<semaphore_mem>>)
      } else {
      }
    }
    %scan3A_337 = arith.constant 24 : i32
    %dma_wait3A_338 = arith.constant 0 : i32
    %dma_wait3A_339 = arith.constant 0 : i32
    %dma_wait3A_340 = arith.constant 0 : i32
    %dma_wait3A_341 = tpu.memref_slice %arg4[%dma_wait3A_338, %dma_wait3A_339, %dma_wait3A_340] : memref<9x200x16384xf32, #tpu.memory_space<hbm>> -> memref<9x8x256xf32, #tpu.memory_space<hbm>>
    %dma_wait3A_342 = arith.constant 0 : i32
    %dma_wait3A_343 = arith.constant 0 : i32
    %dma_wait3A_344 = arith.constant 0 : i32
    %dma_wait3A_345 = tpu.memref_slice %arg4[%dma_wait3A_342, %dma_wait3A_343, %dma_wait3A_344] : memref<9x200x16384xf32, #tpu.memory_space<hbm>> -> memref<9x8x256xf32, #tpu.memory_space<hbm>>
    tpu.wait_dma2 semaphore(%arg12 : memref<!tpu.dma_semaphore, #tpu.memory_space<semaphore_mem>>) src(%dma_wait3A_345 : memref<9x8x256xf32, #tpu.memory_space<hbm>>) dst(%arg8 : memref<9x8x256xf32, #tpu.memory_space<vmem>>)
    %dma_wait3A_346 = arith.constant 0 : i32
    %dma_wait3A_347 = arith.constant 0 : i32
    %dma_wait3A_348 = arith.constant 0 : i32
    %dma_wait3A_349 = tpu.memref_slice %arg4[%dma_wait3A_346, %dma_wait3A_347, %dma_wait3A_348] : memref<9x200x16384xf32, #tpu.memory_space<hbm>> -> memref<9x8x256xf32, #tpu.memory_space<hbm>>
    %dma_wait3A_350 = arith.constant 0 : i32
    %dma_wait3A_351 = arith.constant 0 : i32
    %dma_wait3A_352 = arith.constant 0 : i32
    %dma_wait3A_353 = tpu.memref_slice %arg4[%dma_wait3A_350, %dma_wait3A_351, %dma_wait3A_352] : memref<9x200x16384xf32, #tpu.memory_space<hbm>> -> memref<9x8x256xf32, #tpu.memory_space<hbm>>
    tpu.wait_dma2 semaphore(%arg13 : memref<!tpu.dma_semaphore, #tpu.memory_space<semaphore_mem>>) src(%dma_wait3A_353 : memref<9x8x256xf32, #tpu.memory_space<hbm>>) dst(%arg9 : memref<9x8x256xf32, #tpu.memory_space<vmem>>)
    return
  }
}

</mosaic_0001>

<sc_bundles>
// kernel: kernel.3.cloned.1.call-start
scs
__scs_entry_jumppad:
0x0: {  	(pc) =	sbr.rel $0x88, $3  }
0x1: {  	(tag) =	ssettag $0x0;
	lr =	simm.s32 $0x1  }
0x2: {  	[smem:$0x3F9F] =	sst lr;
	_ =	strace $0xD0000000  }
0x3: {  	_ = 	snop  }
0x4: {  	_ = 	snop  }
0x5: {  	_ = 	snop  }
0x6: {  	_ = 	snop  }
0x7: {  	_ = 	snop  }
__scs_overlays_trampoline_lowered:
0x8: {  	[smem:$0x3FAE] =	sst s0  }
0x9: {  	[smem:$0x3FAF] =	sst s1  }
0xa: {  	[smem:$0x3FB0] =	sst s2  }
0xb: {  	[smem:$0x3FB1] =	sst s3  }
0xc: {  	[smem:$0x3FB2] =	sst s4  }
0xd: {  	[smem:$0x3FB3] =	sst s5  }
0xe: {  	[smem:$0x3FB4] =	sst s6  }
0xf: {  	[smem:$0x3FB5] =	sst s7  }
0x10: {  	[smem:$0x3FB6] =	sst s8  }
0x11: {  	[smem:$0x3FB7] =	sst s9;
	s0 =	simm.s32 @!p0 $0x0  }
0x12: {  	s1 =	sld [smem:$0x3F9D];
	s0 =	simm.s32 @p0 $0x1  }
0x13: {  	[smem:$0x3FB8] =	sst s0;
	s0 =	simm.s32 @!p1 $0x0  }
0x14: {  	s2 =	sld [smem:$0x3F9C];
	s0 =	simm.s32 @p1 $0x1  }
0x15: {  	[smem:$0x3FB9] =	sst s0;
	s0 =	simm.s32 @!p2 $0x0  }
0x16: {  	s3 =	sld [smem:$0x3FDB];
	s0 =	simm.s32 @p2 $0x1  }
0x17: {  	s4 =	simm.s32 $0x1BF5;
	[smem:$0x3FBB] =	sst s0  }
0x18: {  	s0 =	sld [smem:$0x3F9E];
	_ =	swait.ge [sflag:s4], $0x0  }
0x19: {  	s7 =	sld [smem:$0x3F9F]  }
0x1a: {  	s8 =	sadd.s32 $0xFFFFE003, lr  }
0x1b: {  	s9 =	sadd.s32 $0xFFFFFEF7, lr;
	s5 =	simm.s32 $0xFFFFFFFF;
	p2 =	slt.u32 s8, $0xFFFFF086  }
0x1c: {  	p1 =	slt.u32 s9, $0xF7A;
	s5 =	simm.s32 @!p2 $0x0  }
0x1d: {  	s5 =	simm.s32 @p1 $0x1;
	p0 =	seq.s32 s7, s2  }
0x1e: {  	s7 =	smul.u32 @!p0 $0xF7A, s2;
	p2 =	seq.s32 @!p0 s5, $0x0  }
0x1f: {  	s9 =	smul.u32 $0xF7A, s1;
	s8 =	simm.s32 @!p0 $0x1BF5;
	p2 =	por !p2, p0  }
0x20: {  	[sflag:s8] =	ssyncset.s32 @!p0 $0xFFFFF086;
	s6 =	sadd.s32 @!p0 s3, s7;
	s7 =	simm.s32 @!p0 $0x108  }
0x21: {  	s3 =	sadd.s32 s3, s9;
	s6 =	sadd.s32 @!p0 $0x88, s6;
	s7 =	simm.s32 @p2 $0x1082  }
0x22: {  	[simem:s7], [sflag:s8] =	dma.local @!p0 [hbm:s6], $0xF7A  }
0x23: {  	s9 =	sor.u32 $0xD0000000, s2;
	s6 =	simm.s32 $0x108;
	_ =	swait.ge @!p0 [sflag:s8], $0x0  }
0x24: {  	s3 =	sadd.s32 $0x88, s3;
	s6 =	simm.s32 @!p1 $0x1082;
	[sflag:s4] =	ssyncset.s32 $0xFFFFF086  }
0x25: {  	[simem:s6], [sflag:s4] =	dma.local [hbm:s3], $0xF7A  }
0x26: {  	[smem:$0x3F9F] =	sst s1;
	(tag) =	ssettag s2;
	_ =	strace s9  }
0x27: {  	s1 =	sld [smem:$0x3FAF]  }
0x28: {  	s2 =	sld [smem:$0x3FB0]  }
0x29: {  	s4 =	sld [smem:$0x3FB2]  }
0x2a: {  	p0 =	seq.s32 s5, $0x0;
	s5 =	sld [smem:$0x3FB3]  }
0x2b: {  	s6 =	sld [smem:$0x3FB4]  }
0x2c: {  	s7 =	sld [smem:$0x3FB5]  }
0x2d: {  	s3 =	simm.s32 $0x108;
	s8 =	sld [smem:$0x3FB6]  }
0x2e: {  	s3 =	simm.s32 @!p0 $0x1082;
	s9 =	sld [smem:$0x3FB7]  }
0x2f: {  	lr =	sadd.s32 s0, s3;
	s0 =	sld [smem:$0x3FAE]  }
0x30: {  	s3 =	sld [smem:$0x3FB1]  }
0x31: {  	[smem:$0x3FBA] =	sst s10  }
0x32: {  	s10 =	sld [smem:$0x3FB8];
	_ =	sdelay $0x3  }
0x33: {  	p0 =	seq.s32 s10, $0x1;
	s10 =	sld [smem:$0x3FBA];
	_ =	sdelay $0x3  }
0x34: {  	[smem:$0x3FBA] =	sst s10  }
0x35: {  	s10 =	sld [smem:$0x3FB9];
	_ =	sdelay $0x3  }
0x36: {  	p1 =	seq.s32 s10, $0x1;
	s10 =	sld [smem:$0x3FBA];
	_ =	sdelay $0x3  }
0x37: {  	[smem:$0x3FBA] =	sst s10  }
0x38: {  	s10 =	sld [smem:$0x3FBB]  }
0x39: {  	_ = 	snop;
	(pc) =	sbr.ind lr, $3  }
0x3a: {  	_ = 	snop  }
0x3b: {  	_ = 	snop  }
0x3c: {  	p2 =	seq.s32 s10, $0x1;
	s10 =	sld [smem:$0x3FBA]  }
0x3d: {  	_ =	shalt  }
0x3e: {  	_ =	shalt  }
0x3f: {  	_ =	shalt  }
0x40: {  	_ =	shalt  }
0x41: {  	_ =	shalt  }
0x42: {  	_ =	shalt  }
0x43: {  	_ =	shalt  }
0x44: {  	_ =	shalt  }
0x45: {  	_ =	shalt  }
0x46: {  	_ =	shalt  }
0x47: {  	_ =	shalt  }
0x48: {  	_ =	shalt  }
0x49: {  	_ =	shalt  }
0x4a: {  	_ =	shalt  }
0x4b: {  	_ =	shalt  }
0x4c: {  	_ =	shalt  }
0x4d: {  	_ =	shalt  }
0x4e: {  	_ =	shalt  }
0x4f: {  	_ =	shalt  }
0x50: {  	_ =	shalt  }
0x51: {  	_ =	shalt  }
0x52: {  	_ =	shalt  }
0x53: {  	_ =	shalt  }
0x54: {  	_ =	shalt  }
0x55: {  	_ =	shalt  }
0x56: {  	_ =	shalt  }
0x57: {  	_ =	shalt  }
0x58: {  	_ =	shalt  }
0x59: {  	_ =	shalt  }
0x5a: {  	_ =	shalt  }
0x5b: {  	_ =	shalt  }
0x5c: {  	_ =	shalt  }
0x5d: {  	_ =	shalt  }
0x5e: {  	_ =	shalt  }
0x5f: {  	_ =	shalt  }
0x60: {  	_ =	shalt  }
0x61: {  	_ =	shalt  }
0x62: {  	_ =	shalt  }
0x63: {  	_ =	shalt  }
0x64: {  	_ =	shalt  }
0x65: {  	_ =	shalt  }
0x66: {  	_ =	shalt  }
0x67: {  	_ =	shalt  }
0x68: {  	_ =	shalt  }
0x69: {  	_ =	shalt  }
0x6a: {  	_ =	shalt  }
0x6b: {  	_ =	shalt  }
0x6c: {  	_ =	shalt  }
0x6d: {  	_ =	shalt  }
0x6e: {  	_ =	shalt  }
0x6f: {  	_ =	shalt  }
0x70: {  	_ =	shalt  }
0x71: {  	_ =	shalt  }
0x72: {  	_ =	shalt  }
0x73: {  	_ =	shalt  }
0x74: {  	_ =	shalt  }
0x75: {  	_ =	shalt  }
0x76: {  	_ =	shalt  }
0x77: {  	_ =	shalt  }
0x78: {  	_ =	shalt  }
0x79: {  	_ =	shalt  }
0x7a: {  	_ =	shalt  }
0x7b: {  	_ =	shalt  }
0x7c: {  	_ =	shalt  }
0x7d: {  	_ =	shalt  }
0x7e: {  	_ =	shalt  }
0x7f: {  	_ =	shalt  }
0x80: {  	_ =	shalt  }
0x81: {  	_ =	shalt  }
0x82: {  	_ =	shalt  }
0x83: {  	_ =	shalt  }
0x84: {  	_ =	shalt  }
0x85: {  	_ =	shalt  }
0x86: {  	_ =	shalt  }
0x87: {  	_ =	shalt  }
.Lfunc_end0:
.L_simem_size_0:
called_computation_lowered:
.L_overlay_start_0:
0x88: {  	s2 =	sld [smem:$0x3FD9]  }
0x89: {  	s3 =	sld [smem:$0x3FFE];
	_ =	sdelay $0x1  }
0x8a: {  	s1 =	srdreg.scid  }
0x8b: {  	s0 =	sand.u32 $0x1, s1  }
0x8c: {  	s18 =	sshll.u32 s0, $0xA;
	s2 =	sadd.s32 s3, s2  }
0x8d: {  	s2 =	sadd.s32 s2, s18  }
0x8e: {  	[smem:$0x3FC6] =	sst s2  }
0x8f: {  	_ = 	snop  }
0x90: {  	s2 =	sld [smem:$0x3FC9]  }
0x91: {  	s19 =	sld [smem:$0x3FC8]  }
0x92: {  	s4 =	sld [smem:$0x3FD0];
	(tm) =	ssettm $0x1  }
0x93: {  	s5 =	sld [smem:$0x3FFB];
	_ =	sdelay $0x3  }
0x94: {  	_ =	strace s5  }
0x95: {  	s5 =	sld [smem:$0x3FFC];
	_ =	sdelay $0x3  }
0x96: {  	_ =	strace s5  }
0x97: {  	s5 =	sld [smem:$0x3FFD];
	_ =	sdelay $0x3  }
0x98: {  	_ =	strace s5  }
0x99: {  	_ =	strace $0x8FFFFFFF  }
0x9a: {  	s20 =	sld [smem:$0x3FDB];
	_ =	sdelay $0x1  }
0x9b: {  	s6 =	simm.s32 $_scs_section_size  }
0x9c: {  	s7 =	simm.s32 $_size__tile_overlayer_lowered;
	s8 =	simm.s32 $_tile_overlayer_lowered  }
0x9d: {  	s23 =	simm.s32 $0x1BFF;
	s22 =	sshll.u32 s8, $0x1;
	s5 =	sadd.s32 s6, s20  }
0x9e: {  	s9 =	simm.s32 $0x0;
	s21 =	sshll.u32 s7, $0x1;
	s7 =	sadd.s32 s22, s5  }
0x9f: {  	[timem:s9], [sflag:s23] =	dma.local [hbm:s7], s21  }
0xa0: {  	_ =	swait.ge [sflag:s23], s21  }
0xa1: {  	s6 =	ssub.s32 $0x0, s21;
	[sflag:s23] =	ssyncset.done $0x0  }
0xa2: {  	[sflag:s23] =	ssyncadd.s32 s6;
	_ =	sdelay $0x1  }
0xa3: {  	s24 =	simm.s32 $0x1B8B  }
0xa4: {  	_ =	swait.ge [sflag:s24], $0x1  }
0xa5: {  	[sflag:s24] =	ssyncset.done $0x0  }
0xa6: {  	s25 =	simm.s32 $0x1B8E;
	[sflag:s24] =	ssyncadd.s32 $0xFFFFFFFF  }
0xa7: {  	s26 =	simm.s32 $execute0_lowered;
	[smem:$0x3FD2] =	sst s25  }
0xa8: {  	s6 =	sshll.u32 s26, $0x1;
	_ =	strace $0x80000046;
	[dreg:$0x1] =	wrdreg $0xFFFFFFFF  }
0xa9: {  	s28 =	simm.s32 $_size_execute0_lowered;
	s5 =	sadd.s32 s5, s6;
	[dreg:$0x0] =	wrdreg $0x0  }
0xaa: {  	s6 =	sshll.u32 s28, $0x1;
	[dreg:$0x2] =	wrdreg s5  }
0xab: {  	[dreg:$0x3] =	wrdreg s6  }
0xac: {  	[dreg:$0x4] =	wrdreg $0xC0  }
0xad: {  	_ =	task [dreg:s9], $0x5FFFF  }
0xae: {  	[dreg:$0x1] =	wrdreg $0xFFFFFFFF  }
0xaf: {  	[dreg:$0x0] =	wrdreg $0x60  }
0xb0: {  	[dreg:$0x2] =	wrdreg s2  }
0xb1: {  	[dreg:$0x3] =	wrdreg s19  }
0xb2: {  	[dreg:$0x4] =	wrdreg s4  }
0xb3: {  	[dreg:$0x5] =	wrdreg $0x9  }
0xb4: {  	_ =	task.clear_ibuf [dreg:s9], $0x6FFFF;
	_ =	strace $0x90000046  }
0xb5: {  	s29 =	simm.s32 $0x9;
	_ =	strace $0x80000048  }
0xb6: {  	_ =	swait.ge [sflag:s29], $0x1  }
0xb7: {  	[sflag:s29] =	ssyncadd.s32 $0xFFFFFFFF  }
0xb8: {  	_ =	strace $0x90000048  }
0xb9: {  	_ =	sfence  }
0xba: {  	s30 =	sld [smem:$0x0];
	_ =	sdelay $0x2  }
0xbb: {  	s31 =	sshll.u32 s1, $0xD;
	s1 =	sshrl.u32 s1, $0x2  }
0xbc: {  	s3 =	sand.u32 $0x4000, s31;
	s1 =	sadd.s32 s1, s30  }
0xbd: {  	s0 =	sor.u32 s3, s0;
	s1 =	sshll.u32 s1, $0x11  }
0xbe: {  	s0 =	sor.u32 s1, s0  }
0xbf: {  	s0 =	sadd.s32 $0x8F2B, s0  }
0xc0: {  	[sflag:s0] =	ssyncadd.remote.s32 $0x1  }
0xc1: {  	_ =	sfence.sel $0xFFFF  }
0xc2: {  	[dreg:$0x0] =	wrdreg $0xFFFFFFFF;
	(pc) =	sbr.abs _section_cstart, $3  }
0xc3: {  	[dreg:$0x1] =	wrdreg $0xFFFFFFFF  }
0xc4: {  	_ =	task.clear_ibuf [dreg:s9], $0x2FFFF;
	_ =	strace $0x9FFFFFFF  }
0xc5: {  	(tm) =	ssettm $0x7FFFFFFF  }
tec
execute0_lowered:
.L_overlay_start_1:
0x0: {  	(tag) =	ssettag $0x1  }
0x1: {  	s1 =	srdreg.scid  }
0x2: {  	s0 =	rddreg [dreg:$0x0];
	s3 =	stileid.u32;
	s1 =	sand.u32 $0x1, s1  }
0x3: {  	s3 =	sshll.u32 s3, $0xA;
	s2 =	ssub.s32 $0x2, s1;
	s1 =	sshll.u32 s1, $0x9  }
0x4: {  	s6 =	rddreg [dreg:$0x2];
	s4 =	simm.s32 $0x0;
	s1 =	sor.u32 s1, s3  }
0x5: {  	[smem:$0x7FF] =	sst s4;
	s9 =	sadd.s32 s6, s1  }
0x6: {  	_ =	strace $0x80000047;
	s30 =	sadd.s32 s0, s1;
	[dreg:$0x6] =	wrdreg s9  }
0x7: {  	s3 =	sor.u32 $0x100, s1;
	s23 =	sshll.u32 s1, $0x3;
	[dreg:$0x4] =	wrdreg s30  }
0x8: {  	s7 =	sadd.s32 s0, s3;
	[dreg:$0x17] =	wrdreg s23  }
0x9: {  	s8 =	sadd.s32 $0x64000, s9;
	[dreg:$0x5] =	wrdreg s7  }
0xa: {  	s10 =	sadd.s32 $0xC8000, s9;
	[dreg:$0x7] =	wrdreg s8  }
0xb: {  	s11 =	sadd.s32 $0x12C000, s9;
	[dreg:$0x8] =	wrdreg s10  }
0xc: {  	s12 =	sadd.s32 $0x190000, s9;
	[dreg:$0x9] =	wrdreg s11  }
0xd: {  	s13 =	sadd.s32 $0x1F4000, s9;
	[dreg:$0xa] =	wrdreg s12  }
0xe: {  	s14 =	sadd.s32 $0x258000, s9;
	[dreg:$0xb] =	wrdreg s13  }
0xf: {  	s15 =	sadd.s32 $0x2BC000, s9;
	[dreg:$0xc] =	wrdreg s14  }
0x10: {  	s16 =	sadd.s32 $0x320000, s9;
	[dreg:$0xd] =	wrdreg s15  }
0x11: {  	s17 =	sadd.s32 $0x4000, s30;
	[dreg:$0xe] =	wrdreg s16  }
0x12: {  	s18 =	sadd.s32 s6, s3;
	[dreg:$0xf] =	wrdreg s17  }
0x13: {  	s19 =	sadd.s32 $0x64100, s9;
	[dreg:$0x10] =	wrdreg s18  }
0x14: {  	s20 =	sadd.s32 $0x12C100, s9;
	[dreg:$0x11] =	wrdreg s19  }
0x15: {  	s5 =	sshrl.u32 s2, $0x1;
	s21 =	sadd.s32 $0xC8100, s9;
	[dreg:$0x12] =	wrdreg s20  }
0x16: {  	s2 =	ssub.s32 s2, s5;
	s22 =	sadd.s32 $0x190100, s9;
	[dreg:$0x13] =	wrdreg s21  }
0x17: {  	s24 =	smax.u32 s2, $0x1;
	[dreg:$0x14] =	wrdreg s22  }
0x18: {  	s25 =	sadd.s32 $0x258100, s9;
	[dreg:$0x18] =	wrdreg s24  }
0x19: {  	s26 =	sadd.s32 $0x2BC100, s9;
	[dreg:$0x19] =	wrdreg s25  }
0x1a: {  	s28 =	sadd.s32 $0x1F4100, s9;
	[dreg:$0x1a] =	wrdreg s26  }
0x1b: {  	s0 =	sadd.s32 $0x8000, s0;
	s29 =	sadd.s32 $0x320100, s9;
	[dreg:$0x1b] =	wrdreg s28  }
.Ltmp0:
0x1c: {  	s30 =	sadd.s32 $0x4100, s30;
	[dreg:$0x1c] =	wrdreg s29;
	(pc) =	sbr.rel .LBB2_1-.Ltmp0, $4  }
0x1d: {  	s3 =	sadd.s32 s3, s0;
	[dreg:$0x1d] =	wrdreg s30  }
0x1e: {  	s31 =	simm.s32 $0x3;
	s0 =	sadd.s32 s1, s0;
	[dreg:$0x15] =	wrdreg s3  }
0x1f: {  	s5 =	simm.s32 $0x4;
	[dreg:$0x16] =	wrdreg s0;
	s0 =	sor.u32 $0x800, s23  }
0x20: {  	s17 =	simm.s32 $0x800;
	s1 =	simm.s32 $0x0;
	[dreg:$0x1e] =	wrdreg s0  }
.LBB2_12:
0x21: {  	_ =	swait.ge [sflag:s31], $0x4800  }
0x22: {  	[sflag:s31] =	ssyncset.done $0x0  }
0x23: {  	[sflag:s31] =	ssyncadd.s32 $0xFFFFB800  }
0x24: {  	_ =	swait.ge [sflag:s5], $0x4800  }
0x25: {  	s1 =	rddreg [dreg:$0x1f]  }
0x26: {  	s0 =	rddreg [dreg:$0x18];
	s1 =	sadd.s32 $0x1, s1  }
0x27: {  	p0 =	sne.s32 s1, s0  }
.Ltmp1:
0x28: {  	_ = 	snop;
	(pc) =	sbr.rel @!p0 .LBB2_13-.Ltmp1, $3  }
0x29: {  	_ =	sdelay $0x1  }
0x2a: {  	[sflag:s5] =	ssyncset.done $0x0  }
0x2b: {  	s17 =	simm.s32 $0x800;
	[sflag:s5] =	ssyncadd.s32 $0xFFFFB800  }
.LBB2_1:
0x2c: {  	[dreg:$0x1f] =	wrdreg s1  }
0x2d: {  	s0 =	rddreg [dreg:$0x1];
	s14 =	simm.s32 $0x5  }
0x2e: {  	[tilespmem:s4], [sflag:$0x5] =	stream.linear.gather [hbm4b:s0+s4], $0x480, $0x38;
	[tilespmem:$0xA800] =	vst v63  }
0x2f: {  	_ =	swait.ge [sflag:s14], $0x480  }
0x30: {  	[sflag:s14] =	ssyncset.done $0x0  }
0x31: {  	s18 =	simm.s32 $0x1000;
	s15 =	rddreg [dreg:$0x4];
	[sflag:s14] =	ssyncadd.s32 $0xFFFFFB80  }
0x32: {  	[tilespmem:s17], [sflag:$0x1] =	stream.linear.gather [hbm4b:s15+s4], $0x800, $0x38;
	[tilespmem:$0xA800] =	vst v63  }
0x33: {  	s19 =	simm.s32 $0x1;
	s13 =	sand.u32 $0x40, s4;
	s16 =	rddreg [dreg:$0x5]  }
0x34: {  	[tilespmem:s18], [sflag:$0x2] =	stream.linear.gather [hbm4b:s16+s4], $0x800, $0x38;
	[tilespmem:$0xA800] =	vst v63  }
0x35: {  	s20 =	sand.u32 $0x400, s4;
	s2 =	sand.u32 $0x380, s4;
	_ =	swait.ge [sflag:s19], $0x800  }
0x36: {  	s12 =	sor.u32 $0x30, s13;
	s16 =	sor.u32 s2, s20;
	[sflag:s19] =	ssyncset.done $0x0  }
0x37: {  	s1 =	sor.u32 s12, s16;
	[sflag:s19] =	ssyncadd.s32 $0xFFFFF800  }
0x38: {  	s15 =	sor.u32 $0x10, s13;
	s2 =	sor.u32 s13, s16;
	v4 =	vld [tilespmem:s1+$0x800]  }
0x39: {  	s3 =	sor.u32 s15, s16;
	v3 =	vld [tilespmem:s2+$0x800]  }
0x3a: {  	v1 =	vld [tilespmem:s3+$0x800]  }
0x3b: {  	s14 =	sor.u32 $0x20, s13  }
0x3c: {  	s7 =	sor.u32 s14, s16  }
0x3d: {  	v2 =	vld [tilespmem:s7+$0x800];
	_ =	sdelay $0x2  }
0x3e: {  	v0 =	vld.idx.msk [tilespmem:v4+s4+$0x0], $0xffff  }
0x3f: {  	v6 =	vadd.s32 $0x80, v4;
	v5 =	vld.idx.msk [tilespmem:v3+s4+$0x0], $0xffff  }
0x40: {  	v7 =	vadd.s32 $0x80, v3;
	v8 =	vld.idx.msk [tilespmem:v1+s4+$0x0], $0xffff  }
0x41: {  	v9 =	vadd.s32 $0x80, v1;
	_ =	sdelay $0x1  }
0x42: {  	v10 =	vld.idx.msk [tilespmem:v2+s4+$0x0], $0xffff;
	[tilespmem:s1+$0x1800] =	vst v0  }
0x43: {  	v0 =	vadd.s32 $0x80, v2;
	[tilespmem:s2+$0x1800] =	vst v5;
	v5 =	vld.idx.msk [tilespmem:v6+s4+$0x0], $0xffff  }
0x44: {  	[tilespmem:s3+$0x1800] =	vst v8;
	v6 =	vld.idx.msk [tilespmem:v7+s4+$0x0], $0xffff;
	v7 =	vadd.s32 $0x100, v4  }
0x45: {  	v8 =	vadd.s32 $0x100, v3;
	v9 =	vld.idx.msk [tilespmem:v9+s4+$0x0], $0xffff  }
0x46: {  	s21 =	sor.u32 $0x2000, s16;
	v11 =	vadd.s32 $0x100, v1  }
0x47: {  	s22 =	sor.u32 s12, s21;
	[tilespmem:s7+$0x1800] =	vst v10  }
0x48: {  	s23 =	sor.u32 s13, s21;
	v0 =	vld.idx.msk [tilespmem:v0+s4+$0x0], $0xffff;
	[tilespmem:s22+$0x0] =	vst v5  }
0x49: {  	s24 =	sor.u32 s15, s21;
	v5 =	vadd.s32 $0x100, v2;
	[tilespmem:s23+$0x0] =	vst v6;
	v6 =	vld.idx.msk [tilespmem:v7+s4+$0x0], $0xffff  }
0x4a: {  	[tilespmem:s24+$0x0] =	vst v9;
	v7 =	vld.idx.msk [tilespmem:v8+s4+$0x0], $0xffff;
	v8 =	vadd.s32 $0x180, v4  }
0x4b: {  	v9 =	vadd.s32 $0x180, v3;
	v10 =	vld.idx.msk [tilespmem:v11+s4+$0x0], $0xffff  }
0x4c: {  	s25 =	sor.u32 $0x2800, s16;
	s1 =	sor.u32 s14, s21;
	v11 =	vadd.s32 $0x180, v1  }
0x4d: {  	s26 =	sor.u32 s12, s25;
	[tilespmem:s1+$0x0] =	vst v0  }
0x4e: {  	s28 =	sor.u32 s13, s25;
	v0 =	vld.idx.msk [tilespmem:v5+s4+$0x0], $0xffff;
	[tilespmem:s26+$0x0] =	vst v6  }
0x4f: {  	s29 =	sor.u32 s15, s25;
	v5 =	vadd.s32 $0x180, v2;
	[tilespmem:s28+$0x0] =	vst v7;
	v6 =	vld.idx.msk [tilespmem:v8+s4+$0x0], $0xffff  }
0x50: {  	[tilespmem:s29+$0x0] =	vst v10;
	v7 =	vld.idx.msk [tilespmem:v9+s4+$0x0], $0xffff;
	v8 =	vadd.s32 $0x200, v4  }
0x51: {  	v9 =	vadd.s32 $0x200, v3;
	v10 =	vld.idx.msk [tilespmem:v11+s4+$0x0], $0xffff  }
0x52: {  	s0 =	sor.u32 $0x3000, s16;
	s30 =	sor.u32 s14, s25;
	v11 =	vadd.s32 $0x200, v1  }
0x53: {  	s10 =	simm.s32 $0x200;
	s11 =	simm.s32 $0x20;
	s19 =	sor.u32 s12, s0;
	[tilespmem:s30+$0x0] =	vst v0  }
0x54: {  	s20 =	simm.s32 $0x40;
	s18 =	sor.u32 s13, s0;
	s8 =	sor.u32 s15, s0;
	v12 =	vld.idx.msk [tilespmem:v5+s4+$0x0], $0xffff;
	[tilespmem:s19+$0x0] =	vst v6  }
0x55: {  	s21 =	sand.u32 $0x400, s10;
	s22 =	sand.u32 $0x380, s11;
	s1 =	sand.u32 $0x40, s20;
	[tilespmem:s18+$0x0] =	vst v7;
	v6 =	vld.idx.msk [tilespmem:v8+s4+$0x0], $0xffff  }
0x56: {  	s2 =	sor.u32 s22, s21;
	s7 =	sor.u32 $0x30, s1;
	[tilespmem:s8+$0x0] =	vst v10;
	v7 =	vld.idx.msk [tilespmem:v9+s4+$0x0], $0xffff  }
0x57: {  	s18 =	sor.u32 s7, s2;
	v10 =	vadd.s32 $0x200, v2;
	v9 =	vld.idx.msk [tilespmem:v11+s4+$0x0], $0xffff  }
0x58: {  	s3 =	sor.u32 s14, s0;
	s8 =	sor.u32 $0x10, s1;
	s19 =	sor.u32 s1, s2;
	v8 =	vadd.s32 $0x280, v4;
	v0 =	vld [tilespmem:s18+$0x800]  }
0x59: {  	s20 =	sor.u32 $0x3800, s16;
	s9 =	sor.u32 $0x20, s1;
	v11 =	vadd.s32 $0x280, v3;
	s21 =	sor.u32 s8, s2;
	v5 =	vld [tilespmem:s19+$0x800]  }
0x5a: {  	v13 =	vadd.s32 $0x280, v1;
	s22 =	sor.u32 s12, s20;
	s23 =	sor.u32 s9, s2;
	v16 =	vld [tilespmem:s21+$0x800];
	[tilespmem:s3+$0x0] =	vst v12  }
0x5b: {  	s24 =	sor.u32 s13, s20;
	v17 =	vld [tilespmem:s23+$0x800];
	[tilespmem:s22+$0x0] =	vst v6  }
0x5c: {  	[tilespmem:s24+$0x0] =	vst v7;
	v7 =	vld.idx.msk [tilespmem:v10+s4+$0x0], $0xffff  }
0x5d: {  	s25 =	sor.u32 s15, s20;
	v6 =	vld.idx.msk [tilespmem:v8+s4+$0x0], $0xffff  }
0x5e: {  	[tilespmem:s25+$0x0] =	vst v9;
	v9 =	vld.idx.msk [tilespmem:v11+s4+$0x0], $0xffff  }
0x5f: {  	v8 =	vadd.s32 $0x300, v4;
	v10 =	vld.idx.msk [tilespmem:v13+s4+$0x0], $0xffff  }
0x60: {  	s20 =	sor.u32 s14, s20;
	s26 =	sor.u32 $0x4000, s16;
	v11 =	vadd.s32 $0x280, v2;
	v12 =	vld.idx.msk [tilespmem:v0+s4+$0x0], $0xffff  }
0x61: {  	s28 =	sor.u32 s12, s26;
	v14 =	vadd.s32 $0x80, v0;
	v13 =	vld.idx.msk [tilespmem:v5+s4+$0x0], $0xffff;
	[tilespmem:s20+$0x0] =	vst v7  }
0x62: {  	s29 =	sor.u32 s13, s26;
	v15 =	vadd.s32 $0x80, v5;
	v7 =	vld.idx.msk [tilespmem:v16+s4+$0x0], $0xffff;
	[tilespmem:s28+$0x0] =	vst v6  }
0x63: {  	s30 =	sor.u32 s15, s26;
	v6 =	vadd.s32 $0x300, v3;
	[tilespmem:s29+$0x0] =	vst v9;
	v9 =	vld.idx.msk [tilespmem:v17+s4+$0x0], $0xffff  }
0x64: {  	[tilespmem:s30+$0x0] =	vst v10;
	v10 =	vadd.s32 $0x80, v16;
	v8 =	vld.idx.msk [tilespmem:v8+s4+$0x0], $0xffff  }
0x65: {  	v19 =	vadd.s32 $0x80, v17;
	v11 =	vld.idx.msk [tilespmem:v11+s4+$0x0], $0xffff;
	[tilespmem:s18+$0x1800] =	vst v12  }
0x66: {  	v18 =	vadd.s32 $0x380, v4;
	[tilespmem:s19+$0x1800] =	vst v13;
	v13 =	vld.idx.msk [tilespmem:v14+s4+$0x0], $0xffff  }
0x67: {  	s0 =	sor.u32 $0x4800, s16;
	v14 =	vld.idx.msk [tilespmem:v15+s4+$0x0], $0xffff;
	[tilespmem:s21+$0x1800] =	vst v7;
	v7 =	vadd.s32 $0x100, v0  }
0x68: {  	s20 =	sor.u32 s12, s0;
	v12 =	vadd.s32 $0x300, v1;
	v6 =	vld.idx.msk [tilespmem:v6+s4+$0x0], $0xffff;
	[tilespmem:s23+$0x1800] =	vst v9  }
0x69: {  	s3 =	sor.u32 s14, s26;
	s22 =	sor.u32 $0x2000, s2;
	v10 =	vld.idx.msk [tilespmem:v10+s4+$0x0], $0xffff;
	[tilespmem:s20+$0x0] =	vst v8;
	v8 =	vadd.s32 $0x300, v2  }
0x6a: {  	[tilespmem:s3+$0x0] =	vst v11;
	v11 =	vadd.s32 $0x100, v16;
	s23 =	sor.u32 s7, s22;
	v9 =	vld.idx.msk [tilespmem:v19+s4+$0x0], $0xffff  }
0x6b: {  	v15 =	vld.idx.msk [tilespmem:v18+s4+$0x0], $0xffff;
	v18 =	vadd.s32 $0x100, v5;
	[tilespmem:s23+$0x0] =	vst v13  }
0x6c: {  	v4 =	vadd.s32 $0x400, v4;
	s21 =	sor.u32 s13, s0;
	v7 =	vld.idx.msk [tilespmem:v7+s4+$0x0], $0xffff  }
0x6d: {  	s28 =	sor.u32 s8, s22;
	v13 =	vadd.s32 $0x380, v3;
	[tilespmem:s21+$0x0] =	vst v6;
	v6 =	vld.idx.msk [tilespmem:v12+s4+$0x0], $0xffff  }
0x6e: {  	s25 =	sor.u32 $0x5000, s16;
	s24 =	sor.u32 s1, s22;
	v12 =	vadd.s32 $0x100, v17;
	[tilespmem:s28+$0x0] =	vst v10;
	v8 =	vld.idx.msk [tilespmem:v8+s4+$0x0], $0xffff  }
0x6f: {  	s26 =	sor.u32 s12, s25;
	[tilespmem:s24+$0x0] =	vst v14;
	v10 =	vadd.s32 $0x180, v0;
	v11 =	vld.idx.msk [tilespmem:v11+s4+$0x0], $0xffff  }
0x70: {  	s30 =	sor.u32 $0x2800, s2;
	s20 =	sor.u32 s9, s22;
	v14 =	vadd.s32 $0x380, v1;
	[tilespmem:s26+$0x0] =	vst v15;
	v15 =	vld.idx.msk [tilespmem:v18+s4+$0x0], $0xffff  }
0x71: {  	v21 =	vadd.s32 $0x180, v16;
	s29 =	sor.u32 s15, s0;
	s18 =	sor.u32 s14, s0;
	s0 =	sor.u32 s7, s30;
	[tilespmem:s20+$0x0] =	vst v9;
	v4 =	vld.idx.msk [tilespmem:v4+s4+$0x0], $0xffff  }
0x72: {  	v18 =	vadd.s32 $0x180, v5;
	v23 =	vld.idx.msk [tilespmem:v13+s4+$0x0], $0xffff;
	[tilespmem:s0+$0x0] =	vst v7  }
0x73: {  	v9 =	vadd.s32 $0x380, v2;
	v19 =	vld.idx.msk [tilespmem:v12+s4+$0x0], $0xffff;
	[tilespmem:s29+$0x0] =	vst v6  }
0x74: {  	s22 =	sor.u32 s8, s30;
	v3 =	vadd.s32 $0x400, v3;
	v25 =	vld.idx.msk [tilespmem:v10+s4+$0x0], $0xffff;
	[tilespmem:s18+$0x0] =	vst v8  }
0x75: {  	v22 =	vadd.s32 $0x180, v17;
	s21 =	sor.u32 s1, s30;
	v24 =	vld.idx.msk [tilespmem:v14+s4+$0x0], $0xffff;
	[tilespmem:s22+$0x0] =	vst v11  }
0x76: {  	v26 =	vadd.s32 $0x400, v1;
	s16 =	sor.u32 $0x5800, s16;
	v1 =	vadd.s32 $0x400, v2;
	s24 =	sor.u32 s13, s25;
	v2 =	vadd.s32 $0x400, v5;
	[tilespmem:s21+$0x0] =	vst v15;
	v21 =	vld.idx.msk [tilespmem:v21+s4+$0x0], $0xffff  }
0x77: {  	s12 =	sor.u32 s12, s16;
	s23 =	sor.u32 s9, s30;
	v13 =	vadd.s32 $0x200, v17;
	v7 =	vadd.s32 $0x380, v16;
	v20 =	vld.idx.msk [tilespmem:v18+s4+$0x0], $0xffff;
	[tilespmem:s24+$0x0] =	vst v23;
	v23 =	vadd.s32 $0x200, v0  }
0x78: {  	s28 =	sor.u32 s15, s25;
	s25 =	sor.u32 s14, s25;
	s20 =	sor.u32 s14, s16;
	v10 =	vadd.s32 $0x280, v5;
	v12 =	vadd.s32 $0x280, v16;
	v15 =	vadd.s32 $0x200, v5;
	[tilespmem:s12+$0x0] =	vst v4;
	v18 =	vld.idx.msk [tilespmem:v9+s4+$0x0], $0xffff  }
0x79: {  	s26 =	sor.u32 s13, s16;
	s13 =	simm.s32 $0x80;
	v6 =	vadd.s32 $0x300, v16;
	s29 =	sor.u32 $0x3000, s2;
	v14 =	vadd.s32 $0x200, v16;
	v8 =	vadd.s32 $0x300, v5;
	[tilespmem:s23+$0x0] =	vst v19;
	v19 =	vld.idx.msk [tilespmem:v3+s4+$0x0], $0xffff  }
0x7a: {  	v11 =	vadd.s32 $0x280, v17;
	s30 =	sor.u32 s7, s29;
	s3 =	sor.u32 s9, s29;
	s21 =	sor.u32 s15, s16;
	v4 =	vadd.s32 $0x380, v5;
	v9 =	vadd.s32 $0x300, v17;
	v22 =	vld.idx.msk [tilespmem:v22+s4+$0x0], $0xffff;
	[tilespmem:s28+$0x0] =	vst v24  }
0x7b: {  	s15 =	sor.u32 s1, s29;
	s16 =	sor.u32 s8, s29;
	s12 =	simm.s32 $0x4;
	v5 =	vadd.s32 $0x380, v17;
	v3 =	vadd.s32 $0x400, v16;
	v16 =	vadd.s32 $0x400, v17;
	[tilespmem:s30+$0x0] =	vst v25;
	v17 =	vld.idx.msk [tilespmem:v26+s4+$0x0], $0xffff  }
.LBB2_2:
0x7c: {  	s14 =	sand.u32 $0x40, s13;
	[tilespmem:s15+$0x0] =	vst v20;
	v20 =	vld.idx.msk [tilespmem:v23+s4+$0x0], $0xffff;
	s10 =	sadd.s32 $0x200, s10;
	s11 =	sadd.s32 $0x20, s11  }
0x7d: {  	s12 =	sadd.s32 $0x4, s12;
	s15 =	sand.u32 $0x400, s10;
	s18 =	sand.u32 $0x380, s11;
	v15 =	vld.idx.msk [tilespmem:v15+s4+$0x0], $0xffff;
	[tilespmem:s25+$0x0] =	vst v18  }
0x7e: {  	p0 =	slt.u32 s12, $0x7C;
	v18 =	vadd.s32 $0x280, v0;
	s19 =	sor.u32 s18, s15;
	s15 =	sor.u32 $0x30, s14;
	[tilespmem:s16+$0x0] =	vst v21;
	v21 =	vld.idx.msk [tilespmem:v1+s4+$0x0], $0xffff;
	v1 =	vmov v16  }
0x7f: {  	s16 =	sor.u32 $0x10, s14;
	s18 =	sor.u32 $0x20, s14;
	s22 =	sor.u32 s15, s19;
	v14 =	vld.idx.msk [tilespmem:v14+s4+$0x0], $0xffff;
	[tilespmem:s3+$0x0] =	vst v22  }
0x80: {  	s28 =	sor.u32 s14, s19;
	s25 =	sor.u32 s16, s19;
	s3 =	sor.u32 $0x3800, s2;
	v22 =	vld [tilespmem:s22+$0x800];
	[tilespmem:s26+$0x0] =	vst v19  }
0x81: {  	s26 =	sor.u32 s18, s19;
	s29 =	sor.u32 s1, s3;
	s30 =	sor.u32 s7, s3;
	v16 =	vld [tilespmem:s28+$0x800];
	[tilespmem:s21+$0x0] =	vst v17  }
0x82: {  	s21 =	sor.u32 s8, s3;
	s3 =	sor.u32 s9, s3;
	v23 =	vld [tilespmem:s25+$0x800];
	[tilespmem:s30+$0x0] =	vst v20  }
0x83: {  	[tilespmem:s29+$0x0] =	vst v15;
	v20 =	vld.idx.msk [tilespmem:v18+s4+$0x0], $0xffff  }
0x84: {  	v24 =	vld [tilespmem:s26+$0x800];
	[tilespmem:s20+$0x0] =	vst v21  }
0x85: {  	v25 =	vadd.s32 $0x300, v0;
	[tilespmem:s21+$0x0] =	vst v14;
	v21 =	vld.idx.msk [tilespmem:v13+s4+$0x0], $0xffff  }
0x86: {  	v26 =	vadd.s32 $0x80, v16;
	v27 =	vadd.s32 $0x100, v16;
	v18 =	vadd.s32 $0x180, v16;
	v28 =	vld.idx.msk [tilespmem:v10+s4+$0x0], $0xffff  }
0x87: {  	s20 =	sor.u32 $0x4000, s2;
	v29 =	vadd.s32 $0x80, v23;
	v30 =	vadd.s32 $0x100, v23;
	v17 =	vadd.s32 $0x180, v23;
	v31 =	vld.idx.msk [tilespmem:v12+s4+$0x0], $0xffff  }
0x88: {  	s21 =	sor.u32 s1, s20;
	s29 =	sor.u32 s8, s20;
	s30 =	sor.u32 s7, s20;
	v15 =	vadd.s32 $0x200, v16;
	v10 =	vadd.s32 $0x280, v16;
	v14 =	vadd.s32 $0x200, v23;
	v32 =	vld.idx.msk [tilespmem:v22+s4+$0x0], $0xffff  }
0x89: {  	s20 =	sor.u32 s9, s20;
	v33 =	vld.idx.msk [tilespmem:v16+s4+$0x0], $0xffff;
	v34 =	vadd.s32 $0x80, v24;
	v35 =	vadd.s32 $0x100, v24;
	v19 =	vadd.s32 $0x180, v24;
	[tilespmem:s30+$0x0] =	vst v20  }
0x8a: {  	v12 =	vadd.s32 $0x280, v23;
	v13 =	vadd.s32 $0x200, v24;
	v20 =	vadd.s32 $0x80, v22;
	v25 =	vld.idx.msk [tilespmem:v25+s4+$0x0], $0xffff  }
0x8b: {  	v36 =	vadd.s32 $0x300, v16;
	v38 =	vadd.s32 $0x300, v23;
	v39 =	vadd.s32 $0x280, v24;
	v37 =	vld.idx.msk [tilespmem:v23+s4+$0x0], $0xffff;
	[tilespmem:s3+$0x0] =	vst v21  }
0x8c: {  	v41 =	vadd.s32 $0x300, v24;
	v21 =	vadd.s32 $0x380, v16;
	v40 =	vld.idx.msk [tilespmem:v24+s4+$0x0], $0xffff;
	[tilespmem:s21+$0x0] =	vst v28;
	v28 =	vadd.s32 $0x380, v0  }
0x8d: {  	v42 =	vadd.s32 $0x400, v16;
	v43 =	vadd.s32 $0x380, v23;
	v44 =	vadd.s32 $0x380, v24;
	[tilespmem:s29+$0x0] =	vst v31;
	v31 =	vld.idx.msk [tilespmem:v11+s4+$0x0], $0xffff;
	v11 =	vmovc v39  }
0x8e: {  	v16 =	vadd.s32 $0x400, v24;
	s3 =	sor.u32 $0x4800, s2;
	v39 =	vadd.s32 $0x400, v23;
	[tilespmem:s22+$0x1800] =	vst v32;
	v23 =	vld.idx.msk [tilespmem:v8+s4+$0x0], $0xffff;
	v8 =	vmov v36  }
0x8f: {  	s21 =	sor.u32 s1, s3;
	s22 =	sor.u32 s8, s3;
	[tilespmem:s28+$0x1800] =	vst v33;
	v20 =	vld.idx.msk [tilespmem:v20+s4+$0x0], $0xffff;
	s28 =	sor.u32 s7, s3  }
0x90: {  	s3 =	sor.u32 s9, s3;
	v24 =	vld.idx.msk [tilespmem:v26+s4+$0x0], $0xffff;
	[tilespmem:s28+$0x0] =	vst v25  }
0x91: {  	v25 =	vadd.s32 $0x100, v22;
	[tilespmem:s25+$0x1800] =	vst v37;
	v26 =	vld.idx.msk [tilespmem:v28+s4+$0x0], $0xffff  }
0x92: {  	v28 =	vld.idx.msk [tilespmem:v29+s4+$0x0], $0xffff;
	[tilespmem:s26+$0x1800] =	vst v40  }
0x93: {  	s25 =	sor.u32 $0x2000, s19;
	v29 =	vld.idx.msk [tilespmem:v34+s4+$0x0], $0xffff;
	[tilespmem:s20+$0x0] =	vst v31;
	v31 =	vadd.s32 $0x400, v0;
	v0 =	vmov v22  }
0x94: {  	s26 =	sor.u32 s16, s25;
	s28 =	sor.u32 s15, s25;
	s20 =	sor.u32 s14, s25;
	[tilespmem:s21+$0x0] =	vst v23;
	v22 =	vld.idx.msk [tilespmem:v6+s4+$0x0], $0xffff;
	v6 =	vmov v38  }
0x95: {  	s21 =	sor.u32 s18, s25;
	s25 =	sor.u32 $0x5000, s2;
	[tilespmem:s28+$0x0] =	vst v20;
	v20 =	vld.idx.msk [tilespmem:v9+s4+$0x0], $0xffff;
	v9 =	vmov v41  }
0x96: {  	s28 =	sor.u32 s1, s25;
	s29 =	sor.u32 s8, s25;
	[tilespmem:s20+$0x0] =	vst v24;
	v23 =	vld.idx.msk [tilespmem:v25+s4+$0x0], $0xffff;
	s20 =	sor.u32 s7, s25  }
0x97: {  	s25 =	sor.u32 s9, s25;
	v24 =	vld.idx.msk [tilespmem:v27+s4+$0x0], $0xffff;
	[tilespmem:s20+$0x0] =	vst v26  }
0x98: {  	v25 =	vadd.s32 $0x180, v0;
	[tilespmem:s26+$0x0] =	vst v28;
	v26 =	vld.idx.msk [tilespmem:v31+s4+$0x0], $0xffff  }
0x99: {  	v27 =	vld.idx.msk [tilespmem:v30+s4+$0x0], $0xffff;
	[tilespmem:s21+$0x0] =	vst v29  }
0x9a: {  	s20 =	sor.u32 $0x2800, s19;
	v28 =	vld.idx.msk [tilespmem:v35+s4+$0x0], $0xffff;
	[tilespmem:s22+$0x0] =	vst v22  }
0x9b: {  	s26 =	sor.u32 s15, s20;
	s21 =	sor.u32 s14, s20;
	s22 =	sor.u32 s16, s20;
	v29 =	vld.idx.msk [tilespmem:v4+s4+$0x0], $0xffff;
	[tilespmem:s3+$0x0] =	vst v20;
	v4 =	vmov v21  }
0x9c: {  	s3 =	sor.u32 s18, s20;
	s20 =	sor.u32 $0x5800, s2;
	s2 =	smov.u32 s19;
	[tilespmem:s26+$0x0] =	vst v23;
	v30 =	vld.idx.msk [tilespmem:v7+s4+$0x0], $0xffff;
	v7 =	vmov v43  }
0x9d: {  	s26 =	sor.u32 s1, s20;
	s1 =	sor.u32 s7, s20;
	[tilespmem:s21+$0x0] =	vst v24;
	v24 =	vld.idx.msk [tilespmem:v25+s4+$0x0], $0xffff;
	s21 =	sor.u32 s8, s20  }
0x9e: {  	s7 =	smov.u32 s15;
	s20 =	sor.u32 s9, s20;
	v20 =	vld.idx.msk [tilespmem:v18+s4+$0x0], $0xffff;
	[tilespmem:s1+$0x0] =	vst v26;
	s1 =	smov.u32 s14  }
.Ltmp2:
0x9f: {  	v23 =	vadd.s32 $0x200, v0;
	s8 =	smov.u32 s16;
	s9 =	smov.u32 s18;
	[tilespmem:s22+$0x0] =	vst v27;
	v18 =	vld.idx.msk [tilespmem:v5+s4+$0x0], $0xffff;
	v5 =	vmov v44;
	(pc) =	sbr.rel @p0 .LBB2_2-.Ltmp2, $4  }
0xa0: {  	v21 =	vld.idx.msk [tilespmem:v17+s4+$0x0], $0xffff;
	[tilespmem:s3+$0x0] =	vst v28  }
0xa1: {  	s3 =	sor.u32 $0x3000, s2;
	v22 =	vld.idx.msk [tilespmem:v19+s4+$0x0], $0xffff;
	[tilespmem:s28+$0x0] =	vst v29  }
0xa2: {  	s15 =	sor.u32 s1, s3;
	s16 =	sor.u32 s8, s3;
	s14 =	sor.u32 s7, s3;
	v19 =	vld.idx.msk [tilespmem:v2+s4+$0x0], $0xffff;
	[tilespmem:s29+$0x0] =	vst v30;
	v2 =	vmov v42  }
0xa3: {  	s13 =	sadd.s32 $0x40, s13;
	s3 =	sor.u32 s9, s3;
	[tilespmem:s14+$0x0] =	vst v24;
	v17 =	vld.idx.msk [tilespmem:v3+s4+$0x0], $0xffff;
	v3 =	vmov v39  }
0xa4: {  	_ =	sdelay $0x3  }
0xa5: {  	[tilespmem:s15+$0x0] =	vst v20;
	v20 =	vld.idx.msk [tilespmem:v23+s4+$0x0], $0xffff  }
0xa6: {  	v15 =	vld.idx.msk [tilespmem:v15+s4+$0x0], $0xffff;
	[tilespmem:s16+$0x0] =	vst v21;
	v21 =	vadd.s32 $0x280, v0  }
0xa7: {  	v14 =	vld.idx.msk [tilespmem:v14+s4+$0x0], $0xffff;
	[tilespmem:s3+$0x0] =	vst v22  }
0xa8: {  	s16 =	sor.u32 $0x3800, s2;
	v13 =	vld.idx.msk [tilespmem:v13+s4+$0x0], $0xffff  }
0xa9: {  	s10 =	sor.u32 s7, s16  }
0xaa: {  	s11 =	sor.u32 s1, s16;
	[tilespmem:s10+$0x0] =	vst v20  }
0xab: {  	s18 =	sor.u32 s8, s16;
	[tilespmem:s11+$0x0] =	vst v15;
	v15 =	vld.idx.msk [tilespmem:v21+s4+$0x0], $0xffff  }
0xac: {  	s3 =	sor.u32 s9, s16;
	[tilespmem:s18+$0x0] =	vst v14;
	v14 =	vadd.s32 $0x300, v0;
	v10 =	vld.idx.msk [tilespmem:v10+s4+$0x0], $0xffff  }
0xad: {  	v12 =	vld.idx.msk [tilespmem:v12+s4+$0x0], $0xffff;
	[tilespmem:s3+$0x0] =	vst v13  }
0xae: {  	s19 =	sor.u32 $0x4000, s2;
	v11 =	vld.idx.msk [tilespmem:v11+s4+$0x0], $0xffff  }
0xaf: {  	s22 =	sor.u32 s7, s19  }
0xb0: {  	s23 =	sor.u32 s1, s19;
	[tilespmem:s22+$0x0] =	vst v15  }
0xb1: {  	s24 =	sor.u32 s8, s19;
	v13 =	vld.idx.msk [tilespmem:v14+s4+$0x0], $0xffff;
	[tilespmem:s23+$0x0] =	vst v10  }
0xb2: {  	s3 =	sor.u32 s9, s19;
	v10 =	vadd.s32 $0x380, v0;
	[tilespmem:s24+$0x0] =	vst v12;
	v8 =	vld.idx.msk [tilespmem:v8+s4+$0x0], $0xffff  }
0xb3: {  	[tilespmem:s3+$0x0] =	vst v11;
	v6 =	vld.idx.msk [tilespmem:v6+s4+$0x0], $0xffff  }
0xb4: {  	s28 =	sor.u32 $0x4800, s2;
	v9 =	vld.idx.msk [tilespmem:v9+s4+$0x0], $0xffff  }
0xb5: {  	s29 =	sor.u32 s7, s28  }
0xb6: {  	s30 =	sor.u32 s1, s28;
	[tilespmem:s29+$0x0] =	vst v13  }
0xb7: {  	s0 =	sor.u32 s8, s28;
	v10 =	vld.idx.msk [tilespmem:v10+s4+$0x0], $0xffff;
	[tilespmem:s30+$0x0] =	vst v8  }
0xb8: {  	v0 =	vadd.s32 $0x400, v0;
	s3 =	sor.u32 s9, s28;
	[tilespmem:s0+$0x0] =	vst v6;
	v4 =	vld.idx.msk [tilespmem:v4+s4+$0x0], $0xffff  }
0xb9: {  	[tilespmem:s3+$0x0] =	vst v9;
	v6 =	vld.idx.msk [tilespmem:v7+s4+$0x0], $0xffff  }
0xba: {  	[tilespmem:s25+$0x0] =	vst v18;
	s12 =	sor.u32 $0x5000, s2;
	v5 =	vld.idx.msk [tilespmem:v5+s4+$0x0], $0xffff  }
0xbb: {  	s13 =	sor.u32 s7, s12;
	[tilespmem:s26+$0x0] =	vst v19  }
0xbc: {  	v1 =	vld.idx.msk [tilespmem:v1+s4+$0x0], $0xffff;
	s14 =	sor.u32 s1, s12;
	[tilespmem:s13+$0x0] =	vst v10  }
0xbd: {  	s15 =	sor.u32 s8, s12;
	v0 =	vld.idx.msk [tilespmem:v0+s4+$0x0], $0xffff;
	[tilespmem:s14+$0x0] =	vst v4  }
0xbe: {  	s3 =	sor.u32 s9, s12;
	v2 =	vld.idx.msk [tilespmem:v2+s4+$0x0], $0xffff;
	[tilespmem:s15+$0x0] =	vst v6  }
0xbf: {  	v3 =	vld.idx.msk [tilespmem:v3+s4+$0x0], $0xffff;
	[tilespmem:s3+$0x0] =	vst v5  }
0xc0: {  	s16 =	sor.u32 $0x5800, s2;
	[tilespmem:s21+$0x0] =	vst v17;
	v4 =	vld.idx.msk [tilespmem:v16+s4+$0x0], $0xffff  }
0xc1: {  	[tilespmem:s20+$0x0] =	vst v1;
	s18 =	sor.u32 s7, s16  }
0xc2: {  	s19 =	sor.u32 s1, s16;
	[tilespmem:s18+$0x0] =	vst v0  }
0xc3: {  	s20 =	sor.u32 s8, s16;
	[tilespmem:s19+$0x0] =	vst v2  }
0xc4: {  	s21 =	sor.u32 s9, s16;
	[tilespmem:s20+$0x0] =	vst v3  }
0xc5: {  	[tilespmem:s21+$0x0] =	vst v4  }
0xc6: {  	s22 =	simm.s32 $0x0;
	s23 =	simm.s32 $0x1800;
	s0 =	rddreg [dreg:$0x6]  }
0xc7: {  	[hbm4b:s0+s22] =	stream.linear.scatter [tilespmem:s23], [sflag:$0x3], $0x800, $0x38;
	[tilespmem:$0xA800] =	vst v63  }
0xc8: {  	s25 =	simm.s32 $0x2000;
	s24 =	rddreg [dreg:$0x7]  }
0xc9: {  	[hbm4b:s24+s22] =	stream.linear.scatter [tilespmem:s25], [sflag:$0x3], $0x800, $0x38;
	[tilespmem:$0xA800] =	vst v63  }
0xca: {  	s28 =	simm.s32 $0x2800;
	s26 =	rddreg [dreg:$0x8]  }
0xcb: {  	[hbm4b:s26+s22] =	stream.linear.scatter [tilespmem:s28], [sflag:$0x3], $0x800, $0x38;
	[tilespmem:$0xA800] =	vst v63  }
0xcc: {  	s30 =	simm.s32 $0x3000;
	s29 =	rddreg [dreg:$0x9]  }
0xcd: {  	[hbm4b:s29+s22] =	stream.linear.scatter [tilespmem:s30], [sflag:$0x3], $0x800, $0x38;
	[tilespmem:$0xA800] =	vst v63  }
0xce: {  	s7 =	simm.s32 $0x3800;
	s3 =	rddreg [dreg:$0xa]  }
0xcf: {  	[hbm4b:s3+s22] =	stream.linear.scatter [tilespmem:s7], [sflag:$0x3], $0x800, $0x38;
	[tilespmem:$0xA800] =	vst v63  }
0xd0: {  	s9 =	simm.s32 $0x4000;
	s8 =	rddreg [dreg:$0xb]  }
0xd1: {  	[hbm4b:s8+s22] =	stream.linear.scatter [tilespmem:s9], [sflag:$0x3], $0x800, $0x38;
	[tilespmem:$0xA800] =	vst v63  }
0xd2: {  	s11 =	simm.s32 $0x4800;
	s10 =	rddreg [dreg:$0xc]  }
0xd3: {  	[hbm4b:s10+s22] =	stream.linear.scatter [tilespmem:s11], [sflag:$0x3], $0x800, $0x38;
	[tilespmem:$0xA800] =	vst v63  }
0xd4: {  	s13 =	simm.s32 $0x5000;
	s12 =	rddreg [dreg:$0xd]  }
0xd5: {  	[hbm4b:s12+s22] =	stream.linear.scatter [tilespmem:s13], [sflag:$0x3], $0x800, $0x38;
	[tilespmem:$0xA800] =	vst v63  }
0xd6: {  	s15 =	simm.s32 $0x5800;
	s14 =	rddreg [dreg:$0xe]  }
0xd7: {  	[hbm4b:s14+s22] =	stream.linear.scatter [tilespmem:s15], [sflag:$0x3], $0x800, $0x38;
	[tilespmem:$0xA800] =	vst v63  }
0xd8: {  	s16 =	rddreg [dreg:$0xf]  }
0xd9: {  	[tilespmem:s17], [sflag:$0x1] =	stream.linear.gather [hbm4b:s16+s22], $0x800, $0x38;
	[tilespmem:$0xA800] =	vst v63  }
0xda: {  	s1 =	sand.u32 $0x380, s22;
	s17 =	simm.s32 $0x2  }
0xdb: {  	s18 =	sand.u32 $0x400, s22;
	s13 =	sand.u32 $0x40, s22;
	_ =	swait.ge [sflag:s17], $0x800  }
0xdc: {  	s12 =	sor.u32 $0x30, s13;
	s16 =	sor.u32 s1, s18;
	[sflag:s17] =	ssyncset.done $0x0  }
0xdd: {  	s1 =	sor.u32 s12, s16;
	[sflag:s17] =	ssyncadd.s32 $0xFFFFF800  }
0xde: {  	s15 =	sor.u32 $0x10, s13;
	s2 =	sor.u32 s13, s16;
	v4 =	vld [tilespmem:s1+$0x1000]  }
0xdf: {  	s19 =	sor.u32 s15, s16;
	v3 =	vld [tilespmem:s2+$0x1000]  }
0xe0: {  	v1 =	vld [tilespmem:s19+$0x1000]  }
0xe1: {  	s14 =	sor.u32 $0x20, s13  }
0xe2: {  	s20 =	sor.u32 s14, s16  }
0xe3: {  	v2 =	vld [tilespmem:s20+$0x1000];
	_ =	sdelay $0x2  }
0xe4: {  	v0 =	vld.idx.msk [tilespmem:v4+s4+$0x0], $0xffff  }
0xe5: {  	v6 =	vadd.s32 $0x80, v4;
	v5 =	vld.idx.msk [tilespmem:v3+s4+$0x0], $0xffff  }
0xe6: {  	v7 =	vadd.s32 $0x80, v3;
	v8 =	vld.idx.msk [tilespmem:v1+s4+$0x0], $0xffff  }
0xe7: {  	v9 =	vadd.s32 $0x80, v1;
	_ =	sdelay $0x1  }
0xe8: {  	v10 =	vld.idx.msk [tilespmem:v2+s4+$0x0], $0xffff;
	[tilespmem:s1+$0x6000] =	vst v0  }
0xe9: {  	v0 =	vadd.s32 $0x80, v2;
	[tilespmem:s2+$0x6000] =	vst v5;
	v5 =	vld.idx.msk [tilespmem:v6+s4+$0x0], $0xffff  }
0xea: {  	[tilespmem:s19+$0x6000] =	vst v8;
	v6 =	vld.idx.msk [tilespmem:v7+s4+$0x0], $0xffff;
	v7 =	vadd.s32 $0x100, v4  }
0xeb: {  	v8 =	vadd.s32 $0x100, v3;
	v9 =	vld.idx.msk [tilespmem:v9+s4+$0x0], $0xffff  }
0xec: {  	s21 =	sor.u32 $0x6800, s16;
	v11 =	vadd.s32 $0x100, v1  }
0xed: {  	s22 =	sor.u32 s12, s21;
	[tilespmem:s20+$0x6000] =	vst v10  }
0xee: {  	s23 =	sor.u32 s13, s21;
	v0 =	vld.idx.msk [tilespmem:v0+s4+$0x0], $0xffff;
	[tilespmem:s22+$0x0] =	vst v5  }
0xef: {  	s24 =	sor.u32 s15, s21;
	v5 =	vadd.s32 $0x100, v2;
	[tilespmem:s23+$0x0] =	vst v6;
	v6 =	vld.idx.msk [tilespmem:v7+s4+$0x0], $0xffff  }
0xf0: {  	[tilespmem:s24+$0x0] =	vst v9;
	v7 =	vld.idx.msk [tilespmem:v8+s4+$0x0], $0xffff;
	v8 =	vadd.s32 $0x180, v4  }
0xf1: {  	v9 =	vadd.s32 $0x180, v3;
	v10 =	vld.idx.msk [tilespmem:v11+s4+$0x0], $0xffff  }
0xf2: {  	s25 =	sor.u32 $0x7000, s16;
	s1 =	sor.u32 s14, s21;
	v11 =	vadd.s32 $0x180, v1  }
0xf3: {  	s26 =	sor.u32 s12, s25;
	[tilespmem:s1+$0x0] =	vst v0  }
0xf4: {  	s10 =	simm.s32 $0x200;
	s28 =	sor.u32 s13, s25;
	v0 =	vld.idx.msk [tilespmem:v5+s4+$0x0], $0xffff;
	[tilespmem:s26+$0x0] =	vst v6  }
0xf5: {  	s11 =	simm.s32 $0x20;
	s18 =	simm.s32 $0x40;
	s29 =	sor.u32 s15, s25;
	v5 =	vadd.s32 $0x180, v2;
	[tilespmem:s28+$0x0] =	vst v7;
	v6 =	vld.idx.msk [tilespmem:v8+s4+$0x0], $0xffff  }
0xf6: {  	s19 =	sand.u32 $0x400, s10;
	s20 =	sand.u32 $0x380, s11;
	s1 =	sand.u32 $0x40, s18;
	[tilespmem:s29+$0x0] =	vst v10;
	v7 =	vld.idx.msk [tilespmem:v9+s4+$0x0], $0xffff;
	v8 =	vadd.s32 $0x200, v4  }
0xf7: {  	s2 =	sor.u32 s20, s19;
	s7 =	sor.u32 $0x30, s1;
	v9 =	vadd.s32 $0x200, v3;
	v10 =	vld.idx.msk [tilespmem:v11+s4+$0x0], $0xffff  }
0xf8: {  	s0 =	sor.u32 $0x7800, s16;
	s30 =	sor.u32 s14, s25;
	s18 =	sor.u32 s7, s2  }
0xf9: {  	s17 =	sor.u32 s12, s0;
	v11 =	vadd.s32 $0x200, v1;
	[tilespmem:s30+$0x0] =	vst v0;
	v0 =	vld [tilespmem:s18+$0x1000]  }
0xfa: {  	s8 =	sor.u32 s13, s0;
	v12 =	vld.idx.msk [tilespmem:v5+s4+$0x0], $0xffff;
	[tilespmem:s17+$0x0] =	vst v6  }
0xfb: {  	s9 =	sor.u32 s15, s0;
	[tilespmem:s8+$0x0] =	vst v7;
	v6 =	vld.idx.msk [tilespmem:v8+s4+$0x0], $0xffff  }
0xfc: {  	s19 =	sor.u32 s1, s2;
	[tilespmem:s9+$0x0] =	vst v10;
	v10 =	vadd.s32 $0x200, v2;
	v7 =	vld.idx.msk [tilespmem:v9+s4+$0x0], $0xffff  }
0xfd: {  	s3 =	sor.u32 s14, s0;
	v5 =	vld [tilespmem:s19+$0x1000];
	s8 =	sor.u32 $0x10, s1;
	v8 =	vadd.s32 $0x280, v4  }
0xfe: {  	s21 =	sor.u32 $0x8000, s16;
	s9 =	sor.u32 $0x20, s1;
	v9 =	vld.idx.msk [tilespmem:v11+s4+$0x0], $0xffff;
	v11 =	vadd.s32 $0x280, v3;
	s23 =	sor.u32 s8, s2  }
0xff: {  	v13 =	vadd.s32 $0x280, v1;
	s22 =	sor.u32 s12, s21;
	s24 =	sor.u32 s9, s2;
	v16 =	vld [tilespmem:s23+$0x1000];
	[tilespmem:s3+$0x0] =	vst v12  }
0x100: {  	s25 =	sor.u32 s13, s21;
	v17 =	vld [tilespmem:s24+$0x1000];
	[tilespmem:s22+$0x0] =	vst v6  }
0x101: {  	[tilespmem:s25+$0x0] =	vst v7;
	v7 =	vld.idx.msk [tilespmem:v10+s4+$0x0], $0xffff  }
0x102: {  	s26 =	sor.u32 s15, s21;
	v6 =	vld.idx.msk [tilespmem:v8+s4+$0x0], $0xffff  }
0x103: {  	[tilespmem:s26+$0x0] =	vst v9;
	v9 =	vld.idx.msk [tilespmem:v11+s4+$0x0], $0xffff  }
0x104: {  	v8 =	vadd.s32 $0x300, v4;
	v10 =	vld.idx.msk [tilespmem:v13+s4+$0x0], $0xffff  }
0x105: {  	s20 =	sor.u32 s14, s21;
	s28 =	sor.u32 $0x8800, s16;
	v12 =	vld.idx.msk [tilespmem:v0+s4+$0x0], $0xffff;
	v11 =	vadd.s32 $0x280, v2  }
0x106: {  	s29 =	sor.u32 s12, s28;
	v14 =	vadd.s32 $0x80, v0;
	v13 =	vld.idx.msk [tilespmem:v5+s4+$0x0], $0xffff;
	[tilespmem:s20+$0x0] =	vst v7  }
0x107: {  	s30 =	sor.u32 s13, s28;
	v15 =	vadd.s32 $0x80, v5;
	v7 =	vld.idx.msk [tilespmem:v16+s4+$0x0], $0xffff;
	[tilespmem:s29+$0x0] =	vst v6  }
0x108: {  	s0 =	sor.u32 s15, s28;
	v6 =	vadd.s32 $0x300, v3;
	[tilespmem:s30+$0x0] =	vst v9;
	v9 =	vld.idx.msk [tilespmem:v17+s4+$0x0], $0xffff  }
0x109: {  	[tilespmem:s0+$0x0] =	vst v10;
	v10 =	vadd.s32 $0x80, v16;
	v8 =	vld.idx.msk [tilespmem:v8+s4+$0x0], $0xffff  }
0x10a: {  	v19 =	vadd.s32 $0x80, v17;
	[tilespmem:s18+$0x6000] =	vst v12;
	v11 =	vld.idx.msk [tilespmem:v11+s4+$0x0], $0xffff  }
0x10b: {  	v18 =	vadd.s32 $0x380, v4;
	[tilespmem:s19+$0x6000] =	vst v13;
	v13 =	vld.idx.msk [tilespmem:v14+s4+$0x0], $0xffff  }
0x10c: {  	s17 =	sor.u32 $0x9000, s16;
	v14 =	vld.idx.msk [tilespmem:v15+s4+$0x0], $0xffff;
	[tilespmem:s23+$0x6000] =	vst v7;
	v7 =	vadd.s32 $0x100, v0  }
0x10d: {  	v12 =	vadd.s32 $0x300, v1;
	s20 =	sor.u32 s12, s17;
	v6 =	vld.idx.msk [tilespmem:v6+s4+$0x0], $0xffff;
	[tilespmem:s24+$0x6000] =	vst v9  }
0x10e: {  	s3 =	sor.u32 s14, s28;
	s23 =	sor.u32 $0x6800, s2;
	v10 =	vld.idx.msk [tilespmem:v10+s4+$0x0], $0xffff;
	[tilespmem:s20+$0x0] =	vst v8;
	v8 =	vadd.s32 $0x300, v2  }
0x10f: {  	[tilespmem:s3+$0x0] =	vst v11;
	v11 =	vadd.s32 $0x100, v16;
	s24 =	sor.u32 s7, s23;
	v9 =	vld.idx.msk [tilespmem:v19+s4+$0x0], $0xffff  }
0x110: {  	[tilespmem:s24+$0x0] =	vst v13;
	v13 =	vadd.s32 $0x380, v3;
	v15 =	vld.idx.msk [tilespmem:v18+s4+$0x0], $0xffff  }
0x111: {  	s22 =	sor.u32 s13, s17;
	v18 =	vadd.s32 $0x100, v5;
	v7 =	vld.idx.msk [tilespmem:v7+s4+$0x0], $0xffff  }
0x112: {  	v4 =	vadd.s32 $0x400, v4;
	s29 =	sor.u32 s8, s23;
	[tilespmem:s22+$0x0] =	vst v6;
	v6 =	vld.idx.msk [tilespmem:v12+s4+$0x0], $0xffff  }
0x113: {  	s25 =	sor.u32 s1, s23;
	v12 =	vadd.s32 $0x100, v17;
	[tilespmem:s29+$0x0] =	vst v10;
	v8 =	vld.idx.msk [tilespmem:v8+s4+$0x0], $0xffff  }
0x114: {  	s26 =	sor.u32 $0x9800, s16;
	[tilespmem:s25+$0x0] =	vst v14;
	s20 =	sor.u32 s9, s23;
	v10 =	vadd.s32 $0x180, v0;
	v11 =	vld.idx.msk [tilespmem:v11+s4+$0x0], $0xffff  }
0x115: {  	s28 =	sor.u32 s12, s26;
	s0 =	sor.u32 $0x7000, s2;
	v14 =	vadd.s32 $0x380, v1;
	[tilespmem:s20+$0x0] =	vst v9;
	v23 =	vld.idx.msk [tilespmem:v13+s4+$0x0], $0xffff  }
0x116: {  	v21 =	vadd.s32 $0x180, v16;
	s18 =	sor.u32 s14, s17;
	s30 =	sor.u32 s15, s17;
	s17 =	sor.u32 s7, s0;
	[tilespmem:s28+$0x0] =	vst v15;
	v15 =	vld.idx.msk [tilespmem:v18+s4+$0x0], $0xffff  }
0x117: {  	v18 =	vadd.s32 $0x180, v5;
	v4 =	vld.idx.msk [tilespmem:v4+s4+$0x0], $0xffff;
	[tilespmem:s17+$0x0] =	vst v7  }
0x118: {  	v9 =	vadd.s32 $0x380, v2;
	v19 =	vld.idx.msk [tilespmem:v12+s4+$0x0], $0xffff;
	[tilespmem:s30+$0x0] =	vst v6  }
0x119: {  	v3 =	vadd.s32 $0x400, v3;
	s22 =	sor.u32 s8, s0;
	v25 =	vld.idx.msk [tilespmem:v10+s4+$0x0], $0xffff;
	[tilespmem:s18+$0x0] =	vst v8  }
0x11a: {  	v22 =	vadd.s32 $0x180, v17;
	s21 =	sor.u32 s1, s0;
	v24 =	vld.idx.msk [tilespmem:v14+s4+$0x0], $0xffff;
	[tilespmem:s22+$0x0] =	vst v11  }
0x11b: {  	v26 =	vadd.s32 $0x400, v1;
	s16 =	sor.u32 $0xA000, s16;
	v1 =	vadd.s32 $0x400, v2;
	s24 =	sor.u32 s13, s26;
	v13 =	vadd.s32 $0x200, v17;
	[tilespmem:s21+$0x0] =	vst v15;
	v21 =	vld.idx.msk [tilespmem:v21+s4+$0x0], $0xffff  }
0x11c: {  	s12 =	sor.u32 s12, s16;
	s23 =	sor.u32 s9, s0;
	v2 =	vadd.s32 $0x400, v5;
	v7 =	vadd.s32 $0x380, v16;
	[tilespmem:s24+$0x0] =	vst v23;
	v23 =	vadd.s32 $0x200, v0;
	v20 =	vld.idx.msk [tilespmem:v18+s4+$0x0], $0xffff  }
0x11d: {  	s25 =	sor.u32 s14, s26;
	s29 =	sor.u32 $0x7800, s2;
	s20 =	sor.u32 s14, s16;
	v10 =	vadd.s32 $0x280, v5;
	v12 =	vadd.s32 $0x280, v16;
	v15 =	vadd.s32 $0x200, v5;
	[tilespmem:s12+$0x0] =	vst v4;
	v18 =	vld.idx.msk [tilespmem:v9+s4+$0x0], $0xffff  }
0x11e: {  	s3 =	sor.u32 s9, s29;
	s28 =	sor.u32 s15, s26;
	s26 =	sor.u32 s13, s16;
	v6 =	vadd.s32 $0x300, v16;
	v14 =	vadd.s32 $0x200, v16;
	v8 =	vadd.s32 $0x300, v5;
	[tilespmem:s23+$0x0] =	vst v19;
	v19 =	vld.idx.msk [tilespmem:v3+s4+$0x0], $0xffff  }
0x11f: {  	s13 =	simm.s32 $0x80;
	s30 =	sor.u32 s7, s29;
	v11 =	vadd.s32 $0x280, v17;
	s21 =	sor.u32 s15, s16;
	v4 =	vadd.s32 $0x380, v5;
	v9 =	vadd.s32 $0x300, v17;
	v22 =	vld.idx.msk [tilespmem:v22+s4+$0x0], $0xffff;
	[tilespmem:s28+$0x0] =	vst v24  }
0x120: {  	s15 =	sor.u32 s1, s29;
	s16 =	sor.u32 s8, s29;
	s12 =	simm.s32 $0x4;
	v5 =	vadd.s32 $0x380, v17;
	v3 =	vadd.s32 $0x400, v16;
	v16 =	vadd.s32 $0x400, v17;
	[tilespmem:s30+$0x0] =	vst v25;
	v17 =	vld.idx.msk [tilespmem:v26+s4+$0x0], $0xffff  }
.LBB2_4:
0x121: {  	s14 =	sand.u32 $0x40, s13;
	[tilespmem:s15+$0x0] =	vst v20;
	v20 =	vld.idx.msk [tilespmem:v23+s4+$0x0], $0xffff;
	s10 =	sadd.s32 $0x200, s10;
	s11 =	sadd.s32 $0x20, s11  }
0x122: {  	s12 =	sadd.s32 $0x4, s12;
	s15 =	sand.u32 $0x400, s10;
	s18 =	sand.u32 $0x380, s11;
	v15 =	vld.idx.msk [tilespmem:v15+s4+$0x0], $0xffff;
	[tilespmem:s25+$0x0] =	vst v18  }
0x123: {  	p0 =	slt.u32 s12, $0x7C;
	v18 =	vadd.s32 $0x280, v0;
	s19 =	sor.u32 s18, s15;
	s15 =	sor.u32 $0x30, s14;
	[tilespmem:s16+$0x0] =	vst v21;
	v21 =	vld.idx.msk [tilespmem:v1+s4+$0x0], $0xffff;
	v1 =	vmov v16  }
0x124: {  	s16 =	sor.u32 $0x10, s14;
	s18 =	sor.u32 $0x20, s14;
	s22 =	sor.u32 s15, s19;
	v14 =	vld.idx.msk [tilespmem:v14+s4+$0x0], $0xffff;
	[tilespmem:s3+$0x0] =	vst v22  }
0x125: {  	s28 =	sor.u32 s14, s19;
	s25 =	sor.u32 s16, s19;
	s3 =	sor.u32 $0x8000, s2;
	v22 =	vld [tilespmem:s22+$0x1000];
	[tilespmem:s26+$0x0] =	vst v19  }
0x126: {  	s26 =	sor.u32 s18, s19;
	s29 =	sor.u32 s1, s3;
	s30 =	sor.u32 s7, s3;
	v16 =	vld [tilespmem:s28+$0x1000];
	[tilespmem:s21+$0x0] =	vst v17  }
0x127: {  	s21 =	sor.u32 s8, s3;
	s3 =	sor.u32 s9, s3;
	v23 =	vld [tilespmem:s25+$0x1000];
	[tilespmem:s30+$0x0] =	vst v20  }
0x128: {  	[tilespmem:s29+$0x0] =	vst v15;
	v20 =	vld.idx.msk [tilespmem:v18+s4+$0x0], $0xffff  }
0x129: {  	v24 =	vld [tilespmem:s26+$0x1000];
	[tilespmem:s20+$0x0] =	vst v21  }
0x12a: {  	v25 =	vadd.s32 $0x300, v0;
	[tilespmem:s21+$0x0] =	vst v14;
	v21 =	vld.idx.msk [tilespmem:v13+s4+$0x0], $0xffff  }
0x12b: {  	v26 =	vadd.s32 $0x80, v16;
	v27 =	vadd.s32 $0x100, v16;
	v18 =	vadd.s32 $0x180, v16;
	v28 =	vld.idx.msk [tilespmem:v10+s4+$0x0], $0xffff  }
0x12c: {  	s20 =	sor.u32 $0x8800, s2;
	v29 =	vadd.s32 $0x80, v23;
	v30 =	vadd.s32 $0x100, v23;
	v17 =	vadd.s32 $0x180, v23;
	v31 =	vld.idx.msk [tilespmem:v12+s4+$0x0], $0xffff  }
0x12d: {  	s21 =	sor.u32 s1, s20;
	s29 =	sor.u32 s8, s20;
	s30 =	sor.u32 s7, s20;
	v15 =	vadd.s32 $0x200, v16;
	v10 =	vadd.s32 $0x280, v16;
	v14 =	vadd.s32 $0x200, v23;
	v32 =	vld.idx.msk [tilespmem:v22+s4+$0x0], $0xffff  }
0x12e: {  	s20 =	sor.u32 s9, s20;
	v33 =	vld.idx.msk [tilespmem:v16+s4+$0x0], $0xffff;
	v34 =	vadd.s32 $0x80, v24;
	v35 =	vadd.s32 $0x100, v24;
	v19 =	vadd.s32 $0x180, v24;
	[tilespmem:s30+$0x0] =	vst v20  }
0x12f: {  	v12 =	vadd.s32 $0x280, v23;
	v13 =	vadd.s32 $0x200, v24;
	v20 =	vadd.s32 $0x80, v22;
	v25 =	vld.idx.msk [tilespmem:v25+s4+$0x0], $0xffff  }
0x130: {  	v36 =	vadd.s32 $0x300, v16;
	v38 =	vadd.s32 $0x300, v23;
	v39 =	vadd.s32 $0x280, v24;
	v37 =	vld.idx.msk [tilespmem:v23+s4+$0x0], $0xffff;
	[tilespmem:s3+$0x0] =	vst v21  }
0x131: {  	v41 =	vadd.s32 $0x300, v24;
	v21 =	vadd.s32 $0x380, v16;
	v40 =	vld.idx.msk [tilespmem:v24+s4+$0x0], $0xffff;
	[tilespmem:s21+$0x0] =	vst v28;
	v28 =	vadd.s32 $0x380, v0  }
0x132: {  	v42 =	vadd.s32 $0x400, v16;
	v43 =	vadd.s32 $0x380, v23;
	v44 =	vadd.s32 $0x380, v24;
	[tilespmem:s29+$0x0] =	vst v31;
	v31 =	vld.idx.msk [tilespmem:v11+s4+$0x0], $0xffff;
	v11 =	vmovc v39  }
0x133: {  	v16 =	vadd.s32 $0x400, v24;
	s3 =	sor.u32 $0x9000, s2;
	v39 =	vadd.s32 $0x400, v23;
	[tilespmem:s22+$0x6000] =	vst v32;
	v23 =	vld.idx.msk [tilespmem:v8+s4+$0x0], $0xffff;
	v8 =	vmov v36  }
0x134: {  	s21 =	sor.u32 s1, s3;
	s22 =	sor.u32 s8, s3;
	[tilespmem:s28+$0x6000] =	vst v33;
	v20 =	vld.idx.msk [tilespmem:v20+s4+$0x0], $0xffff;
	s28 =	sor.u32 s7, s3  }
0x135: {  	s3 =	sor.u32 s9, s3;
	v24 =	vld.idx.msk [tilespmem:v26+s4+$0x0], $0xffff;
	[tilespmem:s28+$0x0] =	vst v25  }
0x136: {  	v25 =	vadd.s32 $0x100, v22;
	[tilespmem:s25+$0x6000] =	vst v37;
	v26 =	vld.idx.msk [tilespmem:v28+s4+$0x0], $0xffff  }
0x137: {  	v28 =	vld.idx.msk [tilespmem:v29+s4+$0x0], $0xffff;
	[tilespmem:s26+$0x6000] =	vst v40  }
0x138: {  	s25 =	sor.u32 $0x6800, s19;
	v29 =	vld.idx.msk [tilespmem:v34+s4+$0x0], $0xffff;
	[tilespmem:s20+$0x0] =	vst v31;
	v31 =	vadd.s32 $0x400, v0;
	v0 =	vmov v22  }
0x139: {  	s26 =	sor.u32 s16, s25;
	s28 =	sor.u32 s15, s25;
	s20 =	sor.u32 s14, s25;
	[tilespmem:s21+$0x0] =	vst v23;
	v22 =	vld.idx.msk [tilespmem:v6+s4+$0x0], $0xffff;
	v6 =	vmov v38  }
0x13a: {  	s21 =	sor.u32 s18, s25;
	s25 =	sor.u32 $0x9800, s2;
	[tilespmem:s28+$0x0] =	vst v20;
	v20 =	vld.idx.msk [tilespmem:v9+s4+$0x0], $0xffff;
	v9 =	vmov v41  }
0x13b: {  	s28 =	sor.u32 s1, s25;
	s29 =	sor.u32 s8, s25;
	[tilespmem:s20+$0x0] =	vst v24;
	v23 =	vld.idx.msk [tilespmem:v25+s4+$0x0], $0xffff;
	s20 =	sor.u32 s7, s25  }
0x13c: {  	s25 =	sor.u32 s9, s25;
	v24 =	vld.idx.msk [tilespmem:v27+s4+$0x0], $0xffff;
	[tilespmem:s20+$0x0] =	vst v26  }
0x13d: {  	v25 =	vadd.s32 $0x180, v0;
	[tilespmem:s26+$0x0] =	vst v28;
	v26 =	vld.idx.msk [tilespmem:v31+s4+$0x0], $0xffff  }
0x13e: {  	v27 =	vld.idx.msk [tilespmem:v30+s4+$0x0], $0xffff;
	[tilespmem:s21+$0x0] =	vst v29  }
0x13f: {  	s20 =	sor.u32 $0x7000, s19;
	v28 =	vld.idx.msk [tilespmem:v35+s4+$0x0], $0xffff;
	[tilespmem:s22+$0x0] =	vst v22  }
0x140: {  	s26 =	sor.u32 s15, s20;
	s21 =	sor.u32 s14, s20;
	s22 =	sor.u32 s16, s20;
	v29 =	vld.idx.msk [tilespmem:v4+s4+$0x0], $0xffff;
	[tilespmem:s3+$0x0] =	vst v20;
	v4 =	vmov v21  }
0x141: {  	s3 =	sor.u32 s18, s20;
	s20 =	sor.u32 $0xA000, s2;
	s2 =	smov.u32 s19;
	[tilespmem:s26+$0x0] =	vst v23;
	v30 =	vld.idx.msk [tilespmem:v7+s4+$0x0], $0xffff;
	v7 =	vmov v43  }
0x142: {  	s26 =	sor.u32 s1, s20;
	s1 =	sor.u32 s7, s20;
	[tilespmem:s21+$0x0] =	vst v24;
	v24 =	vld.idx.msk [tilespmem:v25+s4+$0x0], $0xffff;
	s21 =	sor.u32 s8, s20  }
0x143: {  	s7 =	smov.u32 s15;
	s20 =	sor.u32 s9, s20;
	v20 =	vld.idx.msk [tilespmem:v18+s4+$0x0], $0xffff;
	[tilespmem:s1+$0x0] =	vst v26;
	s1 =	smov.u32 s14  }
.Ltmp3:
0x144: {  	v23 =	vadd.s32 $0x200, v0;
	s8 =	smov.u32 s16;
	s9 =	smov.u32 s18;
	[tilespmem:s22+$0x0] =	vst v27;
	v18 =	vld.idx.msk [tilespmem:v5+s4+$0x0], $0xffff;
	v5 =	vmov v44;
	(pc) =	sbr.rel @p0 .LBB2_4-.Ltmp3, $4  }
0x145: {  	v21 =	vld.idx.msk [tilespmem:v17+s4+$0x0], $0xffff;
	[tilespmem:s3+$0x0] =	vst v28  }
0x146: {  	s3 =	sor.u32 $0x7800, s2;
	v22 =	vld.idx.msk [tilespmem:v19+s4+$0x0], $0xffff;
	[tilespmem:s28+$0x0] =	vst v29  }
0x147: {  	s15 =	sor.u32 s1, s3;
	s16 =	sor.u32 s8, s3;
	s14 =	sor.u32 s7, s3;
	v19 =	vld.idx.msk [tilespmem:v2+s4+$0x0], $0xffff;
	[tilespmem:s29+$0x0] =	vst v30;
	v2 =	vmov v42  }
0x148: {  	s13 =	sadd.s32 $0x40, s13;
	s3 =	sor.u32 s9, s3;
	[tilespmem:s14+$0x0] =	vst v24;
	v17 =	vld.idx.msk [tilespmem:v3+s4+$0x0], $0xffff;
	v3 =	vmov v39  }
0x149: {  	_ =	sdelay $0x3  }
0x14a: {  	[tilespmem:s15+$0x0] =	vst v20;
	v55 =	vld.idx.msk [tilespmem:v23+s4+$0x0], $0xffff  }
0x14b: {  	v56 =	vadd.s32 $0x280, v0;
	v15 =	vld.idx.msk [tilespmem:v15+s4+$0x0], $0xffff;
	[tilespmem:s16+$0x0] =	vst v21  }
0x14c: {  	v14 =	vld.idx.msk [tilespmem:v14+s4+$0x0], $0xffff;
	[tilespmem:s3+$0x0] =	vst v22  }
0x14d: {  	s12 =	sor.u32 $0x8000, s2;
	v13 =	vld.idx.msk [tilespmem:v13+s4+$0x0], $0xffff  }
0x14e: {  	s10 =	sor.u32 s7, s12  }
0x14f: {  	s13 =	sor.u32 s1, s12;
	[tilespmem:s10+$0x0] =	vst v55  }
0x150: {  	s14 =	sor.u32 s8, s12;
	[tilespmem:s13+$0x0] =	vst v15;
	v57 =	vld.idx.msk [tilespmem:v56+s4+$0x0], $0xffff  }
0x151: {  	v58 =	vadd.s32 $0x300, v0;
	s3 =	sor.u32 s9, s12;
	[tilespmem:s14+$0x0] =	vst v14;
	v10 =	vld.idx.msk [tilespmem:v10+s4+$0x0], $0xffff  }
0x152: {  	v12 =	vld.idx.msk [tilespmem:v12+s4+$0x0], $0xffff;
	[tilespmem:s3+$0x0] =	vst v13  }
0x153: {  	s15 =	sor.u32 $0x8800, s2;
	v11 =	vld.idx.msk [tilespmem:v11+s4+$0x0], $0xffff  }
0x154: {  	s16 =	sor.u32 s7, s15  }
0x155: {  	s17 =	sor.u32 s1, s15;
	[tilespmem:s16+$0x0] =	vst v57  }
0x156: {  	s18 =	sor.u32 s8, s15;
	[tilespmem:s17+$0x0] =	vst v10;
	v59 =	vld.idx.msk [tilespmem:v58+s4+$0x0], $0xffff  }
0x157: {  	v60 =	vadd.s32 $0x380, v0;
	s3 =	sor.u32 s9, s15;
	[tilespmem:s18+$0x0] =	vst v12;
	v8 =	vld.idx.msk [tilespmem:v8+s4+$0x0], $0xffff  }
0x158: {  	[tilespmem:s3+$0x0] =	vst v11;
	v6 =	vld.idx.msk [tilespmem:v6+s4+$0x0], $0xffff  }
0x159: {  	s19 =	sor.u32 $0x9000, s2;
	v9 =	vld.idx.msk [tilespmem:v9+s4+$0x0], $0xffff  }
0x15a: {  	s22 =	sor.u32 s7, s19  }
0x15b: {  	s23 =	sor.u32 s1, s19;
	[tilespmem:s22+$0x0] =	vst v59  }
0x15c: {  	s24 =	sor.u32 s8, s19;
	[tilespmem:s23+$0x0] =	vst v8;
	v61 =	vld.idx.msk [tilespmem:v60+s4+$0x0], $0xffff  }
0x15d: {  	v62 =	vadd.s32 $0x400, v0;
	s3 =	sor.u32 s9, s19;
	[tilespmem:s24+$0x0] =	vst v6;
	v4 =	vld.idx.msk [tilespmem:v4+s4+$0x0], $0xffff  }
0x15e: {  	[tilespmem:s3+$0x0] =	vst v9;
	v6 =	vld.idx.msk [tilespmem:v7+s4+$0x0], $0xffff  }
0x15f: {  	[tilespmem:s25+$0x0] =	vst v18;
	s25 =	sor.u32 $0x9800, s2;
	v5 =	vld.idx.msk [tilespmem:v5+s4+$0x0], $0xffff  }
0x160: {  	[tilespmem:s26+$0x0] =	vst v19;
	s26 =	sor.u32 s7, s25  }
0x161: {  	v1 =	vld.idx.msk [tilespmem:v1+s4+$0x0], $0xffff;
	s28 =	sor.u32 s1, s25;
	[tilespmem:s26+$0x0] =	vst v61  }
0x162: {  	s29 =	sor.u32 s8, s25;
	[tilespmem:s28+$0x0] =	vst v4;
	v0 =	vld.idx.msk [tilespmem:v62+s4+$0x0], $0xffff  }
0x163: {  	s3 =	sor.u32 s9, s25;
	[tilespmem:s29+$0x0] =	vst v6;
	v2 =	vld.idx.msk [tilespmem:v2+s4+$0x0], $0xffff  }
0x164: {  	[tilespmem:s3+$0x0] =	vst v5;
	v3 =	vld.idx.msk [tilespmem:v3+s4+$0x0], $0xffff  }
0x165: {  	s30 =	sor.u32 $0xA000, s2;
	[tilespmem:s21+$0x0] =	vst v17;
	v63 =	vld.idx.msk [tilespmem:v16+s4+$0x0], $0xffff  }
0x166: {  	s0 =	sor.u32 s7, s30;
	[tilespmem:s20+$0x0] =	vst v1  }
0x167: {  	s7 =	sor.u32 s1, s30;
	[tilespmem:s0+$0x0] =	vst v0  }
0x168: {  	s10 =	sor.u32 s8, s30;
	[tilespmem:s7+$0x0] =	vst v2  }
0x169: {  	s2 =	sor.u32 s9, s30;
	[tilespmem:s10+$0x0] =	vst v3  }
0x16a: {  	[tilespmem:s2+$0x0] =	vst v63  }
0x16b: {  	s11 =	simm.s32 $0x6000;
	s2 =	simm.s32 $0x0;
	s0 =	rddreg [dreg:$0x10]  }
0x16c: {  	[hbm4b:s0+s2] =	stream.linear.scatter [tilespmem:s11], [sflag:$0x4], $0x800, $0x38;
	[tilespmem:$0xA800] =	vst v63  }
0x16d: {  	s13 =	simm.s32 $0x6800;
	s12 =	rddreg [dreg:$0x11]  }
0x16e: {  	[hbm4b:s12+s2] =	stream.linear.scatter [tilespmem:s13], [sflag:$0x4], $0x800, $0x38;
	[tilespmem:$0xA800] =	vst v63  }
0x16f: {  	s15 =	simm.s32 $0x7000;
	s14 =	rddreg [dreg:$0x13]  }
0x170: {  	[hbm4b:s14+s2] =	stream.linear.scatter [tilespmem:s15], [sflag:$0x4], $0x800, $0x38;
	[tilespmem:$0xA800] =	vst v63  }
0x171: {  	s17 =	simm.s32 $0x7800;
	s16 =	rddreg [dreg:$0x12]  }
0x172: {  	[hbm4b:s16+s2] =	stream.linear.scatter [tilespmem:s17], [sflag:$0x4], $0x800, $0x38;
	[tilespmem:$0xA800] =	vst v63  }
0x173: {  	s19 =	simm.s32 $0x8000;
	s18 =	rddreg [dreg:$0x14]  }
0x174: {  	[hbm4b:s18+s2] =	stream.linear.scatter [tilespmem:s19], [sflag:$0x4], $0x800, $0x38;
	[tilespmem:$0xA800] =	vst v63  }
0x175: {  	s21 =	simm.s32 $0x8800;
	s20 =	rddreg [dreg:$0x1b]  }
0x176: {  	[hbm4b:s20+s2] =	stream.linear.scatter [tilespmem:s21], [sflag:$0x4], $0x800, $0x38;
	[tilespmem:$0xA800] =	vst v63  }
0x177: {  	s23 =	simm.s32 $0x9000;
	s22 =	rddreg [dreg:$0x19]  }
0x178: {  	[hbm4b:s22+s2] =	stream.linear.scatter [tilespmem:s23], [sflag:$0x4], $0x800, $0x38;
	[tilespmem:$0xA800] =	vst v63  }
0x179: {  	s25 =	simm.s32 $0x9800;
	s24 =	rddreg [dreg:$0x1a]  }
0x17a: {  	[hbm4b:s24+s2] =	stream.linear.scatter [tilespmem:s25], [sflag:$0x4], $0x800, $0x38;
	[tilespmem:$0xA800] =	vst v63  }
0x17b: {  	s28 =	simm.s32 $0xA000;
	s26 =	rddreg [dreg:$0x1c]  }
0x17c: {  	[hbm4b:s26+s2] =	stream.linear.scatter [tilespmem:s28], [sflag:$0x4], $0x800, $0x38;
	[tilespmem:$0xA800] =	vst v63  }
0x17d: {  	s30 =	simm.s32 $0x1000;
	s7 =	simm.s32 $0x0;
	s29 =	rddreg [dreg:$0x1d]  }
0x17e: {  	[tilespmem:s30], [sflag:$0x2] =	stream.linear.gather [hbm4b:s29+s2], $0x800, $0x38;
	[tilespmem:$0xA800] =	vst v63  }
.LBB2_6:
0x17f: {  	s0 =	simm.s32 $0x1  }
0x180: {  	_ =	swait.ge [sflag:s0], $0x800  }
0x181: {  	[sflag:s0] =	ssyncset.done $0x0  }
0x182: {  	s15 =	sand.u32 $0x40, s2;
	[sflag:s0] =	ssyncadd.s32 $0xFFFFF800  }
0x183: {  	s1 =	sand.u32 $0x400, s2;
	s3 =	sand.u32 $0x380, s2;
	_ =	swait.ge [sflag:s31], $0x4800  }
0x184: {  	s19 =	sor.u32 s3, s1;
	s14 =	sor.u32 $0x30, s15;
	[sflag:s31] =	ssyncset.done $0x0  }
0x185: {  	s1 =	sor.u32 s14, s19;
	[sflag:s31] =	ssyncadd.s32 $0xFFFFB800  }
0x186: {  	s18 =	sor.u32 $0x10, s15;
	s3 =	sor.u32 s15, s19;
	v4 =	vld [tilespmem:s1+$0x800]  }
0x187: {  	s8 =	sor.u32 s18, s19;
	v3 =	vld [tilespmem:s3+$0x800]  }
0x188: {  	v1 =	vld [tilespmem:s8+$0x800]  }
0x189: {  	s16 =	sor.u32 $0x20, s15  }
0x18a: {  	s9 =	sor.u32 s16, s19  }
0x18b: {  	v2 =	vld [tilespmem:s9+$0x800];
	_ =	sdelay $0x2  }
0x18c: {  	v0 =	vld.idx.msk [tilespmem:v4+s4+$0x0], $0xffff  }
0x18d: {  	v6 =	vadd.s32 $0x80, v4;
	v5 =	vld.idx.msk [tilespmem:v3+s4+$0x0], $0xffff  }
0x18e: {  	v7 =	vadd.s32 $0x80, v3;
	v8 =	vld.idx.msk [tilespmem:v1+s4+$0x0], $0xffff  }
0x18f: {  	v9 =	vadd.s32 $0x80, v1;
	_ =	sdelay $0x1  }
0x190: {  	v10 =	vld.idx.msk [tilespmem:v2+s4+$0x0], $0xffff;
	[tilespmem:s1+$0x1800] =	vst v0  }
0x191: {  	v0 =	vadd.s32 $0x80, v2;
	[tilespmem:s3+$0x1800] =	vst v5;
	v5 =	vld.idx.msk [tilespmem:v6+s4+$0x0], $0xffff  }
0x192: {  	[tilespmem:s8+$0x1800] =	vst v8;
	v6 =	vld.idx.msk [tilespmem:v7+s4+$0x0], $0xffff;
	v7 =	vadd.s32 $0x100, v4  }
0x193: {  	v8 =	vadd.s32 $0x100, v3;
	v9 =	vld.idx.msk [tilespmem:v9+s4+$0x0], $0xffff  }
0x194: {  	s25 =	sor.u32 $0x2000, s19;
	v11 =	vadd.s32 $0x100, v1  }
0x195: {  	s26 =	sor.u32 s14, s25;
	[tilespmem:s9+$0x1800] =	vst v10  }
0x196: {  	s30 =	sor.u32 s15, s25;
	v0 =	vld.idx.msk [tilespmem:v0+s4+$0x0], $0xffff;
	[tilespmem:s26+$0x0] =	vst v5  }
0x197: {  	s0 =	sor.u32 s18, s25;
	v5 =	vadd.s32 $0x100, v2;
	[tilespmem:s30+$0x0] =	vst v6;
	v6 =	vld.idx.msk [tilespmem:v7+s4+$0x0], $0xffff  }
0x198: {  	[tilespmem:s0+$0x0] =	vst v9;
	v7 =	vld.idx.msk [tilespmem:v8+s4+$0x0], $0xffff;
	v8 =	vadd.s32 $0x180, v4  }
0x199: {  	v9 =	vadd.s32 $0x180, v3;
	v10 =	vld.idx.msk [tilespmem:v11+s4+$0x0], $0xffff  }
0x19a: {  	s1 =	sor.u32 s16, s25;
	s9 =	sor.u32 $0x2800, s19;
	v11 =	vadd.s32 $0x180, v1  }
0x19b: {  	s10 =	sor.u32 s14, s9;
	[tilespmem:s1+$0x0] =	vst v0  }
0x19c: {  	s11 =	sor.u32 s15, s9;
	v0 =	vld.idx.msk [tilespmem:v5+s4+$0x0], $0xffff;
	[tilespmem:s10+$0x0] =	vst v6  }
0x19d: {  	s12 =	sor.u32 s18, s9;
	v5 =	vadd.s32 $0x180, v2;
	[tilespmem:s11+$0x0] =	vst v7;
	v6 =	vld.idx.msk [tilespmem:v8+s4+$0x0], $0xffff  }
0x19e: {  	[tilespmem:s12+$0x0] =	vst v10;
	v7 =	vld.idx.msk [tilespmem:v9+s4+$0x0], $0xffff;
	v8 =	vadd.s32 $0x200, v4  }
0x19f: {  	v9 =	vadd.s32 $0x200, v3;
	v10 =	vld.idx.msk [tilespmem:v11+s4+$0x0], $0xffff  }
0x1a0: {  	s17 =	sor.u32 $0x3000, s19;
	s13 =	sor.u32 s16, s9;
	v11 =	vadd.s32 $0x200, v1  }
0x1a1: {  	s24 =	simm.s32 $0x40;
	s22 =	sor.u32 s15, s17;
	s23 =	sor.u32 s14, s17;
	[tilespmem:s13+$0x0] =	vst v0  }
0x1a2: {  	s1 =	sand.u32 $0x40, s24;
	s12 =	simm.s32 $0x200;
	s13 =	simm.s32 $0x20;
	v12 =	vld.idx.msk [tilespmem:v5+s4+$0x0], $0xffff;
	[tilespmem:s23+$0x0] =	vst v6  }
0x1a3: {  	s10 =	sor.u32 s18, s17;
	s25 =	sand.u32 $0x400, s12;
	s26 =	sand.u32 $0x380, s13;
	[tilespmem:s22+$0x0] =	vst v7;
	v6 =	vld.idx.msk [tilespmem:v8+s4+$0x0], $0xffff  }
0x1a4: {  	s9 =	sor.u32 $0x30, s1;
	s8 =	sor.u32 s26, s25;
	[tilespmem:s10+$0x0] =	vst v10;
	v7 =	vld.idx.msk [tilespmem:v9+s4+$0x0], $0xffff  }
0x1a5: {  	v10 =	vadd.s32 $0x200, v2;
	s20 =	sor.u32 s9, s8;
	v9 =	vld.idx.msk [tilespmem:v11+s4+$0x0], $0xffff  }
0x1a6: {  	s3 =	sor.u32 s16, s17;
	s10 =	sor.u32 $0x10, s1;
	v8 =	vadd.s32 $0x280, v4;
	s21 =	sor.u32 s1, s8;
	v0 =	vld [tilespmem:s20+$0x800]  }
0x1a7: {  	v13 =	vadd.s32 $0x280, v1;
	s11 =	sor.u32 $0x20, s1;
	s22 =	sor.u32 $0x3800, s19;
	s25 =	sor.u32 s10, s8;
	v5 =	vld [tilespmem:s21+$0x800]  }
0x1a8: {  	v11 =	vadd.s32 $0x280, v3;
	s26 =	sor.u32 s14, s22;
	s30 =	sor.u32 s11, s8;
	v16 =	vld [tilespmem:s25+$0x800];
	[tilespmem:s3+$0x0] =	vst v12  }
0x1a9: {  	s0 =	sor.u32 s15, s22;
	v17 =	vld [tilespmem:s30+$0x800];
	[tilespmem:s26+$0x0] =	vst v6  }
0x1aa: {  	s28 =	sor.u32 s18, s22;
	[tilespmem:s0+$0x0] =	vst v7;
	v7 =	vld.idx.msk [tilespmem:v10+s4+$0x0], $0xffff  }
0x1ab: {  	[tilespmem:s28+$0x0] =	vst v9;
	v6 =	vld.idx.msk [tilespmem:v8+s4+$0x0], $0xffff  }
0x1ac: {  	v10 =	vld.idx.msk [tilespmem:v13+s4+$0x0], $0xffff  }
0x1ad: {  	v9 =	vld.idx.msk [tilespmem:v11+s4+$0x0], $0xffff;
	v11 =	vadd.s32 $0x280, v2  }
0x1ae: {  	s17 =	sor.u32 $0x4000, s19;
	s22 =	sor.u32 s16, s22;
	v8 =	vadd.s32 $0x300, v4;
	v12 =	vld.idx.msk [tilespmem:v0+s4+$0x0], $0xffff  }
0x1af: {  	s28 =	sor.u32 s14, s17;
	v13 =	vadd.s32 $0x300, v3;
	v14 =	vld.idx.msk [tilespmem:v5+s4+$0x0], $0xffff;
	[tilespmem:s22+$0x0] =	vst v7  }
0x1b0: {  	s23 =	sor.u32 s18, s17;
	v15 =	vadd.s32 $0x80, v5;
	v18 =	vld.idx.msk [tilespmem:v16+s4+$0x0], $0xffff;
	[tilespmem:s28+$0x0] =	vst v6  }
0x1b1: {  	v7 =	vld.idx.msk [tilespmem:v17+s4+$0x0], $0xffff;
	v6 =	vadd.s32 $0x80, v0;
	s28 =	sor.u32 s15, s17;
	[tilespmem:s23+$0x0] =	vst v10  }
0x1b2: {  	v19 =	vadd.s32 $0x80, v16;
	v10 =	vld.idx.msk [tilespmem:v11+s4+$0x0], $0xffff;
	[tilespmem:s28+$0x0] =	vst v9  }
0x1b3: {  	v11 =	vadd.s32 $0x80, v17;
	v8 =	vld.idx.msk [tilespmem:v8+s4+$0x0], $0xffff;
	[tilespmem:s20+$0x1800] =	vst v12  }
0x1b4: {  	v9 =	vadd.s32 $0x380, v4;
	v12 =	vld.idx.msk [tilespmem:v13+s4+$0x0], $0xffff;
	[tilespmem:s21+$0x1800] =	vst v14  }
0x1b5: {  	v13 =	vadd.s32 $0x300, v1;
	[tilespmem:s25+$0x1800] =	vst v18;
	v15 =	vld.idx.msk [tilespmem:v15+s4+$0x0], $0xffff  }
0x1b6: {  	s3 =	sor.u32 s16, s17;
	s20 =	sor.u32 $0x4800, s19;
	v14 =	vadd.s32 $0x300, v2;
	[tilespmem:s30+$0x1800] =	vst v7;
	v6 =	vld.idx.msk [tilespmem:v6+s4+$0x0], $0xffff  }
0x1b7: {  	v18 =	vadd.s32 $0x100, v5;
	s24 =	sor.u32 s14, s20;
	v19 =	vld.idx.msk [tilespmem:v19+s4+$0x0], $0xffff;
	[tilespmem:s3+$0x0] =	vst v10  }
0x1b8: {  	s26 =	sor.u32 $0x2000, s8;
	s25 =	sor.u32 s15, s20;
	v7 =	vld.idx.msk [tilespmem:v11+s4+$0x0], $0xffff;
	v10 =	vadd.s32 $0x100, v16;
	[tilespmem:s24+$0x0] =	vst v8  }
0x1b9: {  	s0 =	sor.u32 s1, s26;
	v8 =	vadd.s32 $0x100, v0;
	v9 =	vld.idx.msk [tilespmem:v9+s4+$0x0], $0xffff;
	[tilespmem:s25+$0x0] =	vst v12  }
0x1ba: {  	v4 =	vadd.s32 $0x400, v4;
	s30 =	sor.u32 s9, s26;
	v11 =	vld.idx.msk [tilespmem:v13+s4+$0x0], $0xffff;
	[tilespmem:s0+$0x0] =	vst v15  }
0x1bb: {  	s23 =	sor.u32 s10, s26;
	v13 =	vadd.s32 $0x380, v3;
	[tilespmem:s30+$0x0] =	vst v6;
	v6 =	vld.idx.msk [tilespmem:v14+s4+$0x0], $0xffff  }
0x1bc: {  	s3 =	sor.u32 $0x5000, s19;
	v12 =	vadd.s32 $0x100, v17;
	[tilespmem:s23+$0x0] =	vst v19;
	v15 =	vld.idx.msk [tilespmem:v18+s4+$0x0], $0xffff  }
0x1bd: {  	s17 =	sor.u32 s14, s3;
	v14 =	vadd.s32 $0x380, v1;
	v19 =	vld.idx.msk [tilespmem:v10+s4+$0x0], $0xffff  }
0x1be: {  	s24 =	sor.u32 s11, s26;
	v18 =	vadd.s32 $0x180, v5;
	v8 =	vld.idx.msk [tilespmem:v8+s4+$0x0], $0xffff;
	[tilespmem:s17+$0x0] =	vst v9  }
0x1bf: {  	s25 =	sor.u32 s18, s20;
	[tilespmem:s24+$0x0] =	vst v7;
	v9 =	vadd.s32 $0x180, v0;
	v4 =	vld.idx.msk [tilespmem:v4+s4+$0x0], $0xffff  }
0x1c0: {  	s26 =	sor.u32 $0x2800, s8;
	s20 =	sor.u32 s16, s20;
	v7 =	vadd.s32 $0x380, v2;
	[tilespmem:s25+$0x0] =	vst v11;
	v23 =	vld.idx.msk [tilespmem:v13+s4+$0x0], $0xffff  }
0x1c1: {  	s0 =	sor.u32 s1, s26;
	v22 =	vld.idx.msk [tilespmem:v12+s4+$0x0], $0xffff;
	v11 =	vadd.s32 $0x180, v16;
	[tilespmem:s20+$0x0] =	vst v6  }
0x1c2: {  	v24 =	vadd.s32 $0x180, v17;
	s30 =	sor.u32 s9, s26;
	v25 =	vld.idx.msk [tilespmem:v14+s4+$0x0], $0xffff;
	[tilespmem:s0+$0x0] =	vst v15  }
0x1c3: {  	v3 =	vadd.s32 $0x400, v3;
	s17 =	sor.u32 s10, s26;
	[tilespmem:s30+$0x0] =	vst v8;
	v20 =	vld.idx.msk [tilespmem:v18+s4+$0x0], $0xffff  }
0x1c4: {  	v27 =	vadd.s32 $0x400, v1;
	s19 =	sor.u32 $0x5800, s19;
	s22 =	sor.u32 s15, s3;
	v1 =	vadd.s32 $0x400, v2;
	v10 =	vadd.s32 $0x280, v5;
	[tilespmem:s17+$0x0] =	vst v19;
	v26 =	vld.idx.msk [tilespmem:v9+s4+$0x0], $0xffff  }
0x1c5: {  	s14 =	sor.u32 s14, s19;
	s21 =	sor.u32 s11, s26;
	v2 =	vadd.s32 $0x400, v5;
	v12 =	vadd.s32 $0x280, v16;
	v18 =	vld.idx.msk [tilespmem:v7+s4+$0x0], $0xffff;
	[tilespmem:s22+$0x0] =	vst v23;
	v23 =	vadd.s32 $0x200, v0  }
0x1c6: {  	s28 =	sor.u32 s16, s3;
	s29 =	sor.u32 s15, s19;
	s24 =	sor.u32 $0x3000, s8;
	v13 =	vadd.s32 $0x200, v17;
	v15 =	vadd.s32 $0x200, v5;
	v14 =	vadd.s32 $0x200, v16;
	v21 =	vld.idx.msk [tilespmem:v11+s4+$0x0], $0xffff;
	[tilespmem:s21+$0x0] =	vst v22  }
0x1c7: {  	s15 =	simm.s32 $0x80;
	s23 =	sor.u32 s18, s3;
	s3 =	sor.u32 s11, s24;
	v6 =	vadd.s32 $0x300, v16;
	v8 =	vadd.s32 $0x300, v5;
	v7 =	vadd.s32 $0x380, v16;
	[tilespmem:s14+$0x0] =	vst v4;
	v22 =	vld.idx.msk [tilespmem:v24+s4+$0x0], $0xffff  }
0x1c8: {  	s26 =	sor.u32 s18, s19;
	s18 =	sor.u32 s1, s24;
	s30 =	sor.u32 s9, s24;
	v9 =	vadd.s32 $0x300, v17;
	v11 =	vadd.s32 $0x280, v17;
	v4 =	vadd.s32 $0x380, v5;
	v19 =	vld.idx.msk [tilespmem:v3+s4+$0x0], $0xffff;
	[tilespmem:s23+$0x0] =	vst v25  }
0x1c9: {  	s25 =	sor.u32 s16, s19;
	s19 =	sor.u32 s10, s24;
	s14 =	simm.s32 $0x4;
	v5 =	vadd.s32 $0x380, v17;
	v3 =	vadd.s32 $0x400, v16;
	v16 =	vadd.s32 $0x400, v17;
	v17 =	vld.idx.msk [tilespmem:v27+s4+$0x0], $0xffff;
	[tilespmem:s30+$0x0] =	vst v26  }
.LBB2_7:
0x1ca: {  	s16 =	sand.u32 $0x40, s15;
	[tilespmem:s18+$0x0] =	vst v20;
	v20 =	vld.idx.msk [tilespmem:v23+s4+$0x0], $0xffff;
	s12 =	sadd.s32 $0x200, s12;
	s13 =	sadd.s32 $0x20, s13  }
0x1cb: {  	s14 =	sadd.s32 $0x4, s14;
	s18 =	sand.u32 $0x400, s12;
	s20 =	sand.u32 $0x380, s13;
	v15 =	vld.idx.msk [tilespmem:v15+s4+$0x0], $0xffff;
	[tilespmem:s28+$0x0] =	vst v18  }
0x1cc: {  	p0 =	slt.u32 s14, $0x7C;
	v18 =	vadd.s32 $0x280, v0;
	s21 =	sor.u32 s20, s18;
	s18 =	sor.u32 $0x30, s16;
	[tilespmem:s19+$0x0] =	vst v21;
	v21 =	vld.idx.msk [tilespmem:v1+s4+$0x0], $0xffff;
	v1 =	vmov v16  }
0x1cd: {  	s19 =	sor.u32 $0x10, s16;
	s20 =	sor.u32 $0x20, s16;
	s22 =	sor.u32 s18, s21;
	v14 =	vld.idx.msk [tilespmem:v14+s4+$0x0], $0xffff;
	[tilespmem:s3+$0x0] =	vst v22  }
0x1ce: {  	s30 =	sor.u32 s16, s21;
	s28 =	sor.u32 s19, s21;
	s3 =	sor.u32 $0x3800, s8;
	v22 =	vld [tilespmem:s22+$0x800];
	[tilespmem:s29+$0x0] =	vst v19  }
0x1cf: {  	s29 =	sor.u32 s20, s21;
	s23 =	sor.u32 s1, s3;
	s24 =	sor.u32 s9, s3;
	v16 =	vld [tilespmem:s30+$0x800];
	[tilespmem:s26+$0x0] =	vst v17  }
0x1d0: {  	s26 =	sor.u32 s10, s3;
	s3 =	sor.u32 s11, s3;
	v23 =	vld [tilespmem:s28+$0x800];
	[tilespmem:s24+$0x0] =	vst v20  }
0x1d1: {  	[tilespmem:s23+$0x0] =	vst v15;
	v20 =	vld.idx.msk [tilespmem:v18+s4+$0x0], $0xffff  }
0x1d2: {  	v24 =	vld [tilespmem:s29+$0x800];
	[tilespmem:s25+$0x0] =	vst v21  }
0x1d3: {  	v25 =	vadd.s32 $0x300, v0;
	[tilespmem:s26+$0x0] =	vst v14;
	v21 =	vld.idx.msk [tilespmem:v13+s4+$0x0], $0xffff  }
0x1d4: {  	v26 =	vadd.s32 $0x80, v16;
	v27 =	vadd.s32 $0x100, v16;
	v18 =	vadd.s32 $0x180, v16;
	v28 =	vld.idx.msk [tilespmem:v10+s4+$0x0], $0xffff  }
0x1d5: {  	s23 =	sor.u32 $0x4000, s8;
	v29 =	vadd.s32 $0x80, v23;
	v30 =	vadd.s32 $0x100, v23;
	v17 =	vadd.s32 $0x180, v23;
	v31 =	vld.idx.msk [tilespmem:v12+s4+$0x0], $0xffff  }
0x1d6: {  	s24 =	sor.u32 s1, s23;
	s25 =	sor.u32 s10, s23;
	s26 =	sor.u32 s9, s23;
	v15 =	vadd.s32 $0x200, v16;
	v10 =	vadd.s32 $0x280, v16;
	v14 =	vadd.s32 $0x200, v23;
	v32 =	vld.idx.msk [tilespmem:v22+s4+$0x0], $0xffff  }
0x1d7: {  	s23 =	sor.u32 s11, s23;
	v33 =	vld.idx.msk [tilespmem:v16+s4+$0x0], $0xffff;
	v34 =	vadd.s32 $0x80, v24;
	v35 =	vadd.s32 $0x100, v24;
	v19 =	vadd.s32 $0x180, v24;
	[tilespmem:s26+$0x0] =	vst v20  }
0x1d8: {  	v12 =	vadd.s32 $0x280, v23;
	v13 =	vadd.s32 $0x200, v24;
	v20 =	vadd.s32 $0x80, v22;
	v25 =	vld.idx.msk [tilespmem:v25+s4+$0x0], $0xffff  }
0x1d9: {  	v36 =	vadd.s32 $0x300, v16;
	v38 =	vadd.s32 $0x300, v23;
	v39 =	vadd.s32 $0x280, v24;
	v37 =	vld.idx.msk [tilespmem:v23+s4+$0x0], $0xffff;
	[tilespmem:s3+$0x0] =	vst v21  }
0x1da: {  	v41 =	vadd.s32 $0x300, v24;
	v21 =	vadd.s32 $0x380, v16;
	v40 =	vld.idx.msk [tilespmem:v24+s4+$0x0], $0xffff;
	[tilespmem:s24+$0x0] =	vst v28;
	v28 =	vadd.s32 $0x380, v0  }
0x1db: {  	v42 =	vadd.s32 $0x400, v16;
	v43 =	vadd.s32 $0x380, v23;
	v44 =	vadd.s32 $0x380, v24;
	[tilespmem:s25+$0x0] =	vst v31;
	v31 =	vld.idx.msk [tilespmem:v11+s4+$0x0], $0xffff;
	v11 =	vmovc v39  }
0x1dc: {  	v16 =	vadd.s32 $0x400, v24;
	s3 =	sor.u32 $0x4800, s8;
	v39 =	vadd.s32 $0x400, v23;
	[tilespmem:s22+$0x1800] =	vst v32;
	v23 =	vld.idx.msk [tilespmem:v8+s4+$0x0], $0xffff;
	v8 =	vmov v36  }
0x1dd: {  	s24 =	sor.u32 s10, s3;
	s25 =	sor.u32 s9, s3;
	s22 =	sor.u32 s1, s3;
	[tilespmem:s30+$0x1800] =	vst v33;
	v20 =	vld.idx.msk [tilespmem:v20+s4+$0x0], $0xffff  }
0x1de: {  	s3 =	sor.u32 s11, s3;
	v24 =	vld.idx.msk [tilespmem:v26+s4+$0x0], $0xffff;
	[tilespmem:s25+$0x0] =	vst v25  }
0x1df: {  	v25 =	vadd.s32 $0x100, v22;
	[tilespmem:s28+$0x1800] =	vst v37;
	v26 =	vld.idx.msk [tilespmem:v28+s4+$0x0], $0xffff  }
0x1e0: {  	v28 =	vld.idx.msk [tilespmem:v29+s4+$0x0], $0xffff;
	[tilespmem:s29+$0x1800] =	vst v40  }
0x1e1: {  	s25 =	sor.u32 $0x2000, s21;
	v29 =	vld.idx.msk [tilespmem:v34+s4+$0x0], $0xffff;
	[tilespmem:s23+$0x0] =	vst v31;
	v31 =	vadd.s32 $0x400, v0;
	v0 =	vmov v22  }
0x1e2: {  	s26 =	sor.u32 s19, s25;
	s28 =	sor.u32 s18, s25;
	s23 =	sor.u32 s16, s25;
	[tilespmem:s22+$0x0] =	vst v23;
	v22 =	vld.idx.msk [tilespmem:v6+s4+$0x0], $0xffff;
	v6 =	vmov v38  }
0x1e3: {  	s22 =	sor.u32 s20, s25;
	s25 =	sor.u32 $0x5000, s8;
	[tilespmem:s28+$0x0] =	vst v20;
	v20 =	vld.idx.msk [tilespmem:v9+s4+$0x0], $0xffff;
	v9 =	vmov v41  }
0x1e4: {  	s30 =	sor.u32 s10, s25;
	s29 =	sor.u32 s9, s25;
	[tilespmem:s23+$0x0] =	vst v24;
	v23 =	vld.idx.msk [tilespmem:v25+s4+$0x0], $0xffff;
	s23 =	sor.u32 s1, s25  }
0x1e5: {  	s28 =	sor.u32 s11, s25;
	v24 =	vld.idx.msk [tilespmem:v27+s4+$0x0], $0xffff;
	[tilespmem:s29+$0x0] =	vst v26  }
0x1e6: {  	v25 =	vadd.s32 $0x180, v0;
	[tilespmem:s26+$0x0] =	vst v28;
	v26 =	vld.idx.msk [tilespmem:v31+s4+$0x0], $0xffff  }
0x1e7: {  	v27 =	vld.idx.msk [tilespmem:v30+s4+$0x0], $0xffff;
	[tilespmem:s22+$0x0] =	vst v29  }
0x1e8: {  	s22 =	sor.u32 $0x2800, s21;
	v28 =	vld.idx.msk [tilespmem:v35+s4+$0x0], $0xffff;
	[tilespmem:s24+$0x0] =	vst v22  }
0x1e9: {  	s24 =	sor.u32 s16, s22;
	s0 =	sor.u32 s19, s22;
	s25 =	sor.u32 s18, s22;
	v29 =	vld.idx.msk [tilespmem:v4+s4+$0x0], $0xffff;
	[tilespmem:s3+$0x0] =	vst v20;
	v4 =	vmov v21  }
0x1ea: {  	s3 =	sor.u32 s20, s22;
	s22 =	sor.u32 $0x5800, s8;
	s8 =	smov.u32 s21;
	[tilespmem:s25+$0x0] =	vst v23;
	v30 =	vld.idx.msk [tilespmem:v7+s4+$0x0], $0xffff;
	v7 =	vmov v43  }
0x1eb: {  	s29 =	sor.u32 s1, s22;
	s26 =	sor.u32 s10, s22;
	s1 =	sor.u32 s9, s22;
	[tilespmem:s24+$0x0] =	vst v24;
	v24 =	vld.idx.msk [tilespmem:v25+s4+$0x0], $0xffff  }
0x1ec: {  	s25 =	sor.u32 s11, s22;
	s9 =	smov.u32 s18;
	v20 =	vld.idx.msk [tilespmem:v18+s4+$0x0], $0xffff;
	[tilespmem:s1+$0x0] =	vst v26;
	s1 =	smov.u32 s16  }
.Ltmp4:
0x1ed: {  	v23 =	vadd.s32 $0x200, v0;
	s10 =	smov.u32 s19;
	s11 =	smov.u32 s20;
	[tilespmem:s0+$0x0] =	vst v27;
	v18 =	vld.idx.msk [tilespmem:v5+s4+$0x0], $0xffff;
	v5 =	vmov v44;
	(pc) =	sbr.rel @p0 .LBB2_7-.Ltmp4, $4  }
0x1ee: {  	v21 =	vld.idx.msk [tilespmem:v17+s4+$0x0], $0xffff;
	[tilespmem:s3+$0x0] =	vst v28  }
0x1ef: {  	s0 =	sor.u32 $0x3000, s8;
	v22 =	vld.idx.msk [tilespmem:v19+s4+$0x0], $0xffff;
	[tilespmem:s23+$0x0] =	vst v29  }
0x1f0: {  	s18 =	sor.u32 s1, s0;
	s19 =	sor.u32 s10, s0;
	s16 =	sor.u32 s9, s0;
	v19 =	vld.idx.msk [tilespmem:v2+s4+$0x0], $0xffff;
	[tilespmem:s30+$0x0] =	vst v30;
	v2 =	vmov v42  }
0x1f1: {  	s15 =	sadd.s32 $0x40, s15;
	s3 =	sor.u32 s11, s0;
	[tilespmem:s16+$0x0] =	vst v24;
	v17 =	vld.idx.msk [tilespmem:v3+s4+$0x0], $0xffff;
	v3 =	vmov v39  }
0x1f2: {  	_ =	sdelay $0x3  }
0x1f3: {  	[tilespmem:s18+$0x0] =	vst v20;
	v20 =	vld.idx.msk [tilespmem:v23+s4+$0x0], $0xffff  }
0x1f4: {  	v15 =	vld.idx.msk [tilespmem:v15+s4+$0x0], $0xffff;
	[tilespmem:s19+$0x0] =	vst v21;
	v21 =	vadd.s32 $0x280, v0  }
0x1f5: {  	v14 =	vld.idx.msk [tilespmem:v14+s4+$0x0], $0xffff  }
0x1f6: {  	s0 =	sor.u32 $0x3800, s8  }
0x1f7: {  	s19 =	sor.u32 s9, s0;
	[tilespmem:s3+$0x0] =	vst v22  }
0x1f8: {  	s12 =	sor.u32 s1, s0;
	v13 =	vld.idx.msk [tilespmem:v13+s4+$0x0], $0xffff;
	[tilespmem:s19+$0x0] =	vst v20  }
0x1f9: {  	s20 =	sor.u32 s10, s0;
	[tilespmem:s12+$0x0] =	vst v15;
	v15 =	vld.idx.msk [tilespmem:v21+s4+$0x0], $0xffff  }
0x1fa: {  	[tilespmem:s20+$0x0] =	vst v14;
	v14 =	vadd.s32 $0x300, v0;
	v10 =	vld.idx.msk [tilespmem:v10+s4+$0x0], $0xffff;
	_ =	sdelay $0x1  }
0x1fb: {  	s21 =	sor.u32 $0x4000, s8;
	s0 =	sor.u32 s11, s0  }
0x1fc: {  	s22 =	sor.u32 s9, s21;
	v12 =	vld.idx.msk [tilespmem:v12+s4+$0x0], $0xffff;
	[tilespmem:s0+$0x0] =	vst v13  }
0x1fd: {  	s23 =	sor.u32 s1, s21;
	v11 =	vld.idx.msk [tilespmem:v11+s4+$0x0], $0xffff;
	[tilespmem:s22+$0x0] =	vst v15  }
0x1fe: {  	v13 =	vld.idx.msk [tilespmem:v14+s4+$0x0], $0xffff;
	[tilespmem:s23+$0x0] =	vst v10  }
0x1ff: {  	v10 =	vadd.s32 $0x380, v0;
	v8 =	vld.idx.msk [tilespmem:v8+s4+$0x0], $0xffff  }
0x200: {  	s24 =	sor.u32 s10, s21  }
0x201: {  	s13 =	sor.u32 $0x4800, s8;
	s0 =	sor.u32 s11, s21;
	[tilespmem:s24+$0x0] =	vst v12  }
0x202: {  	s14 =	sor.u32 s9, s13;
	[tilespmem:s0+$0x0] =	vst v11;
	v6 =	vld.idx.msk [tilespmem:v6+s4+$0x0], $0xffff  }
0x203: {  	s15 =	sor.u32 s1, s13;
	v9 =	vld.idx.msk [tilespmem:v9+s4+$0x0], $0xffff;
	[tilespmem:s14+$0x0] =	vst v13  }
0x204: {  	v10 =	vld.idx.msk [tilespmem:v10+s4+$0x0], $0xffff;
	[tilespmem:s15+$0x0] =	vst v8  }
0x205: {  	[tilespmem:s28+$0x0] =	vst v18;
	v0 =	vadd.s32 $0x400, v0;
	v4 =	vld.idx.msk [tilespmem:v4+s4+$0x0], $0xffff  }
0x206: {  	s16 =	sor.u32 s10, s13;
	[tilespmem:s29+$0x0] =	vst v19  }
0x207: {  	s17 =	sor.u32 $0x5000, s8;
	v1 =	vld.idx.msk [tilespmem:v1+s4+$0x0], $0xffff;
	s0 =	sor.u32 s11, s13;
	[tilespmem:s16+$0x0] =	vst v6  }
0x208: {  	s18 =	sor.u32 s9, s17;
	[tilespmem:s0+$0x0] =	vst v9;
	v6 =	vld.idx.msk [tilespmem:v7+s4+$0x0], $0xffff  }
0x209: {  	s19 =	sor.u32 s1, s17;
	v5 =	vld.idx.msk [tilespmem:v5+s4+$0x0], $0xffff;
	[tilespmem:s18+$0x0] =	vst v10  }
0x20a: {  	v0 =	vld.idx.msk [tilespmem:v0+s4+$0x0], $0xffff;
	[tilespmem:s19+$0x0] =	vst v4  }
0x20b: {  	[tilespmem:s26+$0x0] =	vst v17;
	v2 =	vld.idx.msk [tilespmem:v2+s4+$0x0], $0xffff  }
0x20c: {  	[tilespmem:s25+$0x0] =	vst v1;
	s20 =	sor.u32 s10, s17  }
0x20d: {  	s21 =	sor.u32 $0x5800, s8;
	s0 =	sor.u32 s11, s17;
	[tilespmem:s20+$0x0] =	vst v6  }
0x20e: {  	s22 =	sor.u32 s9, s21;
	v3 =	vld.idx.msk [tilespmem:v3+s4+$0x0], $0xffff;
	[tilespmem:s0+$0x0] =	vst v5  }
0x20f: {  	s24 =	sor.u32 s1, s21;
	v4 =	vld.idx.msk [tilespmem:v16+s4+$0x0], $0xffff;
	[tilespmem:s22+$0x0] =	vst v0  }
0x210: {  	s23 =	sshll.u32 s7, $0x11;
	[tilespmem:s24+$0x0] =	vst v2  }
0x211: {  	s1 =	sadd.s32 $0x20000, s23;
	s26 =	rddreg [dreg:$0x17]  }
0x212: {  	s25 =	sor.u32 s10, s21;
	s8 =	sor.u32 s26, s1  }
0x213: {  	s0 =	sor.u32 s11, s21;
	[tilespmem:s25+$0x0] =	vst v3;
	s9 =	sshrl.u32 s8, $0x3  }
0x214: {  	s11 =	simm.s32 $0x1800;
	[tilespmem:s0+$0x0] =	vst v4;
	s10 =	sadd.s32 s6, s9  }
0x215: {  	[hbm4b:s10+s4] =	stream.linear.scatter [tilespmem:s11], [sflag:$0x3], $0x800, $0x38;
	[tilespmem:$0xA800] =	vst v63  }
0x216: {  	s13 =	simm.s32 $0x2000;
	s12 =	sadd.s32 $0x64000, s10  }
0x217: {  	[hbm4b:s12+s4] =	stream.linear.scatter [tilespmem:s13], [sflag:$0x3], $0x800, $0x38;
	[tilespmem:$0xA800] =	vst v63  }
0x218: {  	s15 =	simm.s32 $0x2800;
	s14 =	sadd.s32 $0xC8000, s10  }
0x219: {  	[hbm4b:s14+s4] =	stream.linear.scatter [tilespmem:s15], [sflag:$0x3], $0x800, $0x38;
	[tilespmem:$0xA800] =	vst v63  }
0x21a: {  	s18 =	simm.s32 $0x3000;
	s16 =	sadd.s32 $0x12C000, s10  }
0x21b: {  	[hbm4b:s16+s4] =	stream.linear.scatter [tilespmem:s18], [sflag:$0x3], $0x800, $0x38;
	[tilespmem:$0xA800] =	vst v63  }
0x21c: {  	s20 =	simm.s32 $0x3800;
	s19 =	sadd.s32 $0x190000, s10  }
0x21d: {  	[hbm4b:s19+s4] =	stream.linear.scatter [tilespmem:s20], [sflag:$0x3], $0x800, $0x38;
	[tilespmem:$0xA800] =	vst v63  }
0x21e: {  	s22 =	simm.s32 $0x4000;
	s21 =	sadd.s32 $0x1F4000, s10  }
0x21f: {  	[hbm4b:s21+s4] =	stream.linear.scatter [tilespmem:s22], [sflag:$0x3], $0x800, $0x38;
	[tilespmem:$0xA800] =	vst v63  }
0x220: {  	s24 =	simm.s32 $0x4800;
	s23 =	sadd.s32 $0x258000, s10  }
0x221: {  	[hbm4b:s23+s4] =	stream.linear.scatter [tilespmem:s24], [sflag:$0x3], $0x800, $0x38;
	[tilespmem:$0xA800] =	vst v63  }
0x222: {  	p0 =	seq.s32 s7, $0x17;
	s26 =	simm.s32 $0x5000;
	s25 =	sadd.s32 $0x2BC000, s10  }
0x223: {  	[hbm4b:s25+s4] =	stream.linear.scatter [tilespmem:s26], [sflag:$0x3], $0x800, $0x38;
	[tilespmem:$0xA800] =	vst v63  }
0x224: {  	s17 =	smov.u32 s6;
	s6 =	simm.s32 $0x5800;
	s0 =	sadd.s32 $0x320000, s10  }
0x225: {  	[hbm4b:s0+s4] =	stream.linear.scatter [tilespmem:s6], [sflag:$0x3], $0x800, $0x38;
	[tilespmem:$0xA800] =	vst v63  }
0x226: {  	s3 =	rddreg [dreg:$0x16];
	s0 =	sshll.u32 @!p0 s7, $0xE  }
0x227: {  	s8 =	simm.s32 @!p0 $0x800;
	s0 =	sadd.s32 @!p0 s0, s3;
	s3 =	simm.s32 @!p0 $0x0  }
0x228: {  	[tilespmem:s8], [sflag:$0x1] =	stream.linear.gather @!p0 [hbm4b:s0+s3], $0x800, $0x38;
	[tilespmem:$0xA800] =	vst v63  }
0x229: {  	s8 =	simm.s32 $0x2  }
0x22a: {  	_ =	swait.ge [sflag:s8], $0x800  }
0x22b: {  	s9 =	simm.s32 $0x0;
	[sflag:s8] =	ssyncset.done $0x0  }
0x22c: {  	s10 =	sand.u32 $0x400, s9;
	[sflag:s8] =	ssyncadd.s32 $0xFFFFF800  }
0x22d: {  	s16 =	sand.u32 $0x40, s9;
	s0 =	sand.u32 $0x380, s9;
	_ =	swait.ge [sflag:s5], $0x4800  }
0x22e: {  	s15 =	sor.u32 $0x30, s16;
	s20 =	sor.u32 s0, s10;
	[sflag:s5] =	ssyncset.done $0x0  }
0x22f: {  	s0 =	sor.u32 s15, s20;
	[sflag:s5] =	ssyncadd.s32 $0xFFFFB800  }
0x230: {  	s19 =	sor.u32 $0x10, s16;
	s3 =	sor.u32 s16, s20;
	v4 =	vld [tilespmem:s0+$0x1000]  }
0x231: {  	s11 =	sor.u32 s19, s20;
	v3 =	vld [tilespmem:s3+$0x1000]  }
0x232: {  	v1 =	vld [tilespmem:s11+$0x1000]  }
0x233: {  	s18 =	sor.u32 $0x20, s16  }
0x234: {  	s12 =	sor.u32 s18, s20  }
0x235: {  	v2 =	vld [tilespmem:s12+$0x1000];
	_ =	sdelay $0x2  }
0x236: {  	v0 =	vld.idx.msk [tilespmem:v4+s4+$0x0], $0xffff  }
0x237: {  	v6 =	vadd.s32 $0x80, v4;
	v5 =	vld.idx.msk [tilespmem:v3+s4+$0x0], $0xffff  }
0x238: {  	v7 =	vadd.s32 $0x80, v3;
	v8 =	vld.idx.msk [tilespmem:v1+s4+$0x0], $0xffff  }
0x239: {  	v9 =	vadd.s32 $0x80, v1;
	_ =	sdelay $0x1  }
0x23a: {  	v10 =	vld.idx.msk [tilespmem:v2+s4+$0x0], $0xffff;
	[tilespmem:s0+$0x6000] =	vst v0  }
0x23b: {  	v0 =	vadd.s32 $0x80, v2;
	[tilespmem:s3+$0x6000] =	vst v5;
	v5 =	vld.idx.msk [tilespmem:v6+s4+$0x0], $0xffff  }
0x23c: {  	[tilespmem:s11+$0x6000] =	vst v8;
	v6 =	vld.idx.msk [tilespmem:v7+s4+$0x0], $0xffff;
	v7 =	vadd.s32 $0x100, v4  }
0x23d: {  	v8 =	vadd.s32 $0x100, v3;
	v9 =	vld.idx.msk [tilespmem:v9+s4+$0x0], $0xffff  }
0x23e: {  	s13 =	sor.u32 $0x6800, s20;
	v11 =	vadd.s32 $0x100, v1  }
0x23f: {  	s14 =	sor.u32 s15, s13;
	[tilespmem:s12+$0x6000] =	vst v10  }
0x240: {  	s21 =	sor.u32 s16, s13;
	v0 =	vld.idx.msk [tilespmem:v0+s4+$0x0], $0xffff;
	[tilespmem:s14+$0x0] =	vst v5  }
0x241: {  	s22 =	sor.u32 s19, s13;
	v5 =	vadd.s32 $0x100, v2;
	[tilespmem:s21+$0x0] =	vst v6;
	v6 =	vld.idx.msk [tilespmem:v7+s4+$0x0], $0xffff  }
0x242: {  	[tilespmem:s22+$0x0] =	vst v9;
	v7 =	vld.idx.msk [tilespmem:v8+s4+$0x0], $0xffff;
	v8 =	vadd.s32 $0x180, v4  }
0x243: {  	v9 =	vadd.s32 $0x180, v3;
	v10 =	vld.idx.msk [tilespmem:v11+s4+$0x0], $0xffff  }
0x244: {  	s23 =	sor.u32 $0x7000, s20;
	s0 =	sor.u32 s18, s13;
	v11 =	vadd.s32 $0x180, v1  }
0x245: {  	s24 =	sor.u32 s15, s23;
	[tilespmem:s0+$0x0] =	vst v0  }
0x246: {  	s25 =	sor.u32 s16, s23;
	v0 =	vld.idx.msk [tilespmem:v5+s4+$0x0], $0xffff;
	[tilespmem:s24+$0x0] =	vst v6  }
0x247: {  	s26 =	sor.u32 s19, s23;
	s3 =	sor.u32 s18, s23;
	[tilespmem:s25+$0x0] =	vst v7;
	v6 =	vld.idx.msk [tilespmem:v8+s4+$0x0], $0xffff  }
0x248: {  	s13 =	simm.s32 $0x200;
	s22 =	simm.s32 $0x40;
	s14 =	simm.s32 $0x20;
	v5 =	vadd.s32 $0x180, v2;
	[tilespmem:s26+$0x0] =	vst v10;
	v7 =	vld.idx.msk [tilespmem:v9+s4+$0x0], $0xffff  }
0x249: {  	s23 =	sand.u32 $0x400, s13;
	s8 =	sand.u32 $0x40, s22;
	s24 =	sand.u32 $0x380, s14;
	v9 =	vadd.s32 $0x200, v3;
	v10 =	vld.idx.msk [tilespmem:v11+s4+$0x0], $0xffff  }
0x24a: {  	s6 =	sor.u32 $0x7800, s20;
	s10 =	sor.u32 $0x30, s8;
	v8 =	vadd.s32 $0x200, v4;
	s9 =	sor.u32 s24, s23  }
0x24b: {  	s21 =	sor.u32 s15, s6;
	v11 =	vadd.s32 $0x200, v1;
	s0 =	sor.u32 s10, s9;
	[tilespmem:s3+$0x0] =	vst v0  }
0x24c: {  	s11 =	sor.u32 s16, s6;
	v0 =	vld [tilespmem:s0+$0x1000];
	[tilespmem:s21+$0x0] =	vst v6  }
0x24d: {  	s12 =	sor.u32 s19, s6;
	v12 =	vld.idx.msk [tilespmem:v5+s4+$0x0], $0xffff;
	[tilespmem:s11+$0x0] =	vst v7  }
0x24e: {  	[tilespmem:s12+$0x0] =	vst v10;
	v10 =	vadd.s32 $0x200, v2;
	v7 =	vld.idx.msk [tilespmem:v9+s4+$0x0], $0xffff  }
0x24f: {  	v6 =	vld.idx.msk [tilespmem:v8+s4+$0x0], $0xffff  }
0x250: {  	s11 =	sor.u32 $0x10, s8;
	s21 =	sor.u32 s8, s9;
	v8 =	vadd.s32 $0x280, v4;
	v9 =	vld.idx.msk [tilespmem:v11+s4+$0x0], $0xffff  }
0x251: {  	s22 =	sor.u32 $0x8000, s20;
	s3 =	sor.u32 s18, s6;
	s23 =	sor.u32 s11, s9;
	v5 =	vld [tilespmem:s21+$0x1000]  }
0x252: {  	s25 =	sor.u32 s16, s22;
	v11 =	vadd.s32 $0x280, v3;
	v16 =	vld [tilespmem:s23+$0x1000];
	[tilespmem:s3+$0x0] =	vst v12  }
0x253: {  	v13 =	vadd.s32 $0x280, v1;
	s24 =	sor.u32 s15, s22;
	[tilespmem:s25+$0x0] =	vst v7;
	v7 =	vld.idx.msk [tilespmem:v10+s4+$0x0], $0xffff  }
0x254: {  	s12 =	sor.u32 $0x20, s8;
	[tilespmem:s24+$0x0] =	vst v6;
	v12 =	vld.idx.msk [tilespmem:v0+s4+$0x0], $0xffff  }
0x255: {  	s24 =	sor.u32 s12, s9;
	v6 =	vld.idx.msk [tilespmem:v8+s4+$0x0], $0xffff  }
0x256: {  	s26 =	sor.u32 s19, s22;
	v17 =	vld [tilespmem:s24+$0x1000]  }
0x257: {  	[tilespmem:s26+$0x0] =	vst v9;
	v9 =	vld.idx.msk [tilespmem:v11+s4+$0x0], $0xffff;
	v11 =	vadd.s32 $0x280, v2  }
0x258: {  	v8 =	vadd.s32 $0x300, v4;
	v10 =	vld.idx.msk [tilespmem:v13+s4+$0x0], $0xffff  }
0x259: {  	s22 =	sor.u32 s18, s22  }
0x25a: {  	v14 =	vadd.s32 $0x80, v0;
	s3 =	sor.u32 $0x8800, s20;
	v13 =	vld.idx.msk [tilespmem:v5+s4+$0x0], $0xffff;
	[tilespmem:s22+$0x0] =	vst v7  }
0x25b: {  	s6 =	sor.u32 s15, s3;
	v15 =	vadd.s32 $0x80, v5;
	v7 =	vld.idx.msk [tilespmem:v16+s4+$0x0], $0xffff;
	[tilespmem:s0+$0x6000] =	vst v12  }
0x25c: {  	[tilespmem:s6+$0x0] =	vst v6;
	v6 =	vadd.s32 $0x300, v3;
	s6 =	sor.u32 s19, s3;
	v11 =	vld.idx.msk [tilespmem:v11+s4+$0x0], $0xffff  }
0x25d: {  	s26 =	sor.u32 s16, s3;
	v8 =	vld.idx.msk [tilespmem:v8+s4+$0x0], $0xffff;
	[tilespmem:s6+$0x0] =	vst v10;
	v10 =	vadd.s32 $0x80, v16  }
0x25e: {  	v18 =	vadd.s32 $0x380, v4;
	[tilespmem:s26+$0x0] =	vst v9;
	v9 =	vld.idx.msk [tilespmem:v17+s4+$0x0], $0xffff  }
0x25f: {  	v19 =	vadd.s32 $0x80, v17;
	[tilespmem:s21+$0x6000] =	vst v13;
	v13 =	vld.idx.msk [tilespmem:v14+s4+$0x0], $0xffff  }
0x260: {  	s0 =	sor.u32 $0x9000, s20;
	s3 =	sor.u32 s18, s3;
	v14 =	vld.idx.msk [tilespmem:v15+s4+$0x0], $0xffff;
	[tilespmem:s23+$0x6000] =	vst v7;
	v7 =	vadd.s32 $0x100, v0  }
0x261: {  	v12 =	vadd.s32 $0x300, v1;
	s22 =	sor.u32 s15, s0;
	v6 =	vld.idx.msk [tilespmem:v6+s4+$0x0], $0xffff;
	[tilespmem:s3+$0x0] =	vst v11  }
0x262: {  	s26 =	sor.u32 $0x6800, s9;
	[tilespmem:s22+$0x0] =	vst v8;
	v8 =	vadd.s32 $0x300, v2;
	v10 =	vld.idx.msk [tilespmem:v10+s4+$0x0], $0xffff  }
0x263: {  	s6 =	sor.u32 s10, s26;
	v15 =	vld.idx.msk [tilespmem:v18+s4+$0x0], $0xffff;
	v18 =	vadd.s32 $0x100, v5;
	[tilespmem:s24+$0x6000] =	vst v9  }
0x264: {  	s23 =	sor.u32 s8, s26;
	v11 =	vadd.s32 $0x100, v16;
	[tilespmem:s6+$0x0] =	vst v13;
	v9 =	vld.idx.msk [tilespmem:v19+s4+$0x0], $0xffff  }
0x265: {  	s25 =	sor.u32 s16, s0;
	v13 =	vadd.s32 $0x380, v3;
	[tilespmem:s23+$0x0] =	vst v14;
	v7 =	vld.idx.msk [tilespmem:v7+s4+$0x0], $0xffff  }
0x266: {  	v4 =	vadd.s32 $0x400, v4;
	s3 =	sor.u32 $0x9800, s20;
	[tilespmem:s25+$0x0] =	vst v6;
	v6 =	vld.idx.msk [tilespmem:v12+s4+$0x0], $0xffff;
	s25 =	sor.u32 s11, s26  }
0x267: {  	s24 =	sor.u32 s15, s3;
	v12 =	vadd.s32 $0x100, v17;
	v8 =	vld.idx.msk [tilespmem:v8+s4+$0x0], $0xffff;
	[tilespmem:s25+$0x0] =	vst v10  }
0x268: {  	v14 =	vadd.s32 $0x380, v1;
	[tilespmem:s24+$0x0] =	vst v15;
	v15 =	vld.idx.msk [tilespmem:v18+s4+$0x0], $0xffff  }
0x269: {  	s22 =	sor.u32 s12, s26;
	s6 =	sor.u32 $0x7000, s9;
	v10 =	vadd.s32 $0x180, v0;
	v11 =	vld.idx.msk [tilespmem:v11+s4+$0x0], $0xffff  }
0x26a: {  	s23 =	sor.u32 s10, s6;
	v18 =	vadd.s32 $0x180, v5;
	v23 =	vld.idx.msk [tilespmem:v13+s4+$0x0], $0xffff;
	[tilespmem:s22+$0x0] =	vst v9  }
0x26b: {  	v21 =	vadd.s32 $0x180, v16;
	s26 =	sor.u32 s19, s0;
	v4 =	vld.idx.msk [tilespmem:v4+s4+$0x0], $0xffff;
	[tilespmem:s23+$0x0] =	vst v7  }
0x26c: {  	s0 =	sor.u32 s18, s0;
	v9 =	vadd.s32 $0x380, v2;
	v19 =	vld.idx.msk [tilespmem:v12+s4+$0x0], $0xffff;
	[tilespmem:s26+$0x0] =	vst v6  }
0x26d: {  	v3 =	vadd.s32 $0x400, v3;
	s24 =	sor.u32 s8, s6;
	[tilespmem:s0+$0x0] =	vst v8;
	v24 =	vld.idx.msk [tilespmem:v14+s4+$0x0], $0xffff  }
0x26e: {  	v22 =	vadd.s32 $0x180, v17;
	s26 =	sor.u32 s11, s6;
	v25 =	vld.idx.msk [tilespmem:v10+s4+$0x0], $0xffff;
	[tilespmem:s24+$0x0] =	vst v15  }
0x26f: {  	v26 =	vadd.s32 $0x400, v1;
	s20 =	sor.u32 $0xA000, s20;
	v1 =	vadd.s32 $0x400, v2;
	v13 =	vadd.s32 $0x200, v17;
	s22 =	sor.u32 s16, s3;
	[tilespmem:s26+$0x0] =	vst v11;
	v20 =	vld.idx.msk [tilespmem:v18+s4+$0x0], $0xffff  }
0x270: {  	s29 =	sor.u32 s18, s3;
	s25 =	sor.u32 s15, s20;
	v2 =	vadd.s32 $0x400, v5;
	v7 =	vadd.s32 $0x380, v16;
	[tilespmem:s22+$0x0] =	vst v23;
	v23 =	vadd.s32 $0x200, v0;
	v21 =	vld.idx.msk [tilespmem:v21+s4+$0x0], $0xffff  }
0x271: {  	s30 =	sor.u32 s16, s20;
	s28 =	sor.u32 s19, s20;
	v12 =	vadd.s32 $0x280, v16;
	s6 =	sor.u32 s12, s6;
	v6 =	vadd.s32 $0x300, v16;
	v15 =	vadd.s32 $0x200, v5;
	[tilespmem:s25+$0x0] =	vst v4;
	v18 =	vld.idx.msk [tilespmem:v9+s4+$0x0], $0xffff  }
0x272: {  	s15 =	simm.s32 $0x4;
	s23 =	sor.u32 s19, s3;
	v10 =	vadd.s32 $0x280, v5;
	v14 =	vadd.s32 $0x200, v16;
	v8 =	vadd.s32 $0x300, v5;
	s24 =	sor.u32 $0x7800, s9;
	[tilespmem:s6+$0x0] =	vst v19;
	v19 =	vld.idx.msk [tilespmem:v3+s4+$0x0], $0xffff  }
0x273: {  	s16 =	simm.s32 $0x80;
	v11 =	vadd.s32 $0x280, v17;
	s26 =	sor.u32 s18, s20;
	v4 =	vadd.s32 $0x380, v5;
	v5 =	vadd.s32 $0x380, v17;
	s25 =	sor.u32 s10, s24;
	v22 =	vld.idx.msk [tilespmem:v22+s4+$0x0], $0xffff;
	[tilespmem:s23+$0x0] =	vst v24  }
0x274: {  	s19 =	sor.u32 s8, s24;
	s3 =	sor.u32 s11, s24;
	s22 =	sor.u32 s12, s24;
	v9 =	vadd.s32 $0x300, v17;
	v3 =	vadd.s32 $0x400, v16;
	v16 =	vadd.s32 $0x400, v17;
	[tilespmem:s25+$0x0] =	vst v25;
	v17 =	vld.idx.msk [tilespmem:v26+s4+$0x0], $0xffff  }
.LBB2_9:
0x275: {  	s18 =	sand.u32 $0x40, s16;
	[tilespmem:s19+$0x0] =	vst v20;
	v20 =	vld.idx.msk [tilespmem:v23+s4+$0x0], $0xffff;
	s13 =	sadd.s32 $0x200, s13;
	s14 =	sadd.s32 $0x20, s14  }
0x276: {  	s15 =	sadd.s32 $0x4, s15;
	s0 =	sand.u32 $0x400, s13;
	s19 =	sand.u32 $0x380, s14;
	v15 =	vld.idx.msk [tilespmem:v15+s4+$0x0], $0xffff;
	[tilespmem:s29+$0x0] =	vst v18  }
0x277: {  	p1 =	slt.u32 s15, $0x7C;
	v18 =	vadd.s32 $0x280, v0;
	s25 =	sor.u32 s19, s0;
	s19 =	sor.u32 $0x30, s18;
	[tilespmem:s3+$0x0] =	vst v21;
	v21 =	vld.idx.msk [tilespmem:v1+s4+$0x0], $0xffff;
	v1 =	vmov v16  }
0x278: {  	s20 =	sor.u32 $0x10, s18;
	s21 =	sor.u32 $0x20, s18;
	s3 =	sor.u32 s19, s25;
	v14 =	vld.idx.msk [tilespmem:v14+s4+$0x0], $0xffff;
	[tilespmem:s22+$0x0] =	vst v22  }
0x279: {  	s0 =	sor.u32 $0x8000, s9;
	s22 =	sor.u32 s18, s25;
	s29 =	sor.u32 s20, s25;
	v22 =	vld [tilespmem:s3+$0x1000];
	[tilespmem:s30+$0x0] =	vst v19  }
0x27a: {  	s23 =	sor.u32 s8, s0;
	s24 =	sor.u32 s10, s0;
	s30 =	sor.u32 s21, s25;
	v16 =	vld [tilespmem:s22+$0x1000];
	[tilespmem:s28+$0x0] =	vst v17  }
0x27b: {  	s28 =	sor.u32 s11, s0;
	s0 =	sor.u32 s12, s0;
	v23 =	vld [tilespmem:s29+$0x1000];
	[tilespmem:s24+$0x0] =	vst v20  }
0x27c: {  	[tilespmem:s23+$0x0] =	vst v15;
	v20 =	vld.idx.msk [tilespmem:v18+s4+$0x0], $0xffff  }
0x27d: {  	v24 =	vld [tilespmem:s30+$0x1000];
	[tilespmem:s26+$0x0] =	vst v21  }
0x27e: {  	v25 =	vadd.s32 $0x300, v0;
	[tilespmem:s28+$0x0] =	vst v14;
	v21 =	vld.idx.msk [tilespmem:v13+s4+$0x0], $0xffff  }
0x27f: {  	v26 =	vadd.s32 $0x80, v16;
	v27 =	vadd.s32 $0x100, v16;
	v18 =	vadd.s32 $0x180, v16;
	v28 =	vld.idx.msk [tilespmem:v10+s4+$0x0], $0xffff  }
0x280: {  	s23 =	sor.u32 $0x8800, s9;
	v29 =	vadd.s32 $0x80, v23;
	v30 =	vadd.s32 $0x100, v23;
	v17 =	vadd.s32 $0x180, v23;
	v31 =	vld.idx.msk [tilespmem:v12+s4+$0x0], $0xffff  }
0x281: {  	s24 =	sor.u32 s8, s23;
	s26 =	sor.u32 s11, s23;
	s28 =	sor.u32 s10, s23;
	v15 =	vadd.s32 $0x200, v16;
	v10 =	vadd.s32 $0x280, v16;
	v14 =	vadd.s32 $0x200, v23;
	v32 =	vld.idx.msk [tilespmem:v22+s4+$0x0], $0xffff  }
0x282: {  	s23 =	sor.u32 s12, s23;
	v33 =	vld.idx.msk [tilespmem:v16+s4+$0x0], $0xffff;
	v34 =	vadd.s32 $0x80, v24;
	v35 =	vadd.s32 $0x100, v24;
	v19 =	vadd.s32 $0x180, v24;
	[tilespmem:s28+$0x0] =	vst v20  }
0x283: {  	v12 =	vadd.s32 $0x280, v23;
	v13 =	vadd.s32 $0x200, v24;
	v20 =	vadd.s32 $0x80, v22;
	v25 =	vld.idx.msk [tilespmem:v25+s4+$0x0], $0xffff  }
0x284: {  	v36 =	vadd.s32 $0x300, v16;
	v38 =	vadd.s32 $0x300, v23;
	v39 =	vadd.s32 $0x280, v24;
	v37 =	vld.idx.msk [tilespmem:v23+s4+$0x0], $0xffff;
	[tilespmem:s0+$0x0] =	vst v21  }
0x285: {  	v41 =	vadd.s32 $0x300, v24;
	v21 =	vadd.s32 $0x380, v16;
	v40 =	vld.idx.msk [tilespmem:v24+s4+$0x0], $0xffff;
	[tilespmem:s24+$0x0] =	vst v28;
	v28 =	vadd.s32 $0x380, v0  }
0x286: {  	v42 =	vadd.s32 $0x400, v16;
	v43 =	vadd.s32 $0x380, v23;
	v44 =	vadd.s32 $0x380, v24;
	[tilespmem:s26+$0x0] =	vst v31;
	v31 =	vld.idx.msk [tilespmem:v11+s4+$0x0], $0xffff;
	v11 =	vmovc v39  }
0x287: {  	v16 =	vadd.s32 $0x400, v24;
	s0 =	sor.u32 $0x9000, s9;
	v39 =	vadd.s32 $0x400, v23;
	[tilespmem:s3+$0x6000] =	vst v32;
	v23 =	vld.idx.msk [tilespmem:v8+s4+$0x0], $0xffff;
	v8 =	vmov v36  }
0x288: {  	s24 =	sor.u32 s10, s0;
	s3 =	sor.u32 s8, s0;
	[tilespmem:s22+$0x6000] =	vst v33;
	v20 =	vld.idx.msk [tilespmem:v20+s4+$0x0], $0xffff;
	s22 =	sor.u32 s11, s0  }
0x289: {  	s0 =	sor.u32 s12, s0;
	v24 =	vld.idx.msk [tilespmem:v26+s4+$0x0], $0xffff;
	[tilespmem:s24+$0x0] =	vst v25  }
0x28a: {  	v25 =	vadd.s32 $0x100, v22;
	[tilespmem:s29+$0x6000] =	vst v37;
	v26 =	vld.idx.msk [tilespmem:v28+s4+$0x0], $0xffff  }
0x28b: {  	v28 =	vld.idx.msk [tilespmem:v29+s4+$0x0], $0xffff;
	[tilespmem:s30+$0x6000] =	vst v40  }
0x28c: {  	s24 =	sor.u32 $0x6800, s25;
	v29 =	vld.idx.msk [tilespmem:v34+s4+$0x0], $0xffff;
	[tilespmem:s23+$0x0] =	vst v31;
	v31 =	vadd.s32 $0x400, v0;
	v0 =	vmov v22  }
0x28d: {  	s26 =	sor.u32 s20, s24;
	s28 =	sor.u32 s19, s24;
	s23 =	sor.u32 s18, s24;
	[tilespmem:s3+$0x0] =	vst v23;
	v22 =	vld.idx.msk [tilespmem:v6+s4+$0x0], $0xffff;
	v6 =	vmov v38  }
0x28e: {  	s3 =	sor.u32 s21, s24;
	s24 =	sor.u32 $0x9800, s9;
	[tilespmem:s28+$0x0] =	vst v20;
	v20 =	vld.idx.msk [tilespmem:v9+s4+$0x0], $0xffff;
	v9 =	vmov v41  }
0x28f: {  	s6 =	sor.u32 s11, s24;
	s28 =	sor.u32 s10, s24;
	[tilespmem:s23+$0x0] =	vst v24;
	v23 =	vld.idx.msk [tilespmem:v25+s4+$0x0], $0xffff;
	s23 =	sor.u32 s8, s24  }
0x290: {  	s29 =	sor.u32 s12, s24;
	v24 =	vld.idx.msk [tilespmem:v27+s4+$0x0], $0xffff;
	[tilespmem:s28+$0x0] =	vst v26  }
0x291: {  	v25 =	vadd.s32 $0x180, v0;
	[tilespmem:s26+$0x0] =	vst v28;
	v26 =	vld.idx.msk [tilespmem:v31+s4+$0x0], $0xffff  }
0x292: {  	v27 =	vld.idx.msk [tilespmem:v30+s4+$0x0], $0xffff;
	[tilespmem:s3+$0x0] =	vst v29  }
0x293: {  	s3 =	sor.u32 $0x7000, s25;
	v28 =	vld.idx.msk [tilespmem:v35+s4+$0x0], $0xffff;
	[tilespmem:s22+$0x0] =	vst v22  }
0x294: {  	s22 =	sor.u32 s18, s3;
	s24 =	sor.u32 s20, s3;
	s26 =	sor.u32 s19, s3;
	v29 =	vld.idx.msk [tilespmem:v4+s4+$0x0], $0xffff;
	[tilespmem:s0+$0x0] =	vst v20;
	v4 =	vmov v21  }
0x295: {  	s0 =	sor.u32 s21, s3;
	s3 =	sor.u32 $0xA000, s9;
	s9 =	smov.u32 s25;
	[tilespmem:s26+$0x0] =	vst v23;
	v30 =	vld.idx.msk [tilespmem:v7+s4+$0x0], $0xffff;
	v7 =	vmov v43  }
0x296: {  	s30 =	sor.u32 s8, s3;
	s28 =	sor.u32 s11, s3;
	s8 =	sor.u32 s10, s3;
	[tilespmem:s22+$0x0] =	vst v24;
	v24 =	vld.idx.msk [tilespmem:v25+s4+$0x0], $0xffff  }
0x297: {  	s26 =	sor.u32 s12, s3;
	s10 =	smov.u32 s19;
	v20 =	vld.idx.msk [tilespmem:v18+s4+$0x0], $0xffff;
	[tilespmem:s8+$0x0] =	vst v26;
	s8 =	smov.u32 s18  }
.Ltmp5:
0x298: {  	v23 =	vadd.s32 $0x200, v0;
	s11 =	smov.u32 s20;
	s12 =	smov.u32 s21;
	[tilespmem:s24+$0x0] =	vst v27;
	v18 =	vld.idx.msk [tilespmem:v5+s4+$0x0], $0xffff;
	v5 =	vmov v44;
	(pc) =	sbr.rel @p1 .LBB2_9-.Ltmp5, $4  }
0x299: {  	v21 =	vld.idx.msk [tilespmem:v17+s4+$0x0], $0xffff;
	[tilespmem:s0+$0x0] =	vst v28  }
0x29a: {  	s0 =	sor.u32 $0x7800, s9;
	v22 =	vld.idx.msk [tilespmem:v19+s4+$0x0], $0xffff;
	[tilespmem:s23+$0x0] =	vst v29  }
0x29b: {  	s19 =	sor.u32 s8, s0;
	s3 =	sor.u32 s11, s0;
	s18 =	sor.u32 s10, s0;
	v19 =	vld.idx.msk [tilespmem:v2+s4+$0x0], $0xffff;
	[tilespmem:s6+$0x0] =	vst v30;
	v2 =	vmov v42  }
0x29c: {  	s16 =	sadd.s32 $0x40, s16;
	s22 =	sor.u32 s12, s0;
	[tilespmem:s18+$0x0] =	vst v24;
	v17 =	vld.idx.msk [tilespmem:v3+s4+$0x0], $0xffff;
	v3 =	vmov v39  }
0x29d: {  	_ =	sdelay $0x3  }
0x29e: {  	[tilespmem:s19+$0x0] =	vst v20;
	v56 =	vld.idx.msk [tilespmem:v23+s4+$0x0], $0xffff  }
0x29f: {  	v57 =	vadd.s32 $0x280, v0;
	v15 =	vld.idx.msk [tilespmem:v15+s4+$0x0], $0xffff;
	_ =	sdelay $0x1  }
0x2a0: {  	s0 =	sor.u32 $0x8000, s9;
	[tilespmem:s3+$0x0] =	vst v21  }
0x2a1: {  	s25 =	sor.u32 s10, s0;
	v14 =	vld.idx.msk [tilespmem:v14+s4+$0x0], $0xffff;
	[tilespmem:s22+$0x0] =	vst v22  }
0x2a2: {  	s6 =	sor.u32 s8, s0;
	v13 =	vld.idx.msk [tilespmem:v13+s4+$0x0], $0xffff;
	[tilespmem:s25+$0x0] =	vst v56  }
0x2a3: {  	[tilespmem:s6+$0x0] =	vst v15;
	v58 =	vld.idx.msk [tilespmem:v57+s4+$0x0], $0xffff  }
0x2a4: {  	v59 =	vadd.s32 $0x300, v0;
	v10 =	vld.idx.msk [tilespmem:v10+s4+$0x0], $0xffff  }
0x2a5: {  	s13 =	sor.u32 s11, s0  }
0x2a6: {  	s14 =	sor.u32 $0x8800, s9;
	s0 =	sor.u32 s12, s0;
	[tilespmem:s13+$0x0] =	vst v14  }
0x2a7: {  	s15 =	sor.u32 s10, s14;
	v12 =	vld.idx.msk [tilespmem:v12+s4+$0x0], $0xffff;
	[tilespmem:s0+$0x0] =	vst v13  }
0x2a8: {  	s16 =	sor.u32 s8, s14;
	v11 =	vld.idx.msk [tilespmem:v11+s4+$0x0], $0xffff;
	[tilespmem:s15+$0x0] =	vst v58  }
0x2a9: {  	v60 =	vld.idx.msk [tilespmem:v59+s4+$0x0], $0xffff;
	[tilespmem:s16+$0x0] =	vst v10  }
0x2aa: {  	v61 =	vadd.s32 $0x380, v0;
	v8 =	vld.idx.msk [tilespmem:v8+s4+$0x0], $0xffff  }
0x2ab: {  	s18 =	sor.u32 s11, s14  }
0x2ac: {  	s19 =	sor.u32 $0x9000, s9;
	s0 =	sor.u32 s12, s14;
	[tilespmem:s18+$0x0] =	vst v12  }
0x2ad: {  	s20 =	sor.u32 s10, s19;
	[tilespmem:s0+$0x0] =	vst v11;
	v6 =	vld.idx.msk [tilespmem:v6+s4+$0x0], $0xffff  }
0x2ae: {  	s21 =	sor.u32 s8, s19;
	v9 =	vld.idx.msk [tilespmem:v9+s4+$0x0], $0xffff;
	[tilespmem:s20+$0x0] =	vst v60  }
0x2af: {  	v10 =	vld.idx.msk [tilespmem:v61+s4+$0x0], $0xffff;
	[tilespmem:s21+$0x0] =	vst v8  }
0x2b0: {  	v62 =	vadd.s32 $0x400, v0;
	[tilespmem:s29+$0x0] =	vst v18;
	v4 =	vld.idx.msk [tilespmem:v4+s4+$0x0], $0xffff  }
0x2b1: {  	s22 =	sor.u32 s11, s19;
	[tilespmem:s30+$0x0] =	vst v19  }
0x2b2: {  	s23 =	sor.u32 $0x9800, s9;
	v1 =	vld.idx.msk [tilespmem:v1+s4+$0x0], $0xffff;
	s0 =	sor.u32 s12, s19;
	[tilespmem:s22+$0x0] =	vst v6  }
0x2b3: {  	s24 =	sor.u32 s10, s23;
	[tilespmem:s0+$0x0] =	vst v9;
	v6 =	vld.idx.msk [tilespmem:v7+s4+$0x0], $0xffff  }
0x2b4: {  	s25 =	sor.u32 s8, s23;
	v5 =	vld.idx.msk [tilespmem:v5+s4+$0x0], $0xffff;
	[tilespmem:s24+$0x0] =	vst v10  }
0x2b5: {  	v0 =	vld.idx.msk [tilespmem:v62+s4+$0x0], $0xffff;
	[tilespmem:s25+$0x0] =	vst v4  }
0x2b6: {  	[tilespmem:s28+$0x0] =	vst v17;
	v2 =	vld.idx.msk [tilespmem:v2+s4+$0x0], $0xffff  }
0x2b7: {  	s29 =	sor.u32 s11, s23;
	[tilespmem:s26+$0x0] =	vst v1  }
0x2b8: {  	s30 =	sor.u32 $0xA000, s9;
	s0 =	sor.u32 s12, s23;
	[tilespmem:s29+$0x0] =	vst v6  }
0x2b9: {  	s9 =	sor.u32 s10, s30;
	v3 =	vld.idx.msk [tilespmem:v3+s4+$0x0], $0xffff;
	[tilespmem:s0+$0x0] =	vst v5  }
0x2ba: {  	s10 =	sor.u32 s8, s30;
	v63 =	vld.idx.msk [tilespmem:v16+s4+$0x0], $0xffff;
	[tilespmem:s9+$0x0] =	vst v0  }
0x2bb: {  	[tilespmem:s10+$0x0] =	vst v2  }
0x2bc: {  	s6 =	rddreg [dreg:$0x1e]  }
0x2bd: {  	s11 =	sor.u32 s11, s30;
	s1 =	sor.u32 s6, s1  }
0x2be: {  	s0 =	sor.u32 s12, s30;
	[tilespmem:s11+$0x0] =	vst v3;
	s1 =	sshrl.u32 s1, $0x3  }
0x2bf: {  	s14 =	simm.s32 $0x6000;
	[tilespmem:s0+$0x0] =	vst v63;
	s13 =	sadd.s32 s17, s1  }
0x2c0: {  	[hbm4b:s13+s4] =	stream.linear.scatter [tilespmem:s14], [sflag:$0x4], $0x800, $0x38;
	[tilespmem:$0xA800] =	vst v63  }
0x2c1: {  	s16 =	simm.s32 $0x6800;
	s15 =	sadd.s32 $0x64000, s13  }
0x2c2: {  	[hbm4b:s15+s4] =	stream.linear.scatter [tilespmem:s16], [sflag:$0x4], $0x800, $0x38;
	[tilespmem:$0xA800] =	vst v63  }
0x2c3: {  	s18 =	simm.s32 $0x7000;
	s6 =	smov.u32 s17;
	s17 =	sadd.s32 $0xC8000, s13  }
0x2c4: {  	[hbm4b:s17+s4] =	stream.linear.scatter [tilespmem:s18], [sflag:$0x4], $0x800, $0x38;
	[tilespmem:$0xA800] =	vst v63  }
0x2c5: {  	s20 =	simm.s32 $0x7800;
	s19 =	sadd.s32 $0x12C000, s13  }
0x2c6: {  	[hbm4b:s19+s4] =	stream.linear.scatter [tilespmem:s20], [sflag:$0x4], $0x800, $0x38;
	[tilespmem:$0xA800] =	vst v63  }
0x2c7: {  	s22 =	simm.s32 $0x8000;
	s21 =	sadd.s32 $0x190000, s13  }
0x2c8: {  	[hbm4b:s21+s4] =	stream.linear.scatter [tilespmem:s22], [sflag:$0x4], $0x800, $0x38;
	[tilespmem:$0xA800] =	vst v63  }
0x2c9: {  	s24 =	simm.s32 $0x8800;
	s23 =	sadd.s32 $0x1F4000, s13  }
0x2ca: {  	[hbm4b:s23+s4] =	stream.linear.scatter [tilespmem:s24], [sflag:$0x4], $0x800, $0x38;
	[tilespmem:$0xA800] =	vst v63  }
0x2cb: {  	s26 =	simm.s32 $0x9000;
	s25 =	sadd.s32 $0x258000, s13  }
0x2cc: {  	[hbm4b:s25+s4] =	stream.linear.scatter [tilespmem:s26], [sflag:$0x4], $0x800, $0x38;
	[tilespmem:$0xA800] =	vst v63  }
.Ltmp6:
0x2cd: {  	_ = 	snop;
	(pc) =	sbr.rel @p0 .LBB2_12-.Ltmp6, $4  }
0x2ce: {  	s29 =	simm.s32 $0x9800;
	s28 =	sadd.s32 $0x2BC000, s13  }
0x2cf: {  	[hbm4b:s28+s4] =	stream.linear.scatter [tilespmem:s29], [sflag:$0x4], $0x800, $0x38;
	[tilespmem:$0xA800] =	vst v63  }
0x2d0: {  	s30 =	simm.s32 $0xA000;
	s0 =	sadd.s32 $0x320000, s13  }
0x2d1: {  	[hbm4b:s0+s4] =	stream.linear.scatter [tilespmem:s30], [sflag:$0x4], $0x800, $0x38;
	[tilespmem:$0xA800] =	vst v63  }
.Ltmp7:
0x2d2: {  	(pc) =	sbr.rel .LBB2_6-.Ltmp7, $4  }
0x2d3: {  	_ = 	snop  }
0x2d4: {  	s0 =	sshll.u32 s7, $0xE;
	s1 =	rddreg [dreg:$0x15]  }
0x2d5: {  	s30 =	simm.s32 $0x1000;
	s7 =	sadd.s32 $0x1, s7;
	s0 =	sadd.s32 s0, s1  }
0x2d6: {  	[tilespmem:s30], [sflag:$0x2] =	stream.linear.gather [hbm4b:s0+s4], $0x800, $0x38;
	[tilespmem:$0xA800] =	vst v63  }
.LBB2_13:
0x2d7: {  	_ =	sfence.sel $0x180000  }
0x2d8: {  	[bflag:$0x0] =	sbarrier.arrive $0xFFFF  }
0x2d9: {  	_ =	strace $0x90000047  }
0x2da: {  	s0 =	stileid.u32;
	[bflag:$0x2] =	sbarrier.arrive $0xFFFF  }
0x2db: {  	p0 =	sne.s32 s0, $0x0;
	s0 =	rddreg [dreg:$0x3]  }
0x2dc: {  	s0 =	sadd.s32 @!p0 $0x100000, s0  }
0x2dd: {  	[sflag:s0] =	ssyncadd.tile.s32 @!p0 $0x1;
	_ =	shalt  }
.Lfunc_end2:
_tile_overlayer_lowered:
.L_overlay_start_2:
0x2de: {  	(tag) =	ssettag $0x2  }
0x2df: {  	s0 =	rddreg [dreg:$0x0];
	s2 =	stileid.u32  }
0x2e0: {  	s1 =	rddreg [dreg:$0x1];
	p0 =	sne.s32 s2, $0x0  }
0x2e1: {  	s3 =	rddreg [dreg:$0x2];
	[bflag:$0x3] =	sbarrier.arrive $0xFFFF;
	s2 =	simm.s32 @!p0 $0x1C05  }
0x2e2: {  	[timem:s3], [sflag:s2] =	dma.local @!p0 [hbm:s0], s1  }
0x2e3: {  	s0 =	simm.s32 @!p0 $0x5  }
0x2e4: {  	_ =	swait.ge @!p0 [sflag:s0], s1  }
0x2e5: {  	s1 =	ssub.s32 @!p0 $0x0, s1;
	[sflag:s0] =	ssyncset.done @!p0 $0x0  }
0x2e6: {  	[sflag:s0] =	ssyncadd.s32 @!p0 s1  }
0x2e7: {  	[bflag:$0x3] =	sbarrier.arrive $0xFFFF  }
0x2e8: {  	_ =	shalt  }

</sc_bundles>
